<compile_context>
chip_gen: v7x
topology: tpu7x:2x2x1
jax: 0.10.2.dev20260603
libtpu: 0.0.44.dev20260713+nightly
codegen_flags: <defaults>
</compile_context>

<pallas_src>
import functools

import jax
import jax.numpy as jnp
from jax import lax
from jax.experimental import pallas as pl
from jax.experimental.pallas import tpu as pltpu
import jax.experimental.pallas.tpu_sc as plsc

_NC = 2
_NS = 16
_NW = _NC * _NS
_L = 16

_H = 128
_DP = 32
_CHUNK = 16

_CODE_SHIFT = 17
_MASK_SHIFT = 18

_KF = 4
_NH = 64
_KP = 4
_PSEC = 128
_WIN = 384



def _sc_logits_kernel(T, D):
    tok_per_w = T // _NW
    n_chunks = tok_per_w // _CHUNK
    rows_per_chunk = _CHUNK * D
    idx_count = tok_per_w * D

    mesh = plsc.VectorSubcoreMesh(
        core_axis_name="c", subcore_axis_name="s",
        num_cores=_NC, num_subcores=_NS)

    @functools.partial(
        pl.kernel,
        out_type=(
            jax.ShapeDtypeStruct((T, _DP), jnp.float32),
            jax.ShapeDtypeStruct((T, _DP), jnp.int32),
        ),
        mesh=mesh,
        compiler_params=pltpu.CompilerParams(needs_layout_passes=False,
                                             use_tc_tiling_on_sc=False),
        scratch_types=[
            pltpu.VMEM((tok_per_w,), jnp.int32),
            pltpu.VMEM((_PSEC, _DP), jnp.int32),
            pltpu.VMEM((idx_count + _L,), jnp.int32),
            pltpu.VMEM((idx_count + (_DP - D + 1) * _L,), jnp.int32),
            pltpu.VMEM((_CHUNK, _H), jnp.float32),
            pltpu.VMEM((2 * _WIN + _NH, _H), jnp.float32),
            pltpu.VMEM((_CHUNK, _DP), jnp.float32),
            pltpu.SMEM((n_chunks,), jnp.int32),
            pltpu.SemaphoreType.DMA,
            pltpu.SemaphoreType.DMA,
            pltpu.SemaphoreType.DMA,
        ],
    )
    def kern(packed_hbm, tgt_hbm, emb_hbm, fc_hbm,
             logits_hbm, prows_hbm,
             tgt_v, prow_v, idx_v, rowno_v, emb_v, rows_v, lg_v, mcnt_s,
             sem, sem0, sem1):
        wid = lax.axis_index("s") * _NC + lax.axis_index("c")
        base = wid * tok_per_w
        lanes = lax.iota(jnp.int32, _L)
        hot_base = fc_hbm.shape[0] - _NH
        hot_slot = 2 * _WIN

        pltpu.sync_copy(tgt_hbm.at[pl.ds(base, tok_per_w)], tgt_v)
        pltpu.sync_copy(fc_hbm.at[pl.ds(hot_base, _NH)],
                        rows_v.at[pl.ds(hot_slot, _NH)])

        idx_maskc = (1 << _CODE_SHIFT) - 1
        psub = _PSEC // _KP

        def init_idx(k, _):
            idx_v[pl.ds(k * _L, _L)] = ((base * _DP + k * _L) + lanes) & 0xFFFF
            return 0

        lax.fori_loop(0, idx_count // _L, init_idx, 0)

        for sec in range(tok_per_w // _PSEC):
            t0 = sec * _PSEC
            pdescs = [
                pltpu.async_copy(
                    packed_hbm.at[tgt_v.at[pl.ds(t0 + j * psub, psub)]],
                    prow_v.at[pl.ds(j * psub, psub)], sem)
                for j in range(_KP)
            ]
            for dsc in pdescs:
                dsc.wait()
            pltpu.sync_copy(prow_v, prows_hbm.at[pl.ds(base + t0, _PSEC)])

            def build_idx(ts, cnt):
                t = t0 + ts
                chunk = t // _CHUNK
                tin = t % _CHUNK
                par = chunk % 2
                rpos_base = chunk * rows_per_chunk + tin
                tv = jnp.full((_L,), ts, jnp.int32)
                for half in range(2):
                    dvec = lanes + half * _L
                    r = plsc.load_gather(prow_v, [tv, dvec])
                    raw = r & idx_maskc
                    live = ((r >> _MASK_SHIFT) & 1) == 1
                    cold = jnp.logical_and(live, raw < hot_base)
                    coldi = cold.astype(jnp.int32)
                    plsc.store_compressed(
                        idx_v.at[pl.ds(chunk * rows_per_chunk + cnt, _L)],
                        raw, mask=cold)
                    prefix = plsc.cumsum(coldi) - coldi
                    rno = jnp.where(
                        cold, par * _WIN + cnt + prefix,
                        jnp.where(live, hot_slot + (raw - hot_base), 0))
                    plsc.store_scatter(rowno_v, [rpos_base + dvec * _L], rno)
                    cnt = cnt + jnp.max(
                        plsc.all_reduce_population_count(cold))
                @pl.when(tin == _CHUNK - 1)
                def _():
                    mcnt_s[chunk] = cnt

                return jnp.where(tin == _CHUNK - 1, 0, cnt)

            lax.fori_loop(0, _PSEC, build_idx, jnp.int32(0))

        sub = _WIN // _KF

        def fire(c, off, sem_b):
            m = mcnt_s[c]
            for j in range(_KF):
                @pl.when(j * sub < m)
                def _():
                    pltpu.async_copy(
                        fc_hbm.at[idx_v.at[pl.ds(c * rows_per_chunk + j * sub,
                                                 sub)]],
                        rows_v.at[pl.ds(off + j * sub, sub)], sem_b)

        def drain(c, off, sem_b):
            m = mcnt_s[c]
            for j in range(_KF):
                @pl.when(j * sub < m)
                def _():
                    pltpu.make_async_copy(
                        fc_hbm.at[idx_v.at[pl.ds(c * rows_per_chunk + j * sub,
                                                 sub)]],
                        rows_v.at[pl.ds(off + j * sub, sub)], sem_b).wait()

        def step(c, par, sem_b, sem_n):
            @pl.when(c + 1 < n_chunks)
            def _():
                fire(c + 1, (1 - par) * _WIN, sem_n)
            drain(c, par * _WIN, sem_b)
            tok0 = c * _CHUNK
            pltpu.sync_copy(emb_hbm.at[pl.ds(base + tok0, _CHUNK)], emb_v)
            rnos = [rowno_v[pl.ds(c * rows_per_chunk + d * _L, _L)]
                    for d in range(D)]

            def do_h(h, accs):
                cv = (lanes + h) & (_H - 1)
                e = plsc.load_gather(emb_v, [lanes, cv])
                new = []
                for d in range(D):
                    w = plsc.load_gather(rows_v, [rnos[d], cv])
                    new.append(accs[d] + w * e)
                return tuple(new)

            zeros = jnp.zeros((_L,), jnp.float32)
            accs = lax.fori_loop(0, _H, do_h, (zeros,) * D)

            for i in range(_CHUNK):
                for j in range(_DP // _L):
                    lg_v[i, pl.ds(j * _L, _L)] = zeros
            for d in range(D):
                plsc.store_scatter(lg_v, [lanes, jnp.full((_L,), d, jnp.int32)],
                                   accs[d])
            pltpu.sync_copy(lg_v, logits_hbm.at[pl.ds(base + tok0, _CHUNK)])

        fire(0, 0, sem0)

        def do_chunk(c, _):
            even = (c % 2) == 0

            @pl.when(even)
            def _():
                step(c, 0, sem0, sem1)

            @pl.when(jnp.logical_not(even))
            def _():
                step(c, 1, sem1, sem0)

            return 0

        lax.fori_loop(0, n_chunks, do_chunk, 0)

    return kern


def _tc_bce_kernel(l_ref, p_ref, s_ref, n_ref):
    logits = l_ref[...]
    p = p_ref[...]
    code = ((p >> _CODE_SHIFT) & 1).astype(jnp.float32)
    m = ((p >> _MASK_SHIFT) & 1).astype(jnp.float32)
    el = (jnp.maximum(logits, 0.0) - logits * code
          + jnp.log1p(jnp.exp(-jnp.abs(logits))))
    s_ref[...] = jnp.sum(el * m).reshape(1, 1)
    n_ref[...] = jnp.sum(m).reshape(1, 1)


def kernel(embedding, target, fc, path_idx, path_codes, path_mask):
    emb = embedding.reshape(-1, embedding.shape[-1])
    tgt = target.reshape(-1).astype(jnp.int32)
    T = emb.shape[0]
    D = path_idx.shape[1]

    packed = (path_idx.astype(jnp.int32)
              | (path_codes.astype(jnp.int32) << _CODE_SHIFT)
              | (path_mask.astype(jnp.int32) << _MASK_SHIFT))
    packed = jnp.pad(packed, ((0, 0), (0, _DP - D)))

    logits, prows = _sc_logits_kernel(T, D)(packed, tgt, emb, fc)

    lr = logits.reshape(T * _DP // _H, _H)
    pr = prows.reshape(T * _DP // _H, _H)
    s, n = pl.pallas_call(
        _tc_bce_kernel,
        out_shape=(jax.ShapeDtypeStruct((1, 1), jnp.float32),
                   jax.ShapeDtypeStruct((1, 1), jnp.float32)),
    )(lr, pr)
    return s[0, 0] / n[0, 0]

# --- scband reference (transcript-rebuilt; emitter-appended) ---
"""Pipeline reference for scband-hierarchical-softmax-91207925498218 (READ-ONLY COPY).

The authoritative reference and input builder live on the scoring server;
editing this copy changes nothing except your own understanding.
"""

import jax, jax.numpy as jnp
import numpy as np
import heapq

VOCAB = 100000
EMBED_DIM = 128

def _build_huffman_paths(counts):
    vocab = len(counts)
    heap = [(int(c), i) for i, c in enumerate(counts)]
    heapq.heapify(heap)
    left = {}
    right = {}
    nxt = vocab
    while len(heap) > 1:
        c1, n1 = heapq.heappop(heap)
        c2, n2 = heapq.heappop(heap)
        left[nxt] = n1
        right[nxt] = n2
        heapq.heappush(heap, (c1 + c2, nxt))
        nxt += 1
    root = heap[0][1]
    paths_idx = [None] * vocab
    paths_code = [None] * vocab
    stack = [(root, [], [])]
    while stack:
        node, idx, code = stack.pop()
        if node < vocab:
            paths_idx[node] = idx
            paths_code[node] = code
        else:
            ni = node - vocab
            stack.append((left[node], idx + [ni], code + [0.0]))
            stack.append((right[node], idx + [ni], code + [1.0]))
    maxd = max(len(p) for p in paths_idx)
    P = np.zeros((vocab, maxd), dtype=np.int32)
    C = np.zeros((vocab, maxd), dtype=np.float32)
    M = np.zeros((vocab, maxd), dtype=np.float32)
    for w in range(vocab):
        L = len(paths_idx[w])
        if L > 0:
            P[w, :L] = paths_idx[w]
            C[w, :L] = paths_code[w]
            M[w, :L] = 1.0
    return P, C, M

def setup_inputs(seed: int = 0) -> dict:
    key = jax.random.key(seed)
    k1, k2, k3 = jax.random.split(key, 3)
    embedding = jax.random.normal(k1, (4, 1, 2048, EMBED_DIM), dtype=jnp.float32)
    target = jax.random.randint(k2, (4, 1, 2048), 0, VOCAB)
    # learned parameter: internal-node weight table, matches nn.Parameter(torch.rand(vocab-1, embed_dim))
    fc = jax.random.uniform(k3, (VOCAB - 1, EMBED_DIM), dtype=jnp.float32)
    # word_counts used at __init__ to build the Huffman tree
    counts = np.random.RandomState(0).randint(1, 1000, size=VOCAB)
    P, C, M = _build_huffman_paths(counts)
    return {
        "embedding": embedding,
        "target": target,
        "fc": fc,
        "path_idx": jnp.asarray(P),
        "path_codes": jnp.asarray(C),
        "path_mask": jnp.asarray(M),
    }

def reference(embedding, target, fc, path_idx, path_codes, path_mask):
    emb = embedding.reshape(-1, embedding.shape[-1])          # [T, H]
    tgt = target.reshape(-1)                                   # [T]
    idx = jnp.take(path_idx, tgt, axis=0)                      # [T, D] internal-node indices (padded)
    codes = jnp.take(path_codes, tgt, axis=0)                  # [T, D] huffman codes (padded)
    mask = jnp.take(path_mask, tgt, axis=0)                    # [T, D] 1 for real ragged path elems
    w = jnp.take(fc, idx, axis=0)                              # [T, D, H] gather internal-node vectors
    logits = jnp.einsum('tdh,th->td', w, emb)                  # per-path-node logits
    # binary_cross_entropy_with_logits, mean over the ragged concatenated elements
    loss_el = jnp.maximum(logits, 0.0) - logits * codes + jnp.log1p(jnp.exp(-jnp.abs(logits)))
    return jnp.sum(loss_el * mask) / jnp.sum(mask)

if __name__ == "__main__":
    import jax
    _d = setup_inputs()
    print(jax.jit(kernel)(*tuple(_d.values())))

</pallas_src>

<mosaic_0001>
#map = affine_map<(d0, d1) -> (0, 0)>
#map1 = affine_map<(d0, d1) -> (0)>
module attributes {stable_mosaic.version = 14 : i64} {
  func.func @kern(%arg0: i32, %arg1: i32, %arg2: memref<100000x32xi32, #tpu.memory_space<hbm>>, %arg3: memref<8192xi32, #tpu.memory_space<hbm>>, %arg4: memref<8192x128xf32, #tpu.memory_space<hbm>>, %arg5: memref<99999x128xf32, #tpu.memory_space<hbm>>, %arg6: memref<8192x32xf32, #tpu.memory_space<hbm>>, %arg7: memref<8192x32xi32, #tpu.memory_space<hbm>>, %arg8: memref<256xi32, #tpu.memory_space<vmem>>, %arg9: memref<128x32xi32, #tpu.memory_space<vmem>>, %arg10: memref<6416xi32, #tpu.memory_space<vmem>>, %arg11: memref<6528xi32, #tpu.memory_space<vmem>>, %arg12: memref<16x128xf32, #tpu.memory_space<vmem>>, %arg13: memref<832x128xf32, #tpu.memory_space<vmem>>, %arg14: memref<16x32xf32, #tpu.memory_space<vmem>>, %arg15: memref<16xi32, #tpu.memory_space<smem>>, %arg16: memref<!tpu.dma_semaphore, #tpu.memory_space<semaphore_mem>>, %arg17: memref<!tpu.dma_semaphore, #tpu.memory_space<semaphore_mem>>, %arg18: memref<!tpu.dma_semaphore, #tpu.memory_space<semaphore_mem>>) attributes {dimension_semantics = [#tpu.dimension_semantics<core_parallel>, #tpu.dimension_semantics<subcore_parallel>], iteration_bounds = array<i64: 2, 16>, scalar_prefetch = 0 : i64, scratch_operands = 11 : i64, tpu.core_type = #tpu.core_type<sc_vector_subcore>, window_params = [{transform_indices = #map}, {transform_indices = #map1}, {transform_indices = #map}, {transform_indices = #map}, {transform_indices = #map}, {transform_indices = #map}]} {
    %mul3A = arith.constant 2 : i32
    %mul3A_0 = arith.muli %arg1, %mul3A : i32
    %add3A = arith.addi %mul3A_0, %arg0 : i32
    %mul3A_1 = arith.constant 256 : i32
    %mul3A_2 = arith.muli %add3A, %mul3A_1 : i32
    %iota3A = tpu.iota {dimensions = array<i32: 0>} : vector<16xi32>
    "tpu.region"() ({
      %run_scoped3A = tpu.sem_alloc : memref<!tpu.dma_semaphore, #tpu.memory_space<semaphore_mem>>
      %dma_start3A_179 = tpu.memref_slice %arg3[%mul3A_2] : memref<8192xi32, #tpu.memory_space<hbm>> -> memref<256xi32, #tpu.memory_space<hbm>>
      %dma_start3A_180 = tpu.memref_slice %arg3[%mul3A_2] : memref<8192xi32, #tpu.memory_space<hbm>> -> memref<256xi32, #tpu.memory_space<hbm>>
      tpu.enqueue_dma source(%dma_start3A_180 : memref<256xi32, #tpu.memory_space<hbm>>) target(%arg8 : memref<256xi32, #tpu.memory_space<vmem>>) target_semaphore(%run_scoped3A : memref<!tpu.dma_semaphore, #tpu.memory_space<semaphore_mem>>)
      %dma_wait3A_181 = tpu.memref_slice %arg3[%mul3A_2] : memref<8192xi32, #tpu.memory_space<hbm>> -> memref<256xi32, #tpu.memory_space<hbm>>
      %dma_wait3A_182 = tpu.memref_slice %arg3[%mul3A_2] : memref<8192xi32, #tpu.memory_space<hbm>> -> memref<256xi32, #tpu.memory_space<hbm>>
      tpu.wait_dma2 semaphore(%run_scoped3A : memref<!tpu.dma_semaphore, #tpu.memory_space<semaphore_mem>>) src(%dma_wait3A_182 : memref<256xi32, #tpu.memory_space<hbm>>) dst(%arg8 : memref<256xi32, #tpu.memory_space<vmem>>)
      tpu.yield
    }) : () -> ()
    "tpu.region"() ({
      %run_scoped3A = tpu.sem_alloc : memref<!tpu.dma_semaphore, #tpu.memory_space<semaphore_mem>>
      %dma_start3A_179 = arith.constant 768 : i32
      %dma_start3A_180 = arith.constant 0 : i32
      %dma_start3A_181 = tpu.memref_slice %arg13[%dma_start3A_179, %dma_start3A_180] : memref<832x128xf32, #tpu.memory_space<vmem>> -> memref<64x128xf32, #tpu.memory_space<vmem>>
      %dma_start3A_182 = arith.constant 99935 : i32
      %dma_start3A_183 = arith.constant 0 : i32
      %dma_start3A_184 = tpu.memref_slice %arg5[%dma_start3A_182, %dma_start3A_183] : memref<99999x128xf32, #tpu.memory_space<hbm>> -> memref<64x128xf32, #tpu.memory_space<hbm>>
      %dma_start3A_185 = arith.constant 768 : i32
      %dma_start3A_186 = arith.constant 0 : i32
      %dma_start3A_187 = tpu.memref_slice %arg13[%dma_start3A_185, %dma_start3A_186] : memref<832x128xf32, #tpu.memory_space<vmem>> -> memref<64x128xf32, #tpu.memory_space<vmem>>
      %dma_start3A_188 = arith.constant 99935 : i32
      %dma_start3A_189 = arith.constant 0 : i32
      %dma_start3A_190 = tpu.memref_slice %arg5[%dma_start3A_188, %dma_start3A_189] : memref<99999x128xf32, #tpu.memory_space<hbm>> -> memref<64x128xf32, #tpu.memory_space<hbm>>
      tpu.enqueue_dma source(%dma_start3A_190 : memref<64x128xf32, #tpu.memory_space<hbm>>) target(%dma_start3A_187 : memref<64x128xf32, #tpu.memory_space<vmem>>) target_semaphore(%run_scoped3A : memref<!tpu.dma_semaphore, #tpu.memory_space<semaphore_mem>>)
      %dma_wait3A_191 = arith.constant 768 : i32
      %dma_wait3A_192 = arith.constant 0 : i32
      %dma_wait3A_193 = tpu.memref_slice %arg13[%dma_wait3A_191, %dma_wait3A_192] : memref<832x128xf32, #tpu.memory_space<vmem>> -> memref<64x128xf32, #tpu.memory_space<vmem>>
      %dma_wait3A_194 = arith.constant 99935 : i32
      %dma_wait3A_195 = arith.constant 0 : i32
      %dma_wait3A_196 = tpu.memref_slice %arg5[%dma_wait3A_194, %dma_wait3A_195] : memref<99999x128xf32, #tpu.memory_space<hbm>> -> memref<64x128xf32, #tpu.memory_space<hbm>>
      %dma_wait3A_197 = arith.constant 768 : i32
      %dma_wait3A_198 = arith.constant 0 : i32
      %dma_wait3A_199 = tpu.memref_slice %arg13[%dma_wait3A_197, %dma_wait3A_198] : memref<832x128xf32, #tpu.memory_space<vmem>> -> memref<64x128xf32, #tpu.memory_space<vmem>>
      %dma_wait3A_200 = arith.constant 99935 : i32
      %dma_wait3A_201 = arith.constant 0 : i32
      %dma_wait3A_202 = tpu.memref_slice %arg5[%dma_wait3A_200, %dma_wait3A_201] : memref<99999x128xf32, #tpu.memory_space<hbm>> -> memref<64x128xf32, #tpu.memory_space<hbm>>
      tpu.wait_dma2 semaphore(%run_scoped3A : memref<!tpu.dma_semaphore, #tpu.memory_space<semaphore_mem>>) src(%dma_wait3A_202 : memref<64x128xf32, #tpu.memory_space<hbm>>) dst(%dma_wait3A_199 : memref<64x128xf32, #tpu.memory_space<vmem>>)
      tpu.yield
    }) : () -> ()
    %scan3A = arith.constant 0 : i32
    %scan3A_3 = arith.constant 0 : i32
    %scan3A_4 = arith.constant 400 : i32
    %scan3A_5 = arith.addi %scan3A_3, %scan3A_4 : i32
    %scan3A_6 = arith.constant 1 : i32
    %scan3A_7 = scf.for %scan3A_179 = %scan3A_3 to %scan3A_5 step %scan3A_6 iter_args(%scan3A_180 = %scan3A) -> (i32)  : i32 {
      %mul3A_181 = arith.constant 32 : i32
      %mul3A_182 = arith.muli %mul3A_2, %mul3A_181 : i32
      %mul3A_183 = arith.constant 16 : i32
      %mul3A_184 = arith.muli %scan3A_179, %mul3A_183 : i32
      %add3A_185 = arith.addi %mul3A_182, %mul3A_184 : i32
      %add3A_186 = vector.broadcast %add3A_185 : i32 to vector<16xi32>
      %add3A_187 = arith.addi %add3A_186, %iota3A : vector<16xi32>
      %and3A = arith.constant 65535 : i32
      %and3A_188 = vector.broadcast %and3A : i32 to vector<16xi32>
      %and3A_189 = arith.andi %add3A_187, %and3A_188 : vector<16xi32>
      %mul3A_190 = arith.constant 16 : i32
      %mul3A_191 = arith.muli %scan3A_179, %mul3A_190 : i32
      %swap3A = arith.index_cast %mul3A_191 : i32 to index
      %swap3A_192 = tpu.vector_load %arg10[%swap3A] {strides = array<i32>} : memref<6416xi32, #tpu.memory_space<vmem>>, vector<16xi32>,
      tpu.vector_store %arg10[%swap3A], %and3A_189 {strides = array<i32>} : memref<6416xi32, #tpu.memory_space<vmem>>, vector<16xi32>,
      %scan3A_193 = arith.constant 0 : i32
      scf.yield %scan3A_193 : i32
    }
    %scan3A_8 = arith.constant 400 : i32
    %dma_start3A = arith.constant 0 : i32
    %dma_start3A_9 = arith.constant 0 : i32
    %dma_start3A_10 = tpu.memref_slice %arg9[%dma_start3A, %dma_start3A_9] : memref<128x32xi32, #tpu.memory_space<vmem>> -> memref<32x32xi32, #tpu.memory_space<vmem>>
    %dma_start3A_11 = arith.constant 0 : i32
    %dma_start3A_12 = tpu.memref_slice %arg8[%dma_start3A_11] : memref<256xi32, #tpu.memory_space<vmem>> -> memref<32xi32, #tpu.memory_space<vmem>>
    %dma_start3A_13 = arith.constant 0 : i32
    %dma_start3A_14 = arith.constant 0 : i32
    %dma_start3A_15 = tpu.memref_slice %arg2[%dma_start3A_13, %dma_start3A_14] : memref<100000x32xi32, #tpu.memory_space<hbm>> -> memref<100000x32xi32, #tpu.memory_space<hbm>>
    tpu.enqueue_indirect_dma source(%dma_start3A_15 : memref<100000x32xi32, #tpu.memory_space<hbm>>) target(%dma_start3A_10 : memref<32x32xi32, #tpu.memory_space<vmem>>) offsets(%dma_start3A_12 : memref<32xi32, #tpu.memory_space<vmem>>) semaphore(%arg16 : memref<!tpu.dma_semaphore, #tpu.memory_space<semaphore_mem>>)
    %dma_start3A_16 = arith.constant 32 : i32
    %dma_start3A_17 = arith.constant 0 : i32
    %dma_start3A_18 = tpu.memref_slice %arg9[%dma_start3A_16, %dma_start3A_17] : memref<128x32xi32, #tpu.memory_space<vmem>> -> memref<32x32xi32, #tpu.memory_space<vmem>>
    %dma_start3A_19 = arith.constant 32 : i32
    %dma_start3A_20 = tpu.memref_slice %arg8[%dma_start3A_19] : memref<256xi32, #tpu.memory_space<vmem>> -> memref<32xi32, #tpu.memory_space<vmem>>
    %dma_start3A_21 = arith.constant 0 : i32
    %dma_start3A_22 = arith.constant 0 : i32
    %dma_start3A_23 = tpu.memref_slice %arg2[%dma_start3A_21, %dma_start3A_22] : memref<100000x32xi32, #tpu.memory_space<hbm>> -> memref<100000x32xi32, #tpu.memory_space<hbm>>
    tpu.enqueue_indirect_dma source(%dma_start3A_23 : memref<100000x32xi32, #tpu.memory_space<hbm>>) target(%dma_start3A_18 : memref<32x32xi32, #tpu.memory_space<vmem>>) offsets(%dma_start3A_20 : memref<32xi32, #tpu.memory_space<vmem>>) semaphore(%arg16 : memref<!tpu.dma_semaphore, #tpu.memory_space<semaphore_mem>>)
    %dma_start3A_24 = arith.constant 64 : i32
    %dma_start3A_25 = arith.constant 0 : i32
    %dma_start3A_26 = tpu.memref_slice %arg9[%dma_start3A_24, %dma_start3A_25] : memref<128x32xi32, #tpu.memory_space<vmem>> -> memref<32x32xi32, #tpu.memory_space<vmem>>
    %dma_start3A_27 = arith.constant 64 : i32
    %dma_start3A_28 = tpu.memref_slice %arg8[%dma_start3A_27] : memref<256xi32, #tpu.memory_space<vmem>> -> memref<32xi32, #tpu.memory_space<vmem>>
    %dma_start3A_29 = arith.constant 0 : i32
    %dma_start3A_30 = arith.constant 0 : i32
    %dma_start3A_31 = tpu.memref_slice %arg2[%dma_start3A_29, %dma_start3A_30] : memref<100000x32xi32, #tpu.memory_space<hbm>> -> memref<100000x32xi32, #tpu.memory_space<hbm>>
    tpu.enqueue_indirect_dma source(%dma_start3A_31 : memref<100000x32xi32, #tpu.memory_space<hbm>>) target(%dma_start3A_26 : memref<32x32xi32, #tpu.memory_space<vmem>>) offsets(%dma_start3A_28 : memref<32xi32, #tpu.memory_space<vmem>>) semaphore(%arg16 : memref<!tpu.dma_semaphore, #tpu.memory_space<semaphore_mem>>)
    %dma_start3A_32 = arith.constant 96 : i32
    %dma_start3A_33 = arith.constant 0 : i32
    %dma_start3A_34 = tpu.memref_slice %arg9[%dma_start3A_32, %dma_start3A_33] : memref<128x32xi32, #tpu.memory_space<vmem>> -> memref<32x32xi32, #tpu.memory_space<vmem>>
    %dma_start3A_35 = arith.constant 96 : i32
    %dma_start3A_36 = tpu.memref_slice %arg8[%dma_start3A_35] : memref<256xi32, #tpu.memory_space<vmem>> -> memref<32xi32, #tpu.memory_space<vmem>>
    %dma_start3A_37 = arith.constant 0 : i32
    %dma_start3A_38 = arith.constant 0 : i32
    %dma_start3A_39 = tpu.memref_slice %arg2[%dma_start3A_37, %dma_start3A_38] : memref<100000x32xi32, #tpu.memory_space<hbm>> -> memref<100000x32xi32, #tpu.memory_space<hbm>>
    tpu.enqueue_indirect_dma source(%dma_start3A_39 : memref<100000x32xi32, #tpu.memory_space<hbm>>) target(%dma_start3A_34 : memref<32x32xi32, #tpu.memory_space<vmem>>) offsets(%dma_start3A_36 : memref<32xi32, #tpu.memory_space<vmem>>) semaphore(%arg16 : memref<!tpu.dma_semaphore, #tpu.memory_space<semaphore_mem>>)
    %dma_wait3A = arith.constant 0 : i32
    %dma_wait3A_40 = arith.constant 0 : i32
    %dma_wait3A_41 = tpu.memref_slice %arg9[%dma_wait3A, %dma_wait3A_40] : memref<128x32xi32, #tpu.memory_space<vmem>> -> memref<32x32xi32, #tpu.memory_space<vmem>>
    %dma_wait3A_42 = arith.constant 0 : i32
    %dma_wait3A_43 = tpu.memref_slice %arg8[%dma_wait3A_42] : memref<256xi32, #tpu.memory_space<vmem>> -> memref<32xi32, #tpu.memory_space<vmem>>
    %dma_wait3A_44 = arith.constant 0 : i32
    %dma_wait3A_45 = arith.constant 0 : i32
    %dma_wait3A_46 = tpu.memref_slice %arg2[%dma_wait3A_44, %dma_wait3A_45] : memref<100000x32xi32, #tpu.memory_space<hbm>> -> memref<100000x32xi32, #tpu.memory_space<hbm>>
    tpu.wait_indirect_dma semaphore(%arg16 : memref<!tpu.dma_semaphore, #tpu.memory_space<semaphore_mem>>) src(%dma_wait3A_46 : memref<100000x32xi32, #tpu.memory_space<hbm>>) dst(%dma_wait3A_41 : memref<32x32xi32, #tpu.memory_space<vmem>>)
    %dma_wait3A_47 = arith.constant 32 : i32
    %dma_wait3A_48 = arith.constant 0 : i32
    %dma_wait3A_49 = tpu.memref_slice %arg9[%dma_wait3A_47, %dma_wait3A_48] : memref<128x32xi32, #tpu.memory_space<vmem>> -> memref<32x32xi32, #tpu.memory_space<vmem>>
    %dma_wait3A_50 = arith.constant 32 : i32
    %dma_wait3A_51 = tpu.memref_slice %arg8[%dma_wait3A_50] : memref<256xi32, #tpu.memory_space<vmem>> -> memref<32xi32, #tpu.memory_space<vmem>>
    %dma_wait3A_52 = arith.constant 0 : i32
    %dma_wait3A_53 = arith.constant 0 : i32
    %dma_wait3A_54 = tpu.memref_slice %arg2[%dma_wait3A_52, %dma_wait3A_53] : memref<100000x32xi32, #tpu.memory_space<hbm>> -> memref<100000x32xi32, #tpu.memory_space<hbm>>
    tpu.wait_indirect_dma semaphore(%arg16 : memref<!tpu.dma_semaphore, #tpu.memory_space<semaphore_mem>>) src(%dma_wait3A_54 : memref<100000x32xi32, #tpu.memory_space<hbm>>) dst(%dma_wait3A_49 : memref<32x32xi32, #tpu.memory_space<vmem>>)
    %dma_wait3A_55 = arith.constant 64 : i32
    %dma_wait3A_56 = arith.constant 0 : i32
    %dma_wait3A_57 = tpu.memref_slice %arg9[%dma_wait3A_55, %dma_wait3A_56] : memref<128x32xi32, #tpu.memory_space<vmem>> -> memref<32x32xi32, #tpu.memory_space<vmem>>
    %dma_wait3A_58 = arith.constant 64 : i32
    %dma_wait3A_59 = tpu.memref_slice %arg8[%dma_wait3A_58] : memref<256xi32, #tpu.memory_space<vmem>> -> memref<32xi32, #tpu.memory_space<vmem>>
    %dma_wait3A_60 = arith.constant 0 : i32
    %dma_wait3A_61 = arith.constant 0 : i32
    %dma_wait3A_62 = tpu.memref_slice %arg2[%dma_wait3A_60, %dma_wait3A_61] : memref<100000x32xi32, #tpu.memory_space<hbm>> -> memref<100000x32xi32, #tpu.memory_space<hbm>>
    tpu.wait_indirect_dma semaphore(%arg16 : memref<!tpu.dma_semaphore, #tpu.memory_space<semaphore_mem>>) src(%dma_wait3A_62 : memref<100000x32xi32, #tpu.memory_space<hbm>>) dst(%dma_wait3A_57 : memref<32x32xi32, #tpu.memory_space<vmem>>)
    %dma_wait3A_63 = arith.constant 96 : i32
    %dma_wait3A_64 = arith.constant 0 : i32
    %dma_wait3A_65 = tpu.memref_slice %arg9[%dma_wait3A_63, %dma_wait3A_64] : memref<128x32xi32, #tpu.memory_space<vmem>> -> memref<32x32xi32, #tpu.memory_space<vmem>>
    %dma_wait3A_66 = arith.constant 96 : i32
    %dma_wait3A_67 = tpu.memref_slice %arg8[%dma_wait3A_66] : memref<256xi32, #tpu.memory_space<vmem>> -> memref<32xi32, #tpu.memory_space<vmem>>
    %dma_wait3A_68 = arith.constant 0 : i32
    %dma_wait3A_69 = arith.constant 0 : i32
    %dma_wait3A_70 = tpu.memref_slice %arg2[%dma_wait3A_68, %dma_wait3A_69] : memref<100000x32xi32, #tpu.memory_space<hbm>> -> memref<100000x32xi32, #tpu.memory_space<hbm>>
    tpu.wait_indirect_dma semaphore(%arg16 : memref<!tpu.dma_semaphore, #tpu.memory_space<semaphore_mem>>) src(%dma_wait3A_70 : memref<100000x32xi32, #tpu.memory_space<hbm>>) dst(%dma_wait3A_65 : memref<32x32xi32, #tpu.memory_space<vmem>>)
    %add3A_71 = arith.constant 0 : i32
    %add3A_72 = arith.addi %mul3A_2, %add3A_71 : i32
    "tpu.region"() ({
      %run_scoped3A = tpu.sem_alloc : memref<!tpu.dma_semaphore, #tpu.memory_space<semaphore_mem>>
      %dma_start3A_179 = arith.constant 0 : i32
      %dma_start3A_180 = tpu.memref_slice %arg7[%add3A_72, %dma_start3A_179] : memref<8192x32xi32, #tpu.memory_space<hbm>> -> memref<128x32xi32, #tpu.memory_space<hbm>>
      %dma_start3A_181 = arith.constant 0 : i32
      %dma_start3A_182 = tpu.memref_slice %arg7[%add3A_72, %dma_start3A_181] : memref<8192x32xi32, #tpu.memory_space<hbm>> -> memref<128x32xi32, #tpu.memory_space<hbm>>
      tpu.enqueue_dma source(%arg9 : memref<128x32xi32, #tpu.memory_space<vmem>>) target(%dma_start3A_182 : memref<128x32xi32, #tpu.memory_space<hbm>>) target_semaphore(%run_scoped3A : memref<!tpu.dma_semaphore, #tpu.memory_space<semaphore_mem>>)
      %dma_wait3A_183 = arith.constant 0 : i32
      %dma_wait3A_184 = tpu.memref_slice %arg7[%add3A_72, %dma_wait3A_183] : memref<8192x32xi32, #tpu.memory_space<hbm>> -> memref<128x32xi32, #tpu.memory_space<hbm>>
      %dma_wait3A_185 = arith.constant 0 : i32
      %dma_wait3A_186 = tpu.memref_slice %arg7[%add3A_72, %dma_wait3A_185] : memref<8192x32xi32, #tpu.memory_space<hbm>> -> memref<128x32xi32, #tpu.memory_space<hbm>>
      tpu.wait_dma2 semaphore(%run_scoped3A : memref<!tpu.dma_semaphore, #tpu.memory_space<semaphore_mem>>) src(%arg9 : memref<128x32xi32, #tpu.memory_space<vmem>>) dst(%dma_wait3A_186 : memref<128x32xi32, #tpu.memory_space<hbm>>)
      tpu.yield
    }) : () -> ()
    %scan3A_73 = arith.constant 0 : i32
    %scan3A_74 = arith.constant 0 : i32
    %scan3A_75 = arith.constant 128 : i32
    %scan3A_76 = arith.addi %scan3A_74, %scan3A_75 : i32
    %scan3A_77 = arith.constant 1 : i32
    %scan3A_78 = scf.for %scan3A_179 = %scan3A_74 to %scan3A_76 step %scan3A_77 iter_args(%scan3A_180 = %scan3A_73) -> (i32)  : i32 {
      %add3A_181 = arith.constant 0 : i32
      %add3A_182 = arith.addi %add3A_181, %scan3A_179 : i32
      %jit3A = arith.constant 16 : i32
      %div3A = arith.divsi %add3A_182, %jit3A : i32
      %sign3A = arith.constant 0 : i32
      %sign3A_183 = arith.cmpi sgt, %add3A_182, %sign3A : i32
      %sign3A_184 = arith.extui %sign3A_183 : i1 to i32
      %sign3A_185 = arith.constant 0 : i32
      %sign3A_186 = arith.cmpi slt, %add3A_182, %sign3A_185 : i32
      %sign3A_187 = arith.extui %sign3A_186 : i1 to i32
      %sign3A_188 = arith.subi %sign3A_184, %sign3A_187 : i32
      %sign3A_189 = arith.constant 0 : i32
      %sign3A_190 = arith.cmpi sgt, %jit3A, %sign3A_189 : i32
      %sign3A_191 = arith.extui %sign3A_190 : i1 to i32
      %sign3A_192 = arith.constant 0 : i32
      %sign3A_193 = arith.cmpi slt, %jit3A, %sign3A_192 : i32
      %sign3A_194 = arith.extui %sign3A_193 : i1 to i32
      %sign3A_195 = arith.subi %sign3A_191, %sign3A_194 : i32
      %ne3A = arith.cmpi ne, %sign3A_188, %sign3A_195 : i32
      %rem3A = arith.remsi %add3A_182, %jit3A : i32
      %ne3A_196 = arith.constant 0 : i32
      %ne3A_197 = arith.cmpi ne, %rem3A, %ne3A_196 : i32
      %and3A = arith.andi %ne3A, %ne3A_197 : i1
      %sub3A = arith.constant 1 : i32
      %sub3A_198 = arith.subi %div3A, %sub3A : i32
      %select_n3A = arith.select %and3A, %sub3A_198, %div3A : i32
      %jit3A_199 = arith.constant 16 : i32
      %eq3A = arith.constant 0 : i32
      %eq3A_200 = arith.cmpi eq, %jit3A_199, %eq3A : i32
      %jit3A_201 = arith.constant 1 : i32
      %select_n3A_202 = arith.select %eq3A_200, %jit3A_201, %jit3A_199 : i32
      %rem3A_203 = arith.remsi %add3A_182, %select_n3A_202 : i32
      %ne3A_204 = arith.constant 0 : i32
      %ne3A_205 = arith.cmpi ne, %rem3A_203, %ne3A_204 : i32
      %lt3A = arith.constant 0 : i32
      %lt3A_206 = arith.cmpi slt, %rem3A_203, %lt3A : i32
      %lt3A_207 = arith.constant 0 : i32
      %lt3A_208 = arith.cmpi slt, %select_n3A_202, %lt3A_207 : i32
      %ne3A_209 = arith.xori %lt3A_206, %lt3A_208 : i1
      %and3A_210 = arith.andi %ne3A_209, %ne3A_205 : i1
      %add3A_211 = arith.addi %rem3A_203, %select_n3A_202 : i32
      %select_n3A_212 = arith.select %and3A_210, %add3A_211, %rem3A_203 : i32
      %jit3A_213 = arith.constant 2 : i32
      %eq3A_214 = arith.constant 0 : i32
      %eq3A_215 = arith.cmpi eq, %jit3A_213, %eq3A_214 : i32
      %jit3A_216 = arith.constant 1 : i32
      %select_n3A_217 = arith.select %eq3A_215, %jit3A_216, %jit3A_213 : i32
      %rem3A_218 = arith.remsi %select_n3A, %select_n3A_217 : i32
      %ne3A_219 = arith.constant 0 : i32
      %ne3A_220 = arith.cmpi ne, %rem3A_218, %ne3A_219 : i32
      %lt3A_221 = arith.constant 0 : i32
      %lt3A_222 = arith.cmpi slt, %rem3A_218, %lt3A_221 : i32
      %lt3A_223 = arith.constant 0 : i32
      %lt3A_224 = arith.cmpi slt, %select_n3A_217, %lt3A_223 : i32
      %ne3A_225 = arith.xori %lt3A_222, %lt3A_224 : i1
      %and3A_226 = arith.andi %ne3A_225, %ne3A_220 : i1
      %add3A_227 = arith.addi %rem3A_218, %select_n3A_217 : i32
      %select_n3A_228 = arith.select %and3A_226, %add3A_227, %rem3A_218 : i32
      %mul3A_229 = arith.constant 400 : i32
      %mul3A_230 = arith.muli %select_n3A, %mul3A_229 : i32
      %add3A_231 = arith.addi %mul3A_230, %select_n3A_212 : i32
      %broadcast_in_dim3A = vector.broadcast %scan3A_179 : i32 to vector<16xi32>
      %add3A_232 = arith.constant 0 : i32
      %add3A_233 = vector.broadcast %add3A_232 : i32 to vector<16xi32>
      %add3A_234 = arith.addi %iota3A, %add3A_233 : vector<16xi32>
      %gather3A = tpu.vector_load_idx %arg9[%broadcast_in_dim3A, %add3A_234] : memref<128x32xi32, #tpu.memory_space<vmem>>[vector<16xi32>, vector<16xi32>], vector<16xi32>,
      %and3A_235 = arith.constant 131071 : i32
      %and3A_236 = vector.broadcast %and3A_235 : i32 to vector<16xi32>
      %and3A_237 = arith.andi %gather3A, %and3A_236 : vector<16xi32>
      %shift_right_arithmetic3A = arith.constant 18 : i32
      %shift_right_arithmetic3A_238 = vector.broadcast %shift_right_arithmetic3A : i32 to vector<16xi32>
      %shift_right_arithmetic3A_239 = arith.shrsi %gather3A, %shift_right_arithmetic3A_238 : vector<16xi32>
      %and3A_240 = arith.constant 1 : i32
      %and3A_241 = vector.broadcast %and3A_240 : i32 to vector<16xi32>
      %and3A_242 = arith.andi %shift_right_arithmetic3A_239, %and3A_241 : vector<16xi32>
      %eq3A_243 = arith.constant 1 : i32
      %eq3A_244 = vector.broadcast %eq3A_243 : i32 to vector<16xi32>
      %eq3A_245 = arith.cmpi eq, %and3A_242, %eq3A_244 : vector<16xi32>
      %lt3A_246 = arith.constant 99935 : i32
      %lt3A_247 = vector.broadcast %lt3A_246 : i32 to vector<16xi32>
      %lt3A_248 = arith.cmpi slt, %and3A_237, %lt3A_247 : vector<16xi32>
      %and3A_249 = arith.andi %eq3A_245, %lt3A_248 : vector<16xi1>
      %convert_element_type3A_250 = arith.extui %and3A_249 : vector<16xi1> to vector<16xi32>
      %mul3A_251 = arith.constant 400 : i32
      %mul3A_252 = arith.muli %select_n3A, %mul3A_251 : i32
      %add3A_253 = arith.addi %mul3A_252, %scan3A_180 : i32
      %swap3A = arith.index_cast %add3A_253 : i32 to index
      %swap3A_254 = tpu.vector_load %arg10[%swap3A] masked %and3A_249 {strides = array<i32>} : memref<6416xi32, #tpu.memory_space<vmem>>, vector<16xi32>, vector<16xi1>
      tpu.vector_store %arg10[%swap3A], %and3A_237 masked %and3A_249 {strides = array<i32>} : memref<6416xi32, #tpu.memory_space<vmem>>, vector<16xi32>, vector<16xi1>
      %broadcast_in_dim3A_255 = arith.constant true
      %broadcast_in_dim3A_256 = vector.broadcast %broadcast_in_dim3A_255 : i1 to vector<16xi1>
      %masked_cumsum3A = tpu.scan <sum>, %convert_element_type3A_250 masked %broadcast_in_dim3A_256 : vector<16xi32>, vector<16xi1> -> vector<16xi32>
      %sub3A_257 = arith.subi %masked_cumsum3A, %convert_element_type3A_250 : vector<16xi32>
      %mul3A_258 = arith.constant 384 : i32
      %mul3A_259 = arith.muli %select_n3A_228, %mul3A_258 : i32
      %add3A_260 = arith.addi %mul3A_259, %scan3A_180 : i32
      %add3A_261 = vector.broadcast %add3A_260 : i32 to vector<16xi32>
      %add3A_262 = arith.addi %add3A_261, %sub3A_257 : vector<16xi32>
      %sub3A_263 = arith.constant 99935 : i32
      %sub3A_264 = vector.broadcast %sub3A_263 : i32 to vector<16xi32>
      %sub3A_265 = arith.subi %and3A_237, %sub3A_264 : vector<16xi32>
      %add3A_266 = arith.constant 768 : i32
      %add3A_267 = vector.broadcast %add3A_266 : i32 to vector<16xi32>
      %add3A_268 = arith.addi %add3A_267, %sub3A_265 : vector<16xi32>
      %jit3A_269 = arith.constant 0 : i32
      %broadcast_in_dim3A_270 = vector.broadcast %jit3A_269 : i32 to vector<16xi32>
      %select_n3A_271 = arith.select %eq3A_245, %add3A_268, %broadcast_in_dim3A_270 : vector<16xi1>, vector<16xi32>
      %select_n3A_272 = arith.select %and3A_249, %add3A_262, %select_n3A_271 : vector<16xi1>, vector<16xi32>
      %mul3A_273 = arith.constant 16 : i32
      %mul3A_274 = vector.broadcast %mul3A_273 : i32 to vector<16xi32>
      %mul3A_275 = arith.muli %add3A_234, %mul3A_274 : vector<16xi32>
      %add3A_276 = vector.broadcast %add3A_231 : i32 to vector<16xi32>
      %add3A_277 = arith.addi %add3A_276, %mul3A_275 : vector<16xi32>
      tpu.vector_store_idx %arg11[%add3A_277], %select_n3A_272 : memref<6528xi32, #tpu.memory_space<vmem>>[vector<16xi32>], vector<16xi32>,
      %all_reduce_population_count3A = tpu.all_reduce %and3A_249 {dim = 0 : i64, kind = #tpu.reduction_kind<sum>} : vector<16xi1> -> vector<16xi32>
      %reduce_max3A = arith.constant true
      %reduce_max3A_278 = vector.broadcast %reduce_max3A : i1 to vector<16xi1>
      %reduce_max3A_279 = arith.constant -2147483648 : i32
      %reduce_max3A_280 = vector.broadcast %reduce_max3A_279 : i32 to vector<16xi32>
      %reduce_max3A_281 = arith.xori %all_reduce_population_count3A, %reduce_max3A_280 : vector<16xi32>
      %reduce_max3A_282 = tpu.scan <max>, %reduce_max3A_281 masked %reduce_max3A_278 : vector<16xi32>, vector<16xi1> -> vector<16xi32>
      %reduce_max3A_283 = arith.xori %reduce_max3A_282, %reduce_max3A_280 : vector<16xi32>
      %reduce_max3A_284 = vector.extract %reduce_max3A_283[15] : i32 from vector<16xi32>
      %add3A_285 = arith.addi %scan3A_180, %reduce_max3A_284 : i32
      %add3A_286 = arith.constant 16 : i32
      %add3A_287 = vector.broadcast %add3A_286 : i32 to vector<16xi32>
      %add3A_288 = arith.addi %iota3A, %add3A_287 : vector<16xi32>
      %gather3A_289 = tpu.vector_load_idx %arg9[%broadcast_in_dim3A, %add3A_288] : memref<128x32xi32, #tpu.memory_space<vmem>>[vector<16xi32>, vector<16xi32>], vector<16xi32>,
      %and3A_290 = arith.constant 131071 : i32
      %and3A_291 = vector.broadcast %and3A_290 : i32 to vector<16xi32>
      %and3A_292 = arith.andi %gather3A_289, %and3A_291 : vector<16xi32>
      %shift_right_arithmetic3A_293 = arith.constant 18 : i32
      %shift_right_arithmetic3A_294 = vector.broadcast %shift_right_arithmetic3A_293 : i32 to vector<16xi32>
      %shift_right_arithmetic3A_295 = arith.shrsi %gather3A_289, %shift_right_arithmetic3A_294 : vector<16xi32>
      %and3A_296 = arith.constant 1 : i32
      %and3A_297 = vector.broadcast %and3A_296 : i32 to vector<16xi32>
      %and3A_298 = arith.andi %shift_right_arithmetic3A_295, %and3A_297 : vector<16xi32>
      %eq3A_299 = arith.constant 1 : i32
      %eq3A_300 = vector.broadcast %eq3A_299 : i32 to vector<16xi32>
      %eq3A_301 = arith.cmpi eq, %and3A_298, %eq3A_300 : vector<16xi32>
      %lt3A_302 = arith.constant 99935 : i32
      %lt3A_303 = vector.broadcast %lt3A_302 : i32 to vector<16xi32>
      %lt3A_304 = arith.cmpi slt, %and3A_292, %lt3A_303 : vector<16xi32>
      %and3A_305 = arith.andi %eq3A_301, %lt3A_304 : vector<16xi1>
      %convert_element_type3A_306 = arith.extui %and3A_305 : vector<16xi1> to vector<16xi32>
      %mul3A_307 = arith.constant 400 : i32
      %mul3A_308 = arith.muli %select_n3A, %mul3A_307 : i32
      %add3A_309 = arith.addi %mul3A_308, %add3A_285 : i32
      %swap3A_310 = arith.index_cast %add3A_309 : i32 to index
      %swap3A_311 = tpu.vector_load %arg10[%swap3A_310] masked %and3A_305 {strides = array<i32>} : memref<6416xi32, #tpu.memory_space<vmem>>, vector<16xi32>, vector<16xi1>
      tpu.vector_store %arg10[%swap3A_310], %and3A_292 masked %and3A_305 {strides = array<i32>} : memref<6416xi32, #tpu.memory_space<vmem>>, vector<16xi32>, vector<16xi1>
      %broadcast_in_dim3A_312 = arith.constant true
      %broadcast_in_dim3A_313 = vector.broadcast %broadcast_in_dim3A_312 : i1 to vector<16xi1>
      %masked_cumsum3A_314 = tpu.scan <sum>, %convert_element_type3A_306 masked %broadcast_in_dim3A_313 : vector<16xi32>, vector<16xi1> -> vector<16xi32>
      %sub3A_315 = arith.subi %masked_cumsum3A_314, %convert_element_type3A_306 : vector<16xi32>
      %mul3A_316 = arith.constant 384 : i32
      %mul3A_317 = arith.muli %select_n3A_228, %mul3A_316 : i32
      %add3A_318 = arith.addi %mul3A_317, %add3A_285 : i32
      %add3A_319 = vector.broadcast %add3A_318 : i32 to vector<16xi32>
      %add3A_320 = arith.addi %add3A_319, %sub3A_315 : vector<16xi32>
      %sub3A_321 = arith.constant 99935 : i32
      %sub3A_322 = vector.broadcast %sub3A_321 : i32 to vector<16xi32>
      %sub3A_323 = arith.subi %and3A_292, %sub3A_322 : vector<16xi32>
      %add3A_324 = arith.constant 768 : i32
      %add3A_325 = vector.broadcast %add3A_324 : i32 to vector<16xi32>
      %add3A_326 = arith.addi %add3A_325, %sub3A_323 : vector<16xi32>
      %jit3A_327 = arith.constant 0 : i32
      %broadcast_in_dim3A_328 = vector.broadcast %jit3A_327 : i32 to vector<16xi32>
      %select_n3A_329 = arith.select %eq3A_301, %add3A_326, %broadcast_in_dim3A_328 : vector<16xi1>, vector<16xi32>
      %select_n3A_330 = arith.select %and3A_305, %add3A_320, %select_n3A_329 : vector<16xi1>, vector<16xi32>
      %mul3A_331 = arith.constant 16 : i32
      %mul3A_332 = vector.broadcast %mul3A_331 : i32 to vector<16xi32>
      %mul3A_333 = arith.muli %add3A_288, %mul3A_332 : vector<16xi32>
      %add3A_334 = vector.broadcast %add3A_231 : i32 to vector<16xi32>
      %add3A_335 = arith.addi %add3A_334, %mul3A_333 : vector<16xi32>
      tpu.vector_store_idx %arg11[%add3A_335], %select_n3A_330 : memref<6528xi32, #tpu.memory_space<vmem>>[vector<16xi32>], vector<16xi32>,
      %all_reduce_population_count3A_336 = tpu.all_reduce %and3A_305 {dim = 0 : i64, kind = #tpu.reduction_kind<sum>} : vector<16xi1> -> vector<16xi32>
      %reduce_max3A_337 = arith.constant true
      %reduce_max3A_338 = vector.broadcast %reduce_max3A_337 : i1 to vector<16xi1>
      %reduce_max3A_339 = arith.constant -2147483648 : i32
      %reduce_max3A_340 = vector.broadcast %reduce_max3A_339 : i32 to vector<16xi32>
      %reduce_max3A_341 = arith.xori %all_reduce_population_count3A_336, %reduce_max3A_340 : vector<16xi32>
      %reduce_max3A_342 = tpu.scan <max>, %reduce_max3A_341 masked %reduce_max3A_338 : vector<16xi32>, vector<16xi1> -> vector<16xi32>
      %reduce_max3A_343 = arith.xori %reduce_max3A_342, %reduce_max3A_340 : vector<16xi32>
      %reduce_max3A_344 = vector.extract %reduce_max3A_343[15] : i32 from vector<16xi32>
      %add3A_345 = arith.addi %add3A_285, %reduce_max3A_344 : i32
      %eq3A_346 = arith.constant 15 : i32
      %eq3A_347 = arith.cmpi eq, %select_n3A_212, %eq3A_346 : i32
      %convert_element_type3A_348 = arith.extui %eq3A_347 : i1 to i32
      %cond3A_349 = arith.constant 0 : i32
      %cond3A_350 = arith.cmpi ne, %convert_element_type3A_348, %cond3A_349 : i32
      scf.if %cond3A_350 {
        %swap3A_355 = arith.index_cast %select_n3A : i32 to index
        %swap3A_356 = memref.load %arg15[%swap3A_355] : memref<16xi32, #tpu.memory_space<smem>>
        memref.store %add3A_345, %arg15[%swap3A_355] : memref<16xi32, #tpu.memory_space<smem>>
      } else {
      }
      %eq3A_351 = arith.constant 15 : i32
      %eq3A_352 = arith.cmpi eq, %select_n3A_212, %eq3A_351 : i32
      %jit3A_353 = arith.constant 0 : i32
      %select_n3A_354 = arith.select %eq3A_352, %jit3A_353, %add3A_345 : i32
      scf.yield %select_n3A_354 : i32
    }
    %scan3A_79 = arith.constant 128 : i32
    %dma_start3A_80 = arith.constant 0 : i32
    %dma_start3A_81 = arith.constant 0 : i32
    %dma_start3A_82 = tpu.memref_slice %arg9[%dma_start3A_80, %dma_start3A_81] : memref<128x32xi32, #tpu.memory_space<vmem>> -> memref<32x32xi32, #tpu.memory_space<vmem>>
    %dma_start3A_83 = arith.constant 128 : i32
    %dma_start3A_84 = tpu.memref_slice %arg8[%dma_start3A_83] : memref<256xi32, #tpu.memory_space<vmem>> -> memref<32xi32, #tpu.memory_space<vmem>>
    %dma_start3A_85 = arith.constant 0 : i32
    %dma_start3A_86 = arith.constant 0 : i32
    %dma_start3A_87 = tpu.memref_slice %arg2[%dma_start3A_85, %dma_start3A_86] : memref<100000x32xi32, #tpu.memory_space<hbm>> -> memref<100000x32xi32, #tpu.memory_space<hbm>>
    tpu.enqueue_indirect_dma source(%dma_start3A_87 : memref<100000x32xi32, #tpu.memory_space<hbm>>) target(%dma_start3A_82 : memref<32x32xi32, #tpu.memory_space<vmem>>) offsets(%dma_start3A_84 : memref<32xi32, #tpu.memory_space<vmem>>) semaphore(%arg16 : memref<!tpu.dma_semaphore, #tpu.memory_space<semaphore_mem>>)
    %dma_start3A_88 = arith.constant 32 : i32
    %dma_start3A_89 = arith.constant 0 : i32
    %dma_start3A_90 = tpu.memref_slice %arg9[%dma_start3A_88, %dma_start3A_89] : memref<128x32xi32, #tpu.memory_space<vmem>> -> memref<32x32xi32, #tpu.memory_space<vmem>>
    %dma_start3A_91 = arith.constant 160 : i32
    %dma_start3A_92 = tpu.memref_slice %arg8[%dma_start3A_91] : memref<256xi32, #tpu.memory_space<vmem>> -> memref<32xi32, #tpu.memory_space<vmem>>
    %dma_start3A_93 = arith.constant 0 : i32
    %dma_start3A_94 = arith.constant 0 : i32
    %dma_start3A_95 = tpu.memref_slice %arg2[%dma_start3A_93, %dma_start3A_94] : memref<100000x32xi32, #tpu.memory_space<hbm>> -> memref<100000x32xi32, #tpu.memory_space<hbm>>
    tpu.enqueue_indirect_dma source(%dma_start3A_95 : memref<100000x32xi32, #tpu.memory_space<hbm>>) target(%dma_start3A_90 : memref<32x32xi32, #tpu.memory_space<vmem>>) offsets(%dma_start3A_92 : memref<32xi32, #tpu.memory_space<vmem>>) semaphore(%arg16 : memref<!tpu.dma_semaphore, #tpu.memory_space<semaphore_mem>>)
    %dma_start3A_96 = arith.constant 64 : i32
    %dma_start3A_97 = arith.constant 0 : i32
    %dma_start3A_98 = tpu.memref_slice %arg9[%dma_start3A_96, %dma_start3A_97] : memref<128x32xi32, #tpu.memory_space<vmem>> -> memref<32x32xi32, #tpu.memory_space<vmem>>
    %dma_start3A_99 = arith.constant 192 : i32
    %dma_start3A_100 = tpu.memref_slice %arg8[%dma_start3A_99] : memref<256xi32, #tpu.memory_space<vmem>> -> memref<32xi32, #tpu.memory_space<vmem>>
    %dma_start3A_101 = arith.constant 0 : i32
    %dma_start3A_102 = arith.constant 0 : i32
    %dma_start3A_103 = tpu.memref_slice %arg2[%dma_start3A_101, %dma_start3A_102] : memref<100000x32xi32, #tpu.memory_space<hbm>> -> memref<100000x32xi32, #tpu.memory_space<hbm>>
    tpu.enqueue_indirect_dma source(%dma_start3A_103 : memref<100000x32xi32, #tpu.memory_space<hbm>>) target(%dma_start3A_98 : memref<32x32xi32, #tpu.memory_space<vmem>>) offsets(%dma_start3A_100 : memref<32xi32, #tpu.memory_space<vmem>>) semaphore(%arg16 : memref<!tpu.dma_semaphore, #tpu.memory_space<semaphore_mem>>)
    %dma_start3A_104 = arith.constant 96 : i32
    %dma_start3A_105 = arith.constant 0 : i32
    %dma_start3A_106 = tpu.memref_slice %arg9[%dma_start3A_104, %dma_start3A_105] : memref<128x32xi32, #tpu.memory_space<vmem>> -> memref<32x32xi32, #tpu.memory_space<vmem>>
    %dma_start3A_107 = arith.constant 224 : i32
    %dma_start3A_108 = tpu.memref_slice %arg8[%dma_start3A_107] : memref<256xi32, #tpu.memory_space<vmem>> -> memref<32xi32, #tpu.memory_space<vmem>>
    %dma_start3A_109 = arith.constant 0 : i32
    %dma_start3A_110 = arith.constant 0 : i32
    %dma_start3A_111 = tpu.memref_slice %arg2[%dma_start3A_109, %dma_start3A_110] : memref<100000x32xi32, #tpu.memory_space<hbm>> -> memref<100000x32xi32, #tpu.memory_space<hbm>>
    tpu.enqueue_indirect_dma source(%dma_start3A_111 : memref<100000x32xi32, #tpu.memory_space<hbm>>) target(%dma_start3A_106 : memref<32x32xi32, #tpu.memory_space<vmem>>) offsets(%dma_start3A_108 : memref<32xi32, #tpu.memory_space<vmem>>) semaphore(%arg16 : memref<!tpu.dma_semaphore, #tpu.memory_space<semaphore_mem>>)
    %dma_wait3A_112 = arith.constant 0 : i32
    %dma_wait3A_113 = arith.constant 0 : i32
    %dma_wait3A_114 = tpu.memref_slice %arg9[%dma_wait3A_112, %dma_wait3A_113] : memref<128x32xi32, #tpu.memory_space<vmem>> -> memref<32x32xi32, #tpu.memory_space<vmem>>
    %dma_wait3A_115 = arith.constant 128 : i32
    %dma_wait3A_116 = tpu.memref_slice %arg8[%dma_wait3A_115] : memref<256xi32, #tpu.memory_space<vmem>> -> memref<32xi32, #tpu.memory_space<vmem>>
    %dma_wait3A_117 = arith.constant 0 : i32
    %dma_wait3A_118 = arith.constant 0 : i32
    %dma_wait3A_119 = tpu.memref_slice %arg2[%dma_wait3A_117, %dma_wait3A_118] : memref<100000x32xi32, #tpu.memory_space<hbm>> -> memref<100000x32xi32, #tpu.memory_space<hbm>>
    tpu.wait_indirect_dma semaphore(%arg16 : memref<!tpu.dma_semaphore, #tpu.memory_space<semaphore_mem>>) src(%dma_wait3A_119 : memref<100000x32xi32, #tpu.memory_space<hbm>>) dst(%dma_wait3A_114 : memref<32x32xi32, #tpu.memory_space<vmem>>)
    %dma_wait3A_120 = arith.constant 32 : i32
    %dma_wait3A_121 = arith.constant 0 : i32
    %dma_wait3A_122 = tpu.memref_slice %arg9[%dma_wait3A_120, %dma_wait3A_121] : memref<128x32xi32, #tpu.memory_space<vmem>> -> memref<32x32xi32, #tpu.memory_space<vmem>>
    %dma_wait3A_123 = arith.constant 160 : i32
    %dma_wait3A_124 = tpu.memref_slice %arg8[%dma_wait3A_123] : memref<256xi32, #tpu.memory_space<vmem>> -> memref<32xi32, #tpu.memory_space<vmem>>
    %dma_wait3A_125 = arith.constant 0 : i32
    %dma_wait3A_126 = arith.constant 0 : i32
    %dma_wait3A_127 = tpu.memref_slice %arg2[%dma_wait3A_125, %dma_wait3A_126] : memref<100000x32xi32, #tpu.memory_space<hbm>> -> memref<100000x32xi32, #tpu.memory_space<hbm>>
    tpu.wait_indirect_dma semaphore(%arg16 : memref<!tpu.dma_semaphore, #tpu.memory_space<semaphore_mem>>) src(%dma_wait3A_127 : memref<100000x32xi32, #tpu.memory_space<hbm>>) dst(%dma_wait3A_122 : memref<32x32xi32, #tpu.memory_space<vmem>>)
    %dma_wait3A_128 = arith.constant 64 : i32
    %dma_wait3A_129 = arith.constant 0 : i32
    %dma_wait3A_130 = tpu.memref_slice %arg9[%dma_wait3A_128, %dma_wait3A_129] : memref<128x32xi32, #tpu.memory_space<vmem>> -> memref<32x32xi32, #tpu.memory_space<vmem>>
    %dma_wait3A_131 = arith.constant 192 : i32
    %dma_wait3A_132 = tpu.memref_slice %arg8[%dma_wait3A_131] : memref<256xi32, #tpu.memory_space<vmem>> -> memref<32xi32, #tpu.memory_space<vmem>>
    %dma_wait3A_133 = arith.constant 0 : i32
    %dma_wait3A_134 = arith.constant 0 : i32
    %dma_wait3A_135 = tpu.memref_slice %arg2[%dma_wait3A_133, %dma_wait3A_134] : memref<100000x32xi32, #tpu.memory_space<hbm>> -> memref<100000x32xi32, #tpu.memory_space<hbm>>
    tpu.wait_indirect_dma semaphore(%arg16 : memref<!tpu.dma_semaphore, #tpu.memory_space<semaphore_mem>>) src(%dma_wait3A_135 : memref<100000x32xi32, #tpu.memory_space<hbm>>) dst(%dma_wait3A_130 : memref<32x32xi32, #tpu.memory_space<vmem>>)
    %dma_wait3A_136 = arith.constant 96 : i32
    %dma_wait3A_137 = arith.constant 0 : i32
    %dma_wait3A_138 = tpu.memref_slice %arg9[%dma_wait3A_136, %dma_wait3A_137] : memref<128x32xi32, #tpu.memory_space<vmem>> -> memref<32x32xi32, #tpu.memory_space<vmem>>
    %dma_wait3A_139 = arith.constant 224 : i32
    %dma_wait3A_140 = tpu.memref_slice %arg8[%dma_wait3A_139] : memref<256xi32, #tpu.memory_space<vmem>> -> memref<32xi32, #tpu.memory_space<vmem>>
    %dma_wait3A_141 = arith.constant 0 : i32
    %dma_wait3A_142 = arith.constant 0 : i32
    %dma_wait3A_143 = tpu.memref_slice %arg2[%dma_wait3A_141, %dma_wait3A_142] : memref<100000x32xi32, #tpu.memory_space<hbm>> -> memref<100000x32xi32, #tpu.memory_space<hbm>>
    tpu.wait_indirect_dma semaphore(%arg16 : memref<!tpu.dma_semaphore, #tpu.memory_space<semaphore_mem>>) src(%dma_wait3A_143 : memref<100000x32xi32, #tpu.memory_space<hbm>>) dst(%dma_wait3A_138 : memref<32x32xi32, #tpu.memory_space<vmem>>)
    %add3A_144 = arith.constant 128 : i32
    %add3A_145 = arith.addi %mul3A_2, %add3A_144 : i32
    "tpu.region"() ({
      %run_scoped3A = tpu.sem_alloc : memref<!tpu.dma_semaphore, #tpu.memory_space<semaphore_mem>>
      %dma_start3A_179 = arith.constant 0 : i32
      %dma_start3A_180 = tpu.memref_slice %arg7[%add3A_145, %dma_start3A_179] : memref<8192x32xi32, #tpu.memory_space<hbm>> -> memref<128x32xi32, #tpu.memory_space<hbm>>
      %dma_start3A_181 = arith.constant 0 : i32
      %dma_start3A_182 = tpu.memref_slice %arg7[%add3A_145, %dma_start3A_181] : memref<8192x32xi32, #tpu.memory_space<hbm>> -> memref<128x32xi32, #tpu.memory_space<hbm>>
      tpu.enqueue_dma source(%arg9 : memref<128x32xi32, #tpu.memory_space<vmem>>) target(%dma_start3A_182 : memref<128x32xi32, #tpu.memory_space<hbm>>) target_semaphore(%run_scoped3A : memref<!tpu.dma_semaphore, #tpu.memory_space<semaphore_mem>>)
      %dma_wait3A_183 = arith.constant 0 : i32
      %dma_wait3A_184 = tpu.memref_slice %arg7[%add3A_145, %dma_wait3A_183] : memref<8192x32xi32, #tpu.memory_space<hbm>> -> memref<128x32xi32, #tpu.memory_space<hbm>>
      %dma_wait3A_185 = arith.constant 0 : i32
      %dma_wait3A_186 = tpu.memref_slice %arg7[%add3A_145, %dma_wait3A_185] : memref<8192x32xi32, #tpu.memory_space<hbm>> -> memref<128x32xi32, #tpu.memory_space<hbm>>
      tpu.wait_dma2 semaphore(%run_scoped3A : memref<!tpu.dma_semaphore, #tpu.memory_space<semaphore_mem>>) src(%arg9 : memref<128x32xi32, #tpu.memory_space<vmem>>) dst(%dma_wait3A_186 : memref<128x32xi32, #tpu.memory_space<hbm>>)
      tpu.yield
    }) : () -> ()
    %scan3A_146 = arith.constant 0 : i32
    %scan3A_147 = arith.constant 0 : i32
    %scan3A_148 = arith.constant 128 : i32
    %scan3A_149 = arith.addi %scan3A_147, %scan3A_148 : i32
    %scan3A_150 = arith.constant 1 : i32
    %scan3A_151 = scf.for %scan3A_179 = %scan3A_147 to %scan3A_149 step %scan3A_150 iter_args(%scan3A_180 = %scan3A_146) -> (i32)  : i32 {
      %add3A_181 = arith.constant 128 : i32
      %add3A_182 = arith.addi %add3A_181, %scan3A_179 : i32
      %jit3A = arith.constant 16 : i32
      %div3A = arith.divsi %add3A_182, %jit3A : i32
      %sign3A = arith.constant 0 : i32
      %sign3A_183 = arith.cmpi sgt, %add3A_182, %sign3A : i32
      %sign3A_184 = arith.extui %sign3A_183 : i1 to i32
      %sign3A_185 = arith.constant 0 : i32
      %sign3A_186 = arith.cmpi slt, %add3A_182, %sign3A_185 : i32
      %sign3A_187 = arith.extui %sign3A_186 : i1 to i32
      %sign3A_188 = arith.subi %sign3A_184, %sign3A_187 : i32
      %sign3A_189 = arith.constant 0 : i32
      %sign3A_190 = arith.cmpi sgt, %jit3A, %sign3A_189 : i32
      %sign3A_191 = arith.extui %sign3A_190 : i1 to i32
      %sign3A_192 = arith.constant 0 : i32
      %sign3A_193 = arith.cmpi slt, %jit3A, %sign3A_192 : i32
      %sign3A_194 = arith.extui %sign3A_193 : i1 to i32
      %sign3A_195 = arith.subi %sign3A_191, %sign3A_194 : i32
      %ne3A = arith.cmpi ne, %sign3A_188, %sign3A_195 : i32
      %rem3A = arith.remsi %add3A_182, %jit3A : i32
      %ne3A_196 = arith.constant 0 : i32
      %ne3A_197 = arith.cmpi ne, %rem3A, %ne3A_196 : i32
      %and3A = arith.andi %ne3A, %ne3A_197 : i1
      %sub3A = arith.constant 1 : i32
      %sub3A_198 = arith.subi %div3A, %sub3A : i32
      %select_n3A = arith.select %and3A, %sub3A_198, %div3A : i32
      %jit3A_199 = arith.constant 16 : i32
      %eq3A = arith.constant 0 : i32
      %eq3A_200 = arith.cmpi eq, %jit3A_199, %eq3A : i32
      %jit3A_201 = arith.constant 1 : i32
      %select_n3A_202 = arith.select %eq3A_200, %jit3A_201, %jit3A_199 : i32
      %rem3A_203 = arith.remsi %add3A_182, %select_n3A_202 : i32
      %ne3A_204 = arith.constant 0 : i32
      %ne3A_205 = arith.cmpi ne, %rem3A_203, %ne3A_204 : i32
      %lt3A = arith.constant 0 : i32
      %lt3A_206 = arith.cmpi slt, %rem3A_203, %lt3A : i32
      %lt3A_207 = arith.constant 0 : i32
      %lt3A_208 = arith.cmpi slt, %select_n3A_202, %lt3A_207 : i32
      %ne3A_209 = arith.xori %lt3A_206, %lt3A_208 : i1
      %and3A_210 = arith.andi %ne3A_209, %ne3A_205 : i1
      %add3A_211 = arith.addi %rem3A_203, %select_n3A_202 : i32
      %select_n3A_212 = arith.select %and3A_210, %add3A_211, %rem3A_203 : i32
      %jit3A_213 = arith.constant 2 : i32
      %eq3A_214 = arith.constant 0 : i32
      %eq3A_215 = arith.cmpi eq, %jit3A_213, %eq3A_214 : i32
      %jit3A_216 = arith.constant 1 : i32
      %select_n3A_217 = arith.select %eq3A_215, %jit3A_216, %jit3A_213 : i32
      %rem3A_218 = arith.remsi %select_n3A, %select_n3A_217 : i32
      %ne3A_219 = arith.constant 0 : i32
      %ne3A_220 = arith.cmpi ne, %rem3A_218, %ne3A_219 : i32
      %lt3A_221 = arith.constant 0 : i32
      %lt3A_222 = arith.cmpi slt, %rem3A_218, %lt3A_221 : i32
      %lt3A_223 = arith.constant 0 : i32
      %lt3A_224 = arith.cmpi slt, %select_n3A_217, %lt3A_223 : i32
      %ne3A_225 = arith.xori %lt3A_222, %lt3A_224 : i1
      %and3A_226 = arith.andi %ne3A_225, %ne3A_220 : i1
      %add3A_227 = arith.addi %rem3A_218, %select_n3A_217 : i32
      %select_n3A_228 = arith.select %and3A_226, %add3A_227, %rem3A_218 : i32
      %mul3A_229 = arith.constant 400 : i32
      %mul3A_230 = arith.muli %select_n3A, %mul3A_229 : i32
      %add3A_231 = arith.addi %mul3A_230, %select_n3A_212 : i32
      %broadcast_in_dim3A = vector.broadcast %scan3A_179 : i32 to vector<16xi32>
      %add3A_232 = arith.constant 0 : i32
      %add3A_233 = vector.broadcast %add3A_232 : i32 to vector<16xi32>
      %add3A_234 = arith.addi %iota3A, %add3A_233 : vector<16xi32>
      %gather3A = tpu.vector_load_idx %arg9[%broadcast_in_dim3A, %add3A_234] : memref<128x32xi32, #tpu.memory_space<vmem>>[vector<16xi32>, vector<16xi32>], vector<16xi32>,
      %and3A_235 = arith.constant 131071 : i32
      %and3A_236 = vector.broadcast %and3A_235 : i32 to vector<16xi32>
      %and3A_237 = arith.andi %gather3A, %and3A_236 : vector<16xi32>
      %shift_right_arithmetic3A = arith.constant 18 : i32
      %shift_right_arithmetic3A_238 = vector.broadcast %shift_right_arithmetic3A : i32 to vector<16xi32>
      %shift_right_arithmetic3A_239 = arith.shrsi %gather3A, %shift_right_arithmetic3A_238 : vector<16xi32>
      %and3A_240 = arith.constant 1 : i32
      %and3A_241 = vector.broadcast %and3A_240 : i32 to vector<16xi32>
      %and3A_242 = arith.andi %shift_right_arithmetic3A_239, %and3A_241 : vector<16xi32>
      %eq3A_243 = arith.constant 1 : i32
      %eq3A_244 = vector.broadcast %eq3A_243 : i32 to vector<16xi32>
      %eq3A_245 = arith.cmpi eq, %and3A_242, %eq3A_244 : vector<16xi32>
      %lt3A_246 = arith.constant 99935 : i32
      %lt3A_247 = vector.broadcast %lt3A_246 : i32 to vector<16xi32>
      %lt3A_248 = arith.cmpi slt, %and3A_237, %lt3A_247 : vector<16xi32>
      %and3A_249 = arith.andi %eq3A_245, %lt3A_248 : vector<16xi1>
      %convert_element_type3A_250 = arith.extui %and3A_249 : vector<16xi1> to vector<16xi32>
      %mul3A_251 = arith.constant 400 : i32
      %mul3A_252 = arith.muli %select_n3A, %mul3A_251 : i32
      %add3A_253 = arith.addi %mul3A_252, %scan3A_180 : i32
      %swap3A = arith.index_cast %add3A_253 : i32 to index
      %swap3A_254 = tpu.vector_load %arg10[%swap3A] masked %and3A_249 {strides = array<i32>} : memref<6416xi32, #tpu.memory_space<vmem>>, vector<16xi32>, vector<16xi1>
      tpu.vector_store %arg10[%swap3A], %and3A_237 masked %and3A_249 {strides = array<i32>} : memref<6416xi32, #tpu.memory_space<vmem>>, vector<16xi32>, vector<16xi1>
      %broadcast_in_dim3A_255 = arith.constant true
      %broadcast_in_dim3A_256 = vector.broadcast %broadcast_in_dim3A_255 : i1 to vector<16xi1>
      %masked_cumsum3A = tpu.scan <sum>, %convert_element_type3A_250 masked %broadcast_in_dim3A_256 : vector<16xi32>, vector<16xi1> -> vector<16xi32>
      %sub3A_257 = arith.subi %masked_cumsum3A, %convert_element_type3A_250 : vector<16xi32>
      %mul3A_258 = arith.constant 384 : i32
      %mul3A_259 = arith.muli %select_n3A_228, %mul3A_258 : i32
      %add3A_260 = arith.addi %mul3A_259, %scan3A_180 : i32
      %add3A_261 = vector.broadcast %add3A_260 : i32 to vector<16xi32>
      %add3A_262 = arith.addi %add3A_261, %sub3A_257 : vector<16xi32>
      %sub3A_263 = arith.constant 99935 : i32
      %sub3A_264 = vector.broadcast %sub3A_263 : i32 to vector<16xi32>
      %sub3A_265 = arith.subi %and3A_237, %sub3A_264 : vector<16xi32>
      %add3A_266 = arith.constant 768 : i32
      %add3A_267 = vector.broadcast %add3A_266 : i32 to vector<16xi32>
      %add3A_268 = arith.addi %add3A_267, %sub3A_265 : vector<16xi32>
      %jit3A_269 = arith.constant 0 : i32
      %broadcast_in_dim3A_270 = vector.broadcast %jit3A_269 : i32 to vector<16xi32>
      %select_n3A_271 = arith.select %eq3A_245, %add3A_268, %broadcast_in_dim3A_270 : vector<16xi1>, vector<16xi32>
      %select_n3A_272 = arith.select %and3A_249, %add3A_262, %select_n3A_271 : vector<16xi1>, vector<16xi32>
      %mul3A_273 = arith.constant 16 : i32
      %mul3A_274 = vector.broadcast %mul3A_273 : i32 to vector<16xi32>
      %mul3A_275 = arith.muli %add3A_234, %mul3A_274 : vector<16xi32>
      %add3A_276 = vector.broadcast %add3A_231 : i32 to vector<16xi32>
      %add3A_277 = arith.addi %add3A_276, %mul3A_275 : vector<16xi32>
      tpu.vector_store_idx %arg11[%add3A_277], %select_n3A_272 : memref<6528xi32, #tpu.memory_space<vmem>>[vector<16xi32>], vector<16xi32>,
      %all_reduce_population_count3A = tpu.all_reduce %and3A_249 {dim = 0 : i64, kind = #tpu.reduction_kind<sum>} : vector<16xi1> -> vector<16xi32>
      %reduce_max3A = arith.constant true
      %reduce_max3A_278 = vector.broadcast %reduce_max3A : i1 to vector<16xi1>
      %reduce_max3A_279 = arith.constant -2147483648 : i32
      %reduce_max3A_280 = vector.broadcast %reduce_max3A_279 : i32 to vector<16xi32>
      %reduce_max3A_281 = arith.xori %all_reduce_population_count3A, %reduce_max3A_280 : vector<16xi32>
      %reduce_max3A_282 = tpu.scan <max>, %reduce_max3A_281 masked %reduce_max3A_278 : vector<16xi32>, vector<16xi1> -> vector<16xi32>
      %reduce_max3A_283 = arith.xori %reduce_max3A_282, %reduce_max3A_280 : vector<16xi32>
      %reduce_max3A_284 = vector.extract %reduce_max3A_283[15] : i32 from vector<16xi32>
      %add3A_285 = arith.addi %scan3A_180, %reduce_max3A_284 : i32
      %add3A_286 = arith.constant 16 : i32
      %add3A_287 = vector.broadcast %add3A_286 : i32 to vector<16xi32>
      %add3A_288 = arith.addi %iota3A, %add3A_287 : vector<16xi32>
      %gather3A_289 = tpu.vector_load_idx %arg9[%broadcast_in_dim3A, %add3A_288] : memref<128x32xi32, #tpu.memory_space<vmem>>[vector<16xi32>, vector<16xi32>], vector<16xi32>,
      %and3A_290 = arith.constant 131071 : i32
      %and3A_291 = vector.broadcast %and3A_290 : i32 to vector<16xi32>
      %and3A_292 = arith.andi %gather3A_289, %and3A_291 : vector<16xi32>
      %shift_right_arithmetic3A_293 = arith.constant 18 : i32
      %shift_right_arithmetic3A_294 = vector.broadcast %shift_right_arithmetic3A_293 : i32 to vector<16xi32>
      %shift_right_arithmetic3A_295 = arith.shrsi %gather3A_289, %shift_right_arithmetic3A_294 : vector<16xi32>
      %and3A_296 = arith.constant 1 : i32
      %and3A_297 = vector.broadcast %and3A_296 : i32 to vector<16xi32>
      %and3A_298 = arith.andi %shift_right_arithmetic3A_295, %and3A_297 : vector<16xi32>
      %eq3A_299 = arith.constant 1 : i32
      %eq3A_300 = vector.broadcast %eq3A_299 : i32 to vector<16xi32>
      %eq3A_301 = arith.cmpi eq, %and3A_298, %eq3A_300 : vector<16xi32>
      %lt3A_302 = arith.constant 99935 : i32
      %lt3A_303 = vector.broadcast %lt3A_302 : i32 to vector<16xi32>
      %lt3A_304 = arith.cmpi slt, %and3A_292, %lt3A_303 : vector<16xi32>
      %and3A_305 = arith.andi %eq3A_301, %lt3A_304 : vector<16xi1>
      %convert_element_type3A_306 = arith.extui %and3A_305 : vector<16xi1> to vector<16xi32>
      %mul3A_307 = arith.constant 400 : i32
      %mul3A_308 = arith.muli %select_n3A, %mul3A_307 : i32
      %add3A_309 = arith.addi %mul3A_308, %add3A_285 : i32
      %swap3A_310 = arith.index_cast %add3A_309 : i32 to index
      %swap3A_311 = tpu.vector_load %arg10[%swap3A_310] masked %and3A_305 {strides = array<i32>} : memref<6416xi32, #tpu.memory_space<vmem>>, vector<16xi32>, vector<16xi1>
      tpu.vector_store %arg10[%swap3A_310], %and3A_292 masked %and3A_305 {strides = array<i32>} : memref<6416xi32, #tpu.memory_space<vmem>>, vector<16xi32>, vector<16xi1>
      %broadcast_in_dim3A_312 = arith.constant true
      %broadcast_in_dim3A_313 = vector.broadcast %broadcast_in_dim3A_312 : i1 to vector<16xi1>
      %masked_cumsum3A_314 = tpu.scan <sum>, %convert_element_type3A_306 masked %broadcast_in_dim3A_313 : vector<16xi32>, vector<16xi1> -> vector<16xi32>
      %sub3A_315 = arith.subi %masked_cumsum3A_314, %convert_element_type3A_306 : vector<16xi32>
      %mul3A_316 = arith.constant 384 : i32
      %mul3A_317 = arith.muli %select_n3A_228, %mul3A_316 : i32
      %add3A_318 = arith.addi %mul3A_317, %add3A_285 : i32
      %add3A_319 = vector.broadcast %add3A_318 : i32 to vector<16xi32>
      %add3A_320 = arith.addi %add3A_319, %sub3A_315 : vector<16xi32>
      %sub3A_321 = arith.constant 99935 : i32
      %sub3A_322 = vector.broadcast %sub3A_321 : i32 to vector<16xi32>
      %sub3A_323 = arith.subi %and3A_292, %sub3A_322 : vector<16xi32>
      %add3A_324 = arith.constant 768 : i32
      %add3A_325 = vector.broadcast %add3A_324 : i32 to vector<16xi32>
      %add3A_326 = arith.addi %add3A_325, %sub3A_323 : vector<16xi32>
      %jit3A_327 = arith.constant 0 : i32
      %broadcast_in_dim3A_328 = vector.broadcast %jit3A_327 : i32 to vector<16xi32>
      %select_n3A_329 = arith.select %eq3A_301, %add3A_326, %broadcast_in_dim3A_328 : vector<16xi1>, vector<16xi32>
      %select_n3A_330 = arith.select %and3A_305, %add3A_320, %select_n3A_329 : vector<16xi1>, vector<16xi32>
      %mul3A_331 = arith.constant 16 : i32
      %mul3A_332 = vector.broadcast %mul3A_331 : i32 to vector<16xi32>
      %mul3A_333 = arith.muli %add3A_288, %mul3A_332 : vector<16xi32>
      %add3A_334 = vector.broadcast %add3A_231 : i32 to vector<16xi32>
      %add3A_335 = arith.addi %add3A_334, %mul3A_333 : vector<16xi32>
      tpu.vector_store_idx %arg11[%add3A_335], %select_n3A_330 : memref<6528xi32, #tpu.memory_space<vmem>>[vector<16xi32>], vector<16xi32>,
      %all_reduce_population_count3A_336 = tpu.all_reduce %and3A_305 {dim = 0 : i64, kind = #tpu.reduction_kind<sum>} : vector<16xi1> -> vector<16xi32>
      %reduce_max3A_337 = arith.constant true
      %reduce_max3A_338 = vector.broadcast %reduce_max3A_337 : i1 to vector<16xi1>
      %reduce_max3A_339 = arith.constant -2147483648 : i32
      %reduce_max3A_340 = vector.broadcast %reduce_max3A_339 : i32 to vector<16xi32>
      %reduce_max3A_341 = arith.xori %all_reduce_population_count3A_336, %reduce_max3A_340 : vector<16xi32>
      %reduce_max3A_342 = tpu.scan <max>, %reduce_max3A_341 masked %reduce_max3A_338 : vector<16xi32>, vector<16xi1> -> vector<16xi32>
      %reduce_max3A_343 = arith.xori %reduce_max3A_342, %reduce_max3A_340 : vector<16xi32>
      %reduce_max3A_344 = vector.extract %reduce_max3A_343[15] : i32 from vector<16xi32>
      %add3A_345 = arith.addi %add3A_285, %reduce_max3A_344 : i32
      %eq3A_346 = arith.constant 15 : i32
      %eq3A_347 = arith.cmpi eq, %select_n3A_212, %eq3A_346 : i32
      %convert_element_type3A_348 = arith.extui %eq3A_347 : i1 to i32
      %cond3A_349 = arith.constant 0 : i32
      %cond3A_350 = arith.cmpi ne, %convert_element_type3A_348, %cond3A_349 : i32
      scf.if %cond3A_350 {
        %swap3A_355 = arith.index_cast %select_n3A : i32 to index
        %swap3A_356 = memref.load %arg15[%swap3A_355] : memref<16xi32, #tpu.memory_space<smem>>
        memref.store %add3A_345, %arg15[%swap3A_355] : memref<16xi32, #tpu.memory_space<smem>>
      } else {
      }
      %eq3A_351 = arith.constant 15 : i32
      %eq3A_352 = arith.cmpi eq, %select_n3A_212, %eq3A_351 : i32
      %jit3A_353 = arith.constant 0 : i32
      %select_n3A_354 = arith.select %eq3A_352, %jit3A_353, %add3A_345 : i32
      scf.yield %select_n3A_354 : i32
    }
    %scan3A_152 = arith.constant 128 : i32
    %get3A = arith.constant 0 : i32
    %get3A_153 = arith.index_cast %get3A : i32 to index
    %get3A_154 = memref.load %arg15[%get3A_153] : memref<16xi32, #tpu.memory_space<smem>>
    %gt3A = arith.constant 0 : i32
    %gt3A_155 = arith.cmpi sgt, %get3A_154, %gt3A : i32
    %convert_element_type3A = arith.extui %gt3A_155 : i1 to i32
    %cond3A = arith.constant 0 : i32
    %cond3A_156 = arith.cmpi ne, %convert_element_type3A, %cond3A : i32
    scf.if %cond3A_156 {
      %dma_start3A_179 = arith.constant 0 : i32
      %dma_start3A_180 = arith.constant 0 : i32
      %dma_start3A_181 = tpu.memref_slice %arg13[%dma_start3A_179, %dma_start3A_180] : memref<832x128xf32, #tpu.memory_space<vmem>> -> memref<96x128xf32, #tpu.memory_space<vmem>>
      %dma_start3A_182 = arith.constant 0 : i32
      %dma_start3A_183 = tpu.memref_slice %arg10[%dma_start3A_182] : memref<6416xi32, #tpu.memory_space<vmem>> -> memref<96xi32, #tpu.memory_space<vmem>>
      %dma_start3A_184 = arith.constant 0 : i32
      %dma_start3A_185 = arith.constant 0 : i32
      %dma_start3A_186 = tpu.memref_slice %arg5[%dma_start3A_184, %dma_start3A_185] : memref<99999x128xf32, #tpu.memory_space<hbm>> -> memref<99999x128xf32, #tpu.memory_space<hbm>>
      tpu.enqueue_indirect_dma source(%dma_start3A_186 : memref<99999x128xf32, #tpu.memory_space<hbm>>) target(%dma_start3A_181 : memref<96x128xf32, #tpu.memory_space<vmem>>) offsets(%dma_start3A_183 : memref<96xi32, #tpu.memory_space<vmem>>) semaphore(%arg17 : memref<!tpu.dma_semaphore, #tpu.memory_space<semaphore_mem>>)
    } else {
    }
    %gt3A_157 = arith.constant 96 : i32
    %gt3A_158 = arith.cmpi sgt, %get3A_154, %gt3A_157 : i32
    %convert_element_type3A_159 = arith.extui %gt3A_158 : i1 to i32
    %cond3A_160 = arith.constant 0 : i32
    %cond3A_161 = arith.cmpi ne, %convert_element_type3A_159, %cond3A_160 : i32
    scf.if %cond3A_161 {
      %dma_start3A_179 = arith.constant 96 : i32
      %dma_start3A_180 = arith.constant 0 : i32
      %dma_start3A_181 = tpu.memref_slice %arg13[%dma_start3A_179, %dma_start3A_180] : memref<832x128xf32, #tpu.memory_space<vmem>> -> memref<96x128xf32, #tpu.memory_space<vmem>>
      %dma_start3A_182 = arith.constant 96 : i32
      %dma_start3A_183 = tpu.memref_slice %arg10[%dma_start3A_182] : memref<6416xi32, #tpu.memory_space<vmem>> -> memref<96xi32, #tpu.memory_space<vmem>>
      %dma_start3A_184 = arith.constant 0 : i32
      %dma_start3A_185 = arith.constant 0 : i32
      %dma_start3A_186 = tpu.memref_slice %arg5[%dma_start3A_184, %dma_start3A_185] : memref<99999x128xf32, #tpu.memory_space<hbm>> -> memref<99999x128xf32, #tpu.memory_space<hbm>>
      tpu.enqueue_indirect_dma source(%dma_start3A_186 : memref<99999x128xf32, #tpu.memory_space<hbm>>) target(%dma_start3A_181 : memref<96x128xf32, #tpu.memory_space<vmem>>) offsets(%dma_start3A_183 : memref<96xi32, #tpu.memory_space<vmem>>) semaphore(%arg17 : memref<!tpu.dma_semaphore, #tpu.memory_space<semaphore_mem>>)
    } else {
    }
    %gt3A_162 = arith.constant 192 : i32
    %gt3A_163 = arith.cmpi sgt, %get3A_154, %gt3A_162 : i32
    %convert_element_type3A_164 = arith.extui %gt3A_163 : i1 to i32
    %cond3A_165 = arith.constant 0 : i32
    %cond3A_166 = arith.cmpi ne, %convert_element_type3A_164, %cond3A_165 : i32
    scf.if %cond3A_166 {
      %dma_start3A_179 = arith.constant 192 : i32
      %dma_start3A_180 = arith.constant 0 : i32
      %dma_start3A_181 = tpu.memref_slice %arg13[%dma_start3A_179, %dma_start3A_180] : memref<832x128xf32, #tpu.memory_space<vmem>> -> memref<96x128xf32, #tpu.memory_space<vmem>>
      %dma_start3A_182 = arith.constant 192 : i32
      %dma_start3A_183 = tpu.memref_slice %arg10[%dma_start3A_182] : memref<6416xi32, #tpu.memory_space<vmem>> -> memref<96xi32, #tpu.memory_space<vmem>>
      %dma_start3A_184 = arith.constant 0 : i32
      %dma_start3A_185 = arith.constant 0 : i32
      %dma_start3A_186 = tpu.memref_slice %arg5[%dma_start3A_184, %dma_start3A_185] : memref<99999x128xf32, #tpu.memory_space<hbm>> -> memref<99999x128xf32, #tpu.memory_space<hbm>>
      tpu.enqueue_indirect_dma source(%dma_start3A_186 : memref<99999x128xf32, #tpu.memory_space<hbm>>) target(%dma_start3A_181 : memref<96x128xf32, #tpu.memory_space<vmem>>) offsets(%dma_start3A_183 : memref<96xi32, #tpu.memory_space<vmem>>) semaphore(%arg17 : memref<!tpu.dma_semaphore, #tpu.memory_space<semaphore_mem>>)
    } else {
    }
    %gt3A_167 = arith.constant 288 : i32
    %gt3A_168 = arith.cmpi sgt, %get3A_154, %gt3A_167 : i32
    %convert_element_type3A_169 = arith.extui %gt3A_168 : i1 to i32
    %cond3A_170 = arith.constant 0 : i32
    %cond3A_171 = arith.cmpi ne, %convert_element_type3A_169, %cond3A_170 : i32
    scf.if %cond3A_171 {
      %dma_start3A_179 = arith.constant 288 : i32
      %dma_start3A_180 = arith.constant 0 : i32
      %dma_start3A_181 = tpu.memref_slice %arg13[%dma_start3A_179, %dma_start3A_180] : memref<832x128xf32, #tpu.memory_space<vmem>> -> memref<96x128xf32, #tpu.memory_space<vmem>>
      %dma_start3A_182 = arith.constant 288 : i32
      %dma_start3A_183 = tpu.memref_slice %arg10[%dma_start3A_182] : memref<6416xi32, #tpu.memory_space<vmem>> -> memref<96xi32, #tpu.memory_space<vmem>>
      %dma_start3A_184 = arith.constant 0 : i32
      %dma_start3A_185 = arith.constant 0 : i32
      %dma_start3A_186 = tpu.memref_slice %arg5[%dma_start3A_184, %dma_start3A_185] : memref<99999x128xf32, #tpu.memory_space<hbm>> -> memref<99999x128xf32, #tpu.memory_space<hbm>>
      tpu.enqueue_indirect_dma source(%dma_start3A_186 : memref<99999x128xf32, #tpu.memory_space<hbm>>) target(%dma_start3A_181 : memref<96x128xf32, #tpu.memory_space<vmem>>) offsets(%dma_start3A_183 : memref<96xi32, #tpu.memory_space<vmem>>) semaphore(%arg17 : memref<!tpu.dma_semaphore, #tpu.memory_space<semaphore_mem>>)
    } else {
    }
    %scan3A_172 = arith.constant 0 : i32
    %scan3A_173 = arith.constant 0 : i32
    %scan3A_174 = arith.constant 16 : i32
    %scan3A_175 = arith.addi %scan3A_173, %scan3A_174 : i32
    %scan3A_176 = arith.constant 1 : i32
    %scan3A_177 = scf.for %scan3A_179 = %scan3A_173 to %scan3A_175 step %scan3A_176 iter_args(%scan3A_180 = %scan3A_172) -> (i32)  : i32 {
      %jit3A = arith.constant 2 : i32
      %eq3A = arith.constant 0 : i32
      %eq3A_181 = arith.cmpi eq, %jit3A, %eq3A : i32
      %jit3A_182 = arith.constant 1 : i32
      %select_n3A = arith.select %eq3A_181, %jit3A_182, %jit3A : i32
      %rem3A = arith.remsi %scan3A_179, %select_n3A : i32
      %ne3A = arith.constant 0 : i32
      %ne3A_183 = arith.cmpi ne, %rem3A, %ne3A : i32
      %lt3A = arith.constant 0 : i32
      %lt3A_184 = arith.cmpi slt, %rem3A, %lt3A : i32
      %lt3A_185 = arith.constant 0 : i32
      %lt3A_186 = arith.cmpi slt, %select_n3A, %lt3A_185 : i32
      %ne3A_187 = arith.xori %lt3A_184, %lt3A_186 : i1
      %and3A = arith.andi %ne3A_187, %ne3A_183 : i1
      %add3A_188 = arith.addi %rem3A, %select_n3A : i32
      %select_n3A_189 = arith.select %and3A, %add3A_188, %rem3A : i32
      %eq3A_190 = arith.constant 0 : i32
      %eq3A_191 = arith.cmpi eq, %select_n3A_189, %eq3A_190 : i32
      %convert_element_type3A_192 = arith.extui %eq3A_191 : i1 to i32
      %cond3A_193 = arith.constant 0 : i32
      %cond3A_194 = arith.cmpi ne, %convert_element_type3A_192, %cond3A_193 : i32
      scf.if %cond3A_194 {
        %add3A_200 = arith.constant 1 : i32
        %add3A_201 = arith.addi %scan3A_179, %add3A_200 : i32
        %lt3A_202 = arith.constant 16 : i32
        %lt3A_203 = arith.cmpi slt, %add3A_201, %lt3A_202 : i32
        %convert_element_type3A_204 = arith.extui %lt3A_203 : i1 to i32
        %cond3A_205 = arith.constant 0 : i32
        %cond3A_206 = arith.cmpi ne, %convert_element_type3A_204, %cond3A_205 : i32
        scf.if %cond3A_206 {
          %add3A_567 = arith.constant 1 : i32
          %add3A_568 = arith.addi %scan3A_179, %add3A_567 : i32
          %get3A_569 = arith.index_cast %add3A_568 : i32 to index
          %get3A_570 = memref.load %arg15[%get3A_569] : memref<16xi32, #tpu.memory_space<smem>>
          %gt3A_571 = arith.constant 0 : i32
          %gt3A_572 = arith.cmpi sgt, %get3A_570, %gt3A_571 : i32
          %convert_element_type3A_573 = arith.extui %gt3A_572 : i1 to i32
          %cond3A_574 = arith.constant 0 : i32
          %cond3A_575 = arith.cmpi ne, %convert_element_type3A_573, %cond3A_574 : i32
          scf.if %cond3A_575 {
            %mul3A_591 = arith.constant 400 : i32
            %mul3A_592 = arith.muli %add3A_568, %mul3A_591 : i32
            %add3A_593 = arith.constant 0 : i32
            %add3A_594 = arith.addi %mul3A_592, %add3A_593 : i32
            %dma_start3A_595 = arith.constant 384 : i32
            %dma_start3A_596 = arith.constant 0 : i32
            %dma_start3A_597 = tpu.memref_slice %arg13[%dma_start3A_595, %dma_start3A_596] : memref<832x128xf32, #tpu.memory_space<vmem>> -> memref<96x128xf32, #tpu.memory_space<vmem>>
            %dma_start3A_598 = tpu.memref_slice %arg10[%add3A_594] : memref<6416xi32, #tpu.memory_space<vmem>> -> memref<96xi32, #tpu.memory_space<vmem>>
            %dma_start3A_599 = arith.constant 0 : i32
            %dma_start3A_600 = arith.constant 0 : i32
            %dma_start3A_601 = tpu.memref_slice %arg5[%dma_start3A_599, %dma_start3A_600] : memref<99999x128xf32, #tpu.memory_space<hbm>> -> memref<99999x128xf32, #tpu.memory_space<hbm>>
            tpu.enqueue_indirect_dma source(%dma_start3A_601 : memref<99999x128xf32, #tpu.memory_space<hbm>>) target(%dma_start3A_597 : memref<96x128xf32, #tpu.memory_space<vmem>>) offsets(%dma_start3A_598 : memref<96xi32, #tpu.memory_space<vmem>>) semaphore(%arg18 : memref<!tpu.dma_semaphore, #tpu.memory_space<semaphore_mem>>)
          } else {
          }
          %gt3A_576 = arith.constant 96 : i32
          %gt3A_577 = arith.cmpi sgt, %get3A_570, %gt3A_576 : i32
          %convert_element_type3A_578 = arith.extui %gt3A_577 : i1 to i32
          %cond3A_579 = arith.constant 0 : i32
          %cond3A_580 = arith.cmpi ne, %convert_element_type3A_578, %cond3A_579 : i32
          scf.if %cond3A_580 {
            %mul3A_591 = arith.constant 400 : i32
            %mul3A_592 = arith.muli %add3A_568, %mul3A_591 : i32
            %add3A_593 = arith.constant 96 : i32
            %add3A_594 = arith.addi %mul3A_592, %add3A_593 : i32
            %dma_start3A_595 = arith.constant 480 : i32
            %dma_start3A_596 = arith.constant 0 : i32
            %dma_start3A_597 = tpu.memref_slice %arg13[%dma_start3A_595, %dma_start3A_596] : memref<832x128xf32, #tpu.memory_space<vmem>> -> memref<96x128xf32, #tpu.memory_space<vmem>>
            %dma_start3A_598 = tpu.memref_slice %arg10[%add3A_594] : memref<6416xi32, #tpu.memory_space<vmem>> -> memref<96xi32, #tpu.memory_space<vmem>>
            %dma_start3A_599 = arith.constant 0 : i32
            %dma_start3A_600 = arith.constant 0 : i32
            %dma_start3A_601 = tpu.memref_slice %arg5[%dma_start3A_599, %dma_start3A_600] : memref<99999x128xf32, #tpu.memory_space<hbm>> -> memref<99999x128xf32, #tpu.memory_space<hbm>>
            tpu.enqueue_indirect_dma source(%dma_start3A_601 : memref<99999x128xf32, #tpu.memory_space<hbm>>) target(%dma_start3A_597 : memref<96x128xf32, #tpu.memory_space<vmem>>) offsets(%dma_start3A_598 : memref<96xi32, #tpu.memory_space<vmem>>) semaphore(%arg18 : memref<!tpu.dma_semaphore, #tpu.memory_space<semaphore_mem>>)
          } else {
          }
          %gt3A_581 = arith.constant 192 : i32
          %gt3A_582 = arith.cmpi sgt, %get3A_570, %gt3A_581 : i32
          %convert_element_type3A_583 = arith.extui %gt3A_582 : i1 to i32
          %cond3A_584 = arith.constant 0 : i32
          %cond3A_585 = arith.cmpi ne, %convert_element_type3A_583, %cond3A_584 : i32
          scf.if %cond3A_585 {
            %mul3A_591 = arith.constant 400 : i32
            %mul3A_592 = arith.muli %add3A_568, %mul3A_591 : i32
            %add3A_593 = arith.constant 192 : i32
            %add3A_594 = arith.addi %mul3A_592, %add3A_593 : i32
            %dma_start3A_595 = arith.constant 576 : i32
            %dma_start3A_596 = arith.constant 0 : i32
            %dma_start3A_597 = tpu.memref_slice %arg13[%dma_start3A_595, %dma_start3A_596] : memref<832x128xf32, #tpu.memory_space<vmem>> -> memref<96x128xf32, #tpu.memory_space<vmem>>
            %dma_start3A_598 = tpu.memref_slice %arg10[%add3A_594] : memref<6416xi32, #tpu.memory_space<vmem>> -> memref<96xi32, #tpu.memory_space<vmem>>
            %dma_start3A_599 = arith.constant 0 : i32
            %dma_start3A_600 = arith.constant 0 : i32
            %dma_start3A_601 = tpu.memref_slice %arg5[%dma_start3A_599, %dma_start3A_600] : memref<99999x128xf32, #tpu.memory_space<hbm>> -> memref<99999x128xf32, #tpu.memory_space<hbm>>
            tpu.enqueue_indirect_dma source(%dma_start3A_601 : memref<99999x128xf32, #tpu.memory_space<hbm>>) target(%dma_start3A_597 : memref<96x128xf32, #tpu.memory_space<vmem>>) offsets(%dma_start3A_598 : memref<96xi32, #tpu.memory_space<vmem>>) semaphore(%arg18 : memref<!tpu.dma_semaphore, #tpu.memory_space<semaphore_mem>>)
          } else {
          }
          %gt3A_586 = arith.constant 288 : i32
          %gt3A_587 = arith.cmpi sgt, %get3A_570, %gt3A_586 : i32
          %convert_element_type3A_588 = arith.extui %gt3A_587 : i1 to i32
          %cond3A_589 = arith.constant 0 : i32
          %cond3A_590 = arith.cmpi ne, %convert_element_type3A_588, %cond3A_589 : i32
          scf.if %cond3A_590 {
            %mul3A_591 = arith.constant 400 : i32
            %mul3A_592 = arith.muli %add3A_568, %mul3A_591 : i32
            %add3A_593 = arith.constant 288 : i32
            %add3A_594 = arith.addi %mul3A_592, %add3A_593 : i32
            %dma_start3A_595 = arith.constant 672 : i32
            %dma_start3A_596 = arith.constant 0 : i32
            %dma_start3A_597 = tpu.memref_slice %arg13[%dma_start3A_595, %dma_start3A_596] : memref<832x128xf32, #tpu.memory_space<vmem>> -> memref<96x128xf32, #tpu.memory_space<vmem>>
            %dma_start3A_598 = tpu.memref_slice %arg10[%add3A_594] : memref<6416xi32, #tpu.memory_space<vmem>> -> memref<96xi32, #tpu.memory_space<vmem>>
            %dma_start3A_599 = arith.constant 0 : i32
            %dma_start3A_600 = arith.constant 0 : i32
            %dma_start3A_601 = tpu.memref_slice %arg5[%dma_start3A_599, %dma_start3A_600] : memref<99999x128xf32, #tpu.memory_space<hbm>> -> memref<99999x128xf32, #tpu.memory_space<hbm>>
            tpu.enqueue_indirect_dma source(%dma_start3A_601 : memref<99999x128xf32, #tpu.memory_space<hbm>>) target(%dma_start3A_597 : memref<96x128xf32, #tpu.memory_space<vmem>>) offsets(%dma_start3A_598 : memref<96xi32, #tpu.memory_space<vmem>>) semaphore(%arg18 : memref<!tpu.dma_semaphore, #tpu.memory_space<semaphore_mem>>)
          } else {
          }
        } else {
        }
        %get3A_207 = arith.index_cast %scan3A_179 : i32 to index
        %get3A_208 = memref.load %arg15[%get3A_207] : memref<16xi32, #tpu.memory_space<smem>>
        %gt3A_209 = arith.constant 0 : i32
        %gt3A_210 = arith.cmpi sgt, %get3A_208, %gt3A_209 : i32
        %convert_element_type3A_211 = arith.extui %gt3A_210 : i1 to i32
        %cond3A_212 = arith.constant 0 : i32
        %cond3A_213 = arith.cmpi ne, %convert_element_type3A_211, %cond3A_212 : i32
        scf.if %cond3A_213 {
          %mul3A_567 = arith.constant 400 : i32
          %mul3A_568 = arith.muli %scan3A_179, %mul3A_567 : i32
          %add3A_569 = arith.constant 0 : i32
          %add3A_570 = arith.addi %mul3A_568, %add3A_569 : i32
          %dma_wait3A_571 = arith.constant 0 : i32
          %dma_wait3A_572 = arith.constant 0 : i32
          %dma_wait3A_573 = tpu.memref_slice %arg13[%dma_wait3A_571, %dma_wait3A_572] : memref<832x128xf32, #tpu.memory_space<vmem>> -> memref<96x128xf32, #tpu.memory_space<vmem>>
          %dma_wait3A_574 = tpu.memref_slice %arg10[%add3A_570] : memref<6416xi32, #tpu.memory_space<vmem>> -> memref<96xi32, #tpu.memory_space<vmem>>
          %dma_wait3A_575 = arith.constant 0 : i32
          %dma_wait3A_576 = arith.constant 0 : i32
          %dma_wait3A_577 = tpu.memref_slice %arg5[%dma_wait3A_575, %dma_wait3A_576] : memref<99999x128xf32, #tpu.memory_space<hbm>> -> memref<99999x128xf32, #tpu.memory_space<hbm>>
          tpu.wait_indirect_dma semaphore(%arg17 : memref<!tpu.dma_semaphore, #tpu.memory_space<semaphore_mem>>) src(%dma_wait3A_577 : memref<99999x128xf32, #tpu.memory_space<hbm>>) dst(%dma_wait3A_573 : memref<96x128xf32, #tpu.memory_space<vmem>>)
        } else {
        }
        %gt3A_214 = arith.constant 96 : i32
        %gt3A_215 = arith.cmpi sgt, %get3A_208, %gt3A_214 : i32
        %convert_element_type3A_216 = arith.extui %gt3A_215 : i1 to i32
        %cond3A_217 = arith.constant 0 : i32
        %cond3A_218 = arith.cmpi ne, %convert_element_type3A_216, %cond3A_217 : i32
        scf.if %cond3A_218 {
          %mul3A_567 = arith.constant 400 : i32
          %mul3A_568 = arith.muli %scan3A_179, %mul3A_567 : i32
          %add3A_569 = arith.constant 96 : i32
          %add3A_570 = arith.addi %mul3A_568, %add3A_569 : i32
          %dma_wait3A_571 = arith.constant 96 : i32
          %dma_wait3A_572 = arith.constant 0 : i32
          %dma_wait3A_573 = tpu.memref_slice %arg13[%dma_wait3A_571, %dma_wait3A_572] : memref<832x128xf32, #tpu.memory_space<vmem>> -> memref<96x128xf32, #tpu.memory_space<vmem>>
          %dma_wait3A_574 = tpu.memref_slice %arg10[%add3A_570] : memref<6416xi32, #tpu.memory_space<vmem>> -> memref<96xi32, #tpu.memory_space<vmem>>
          %dma_wait3A_575 = arith.constant 0 : i32
          %dma_wait3A_576 = arith.constant 0 : i32
          %dma_wait3A_577 = tpu.memref_slice %arg5[%dma_wait3A_575, %dma_wait3A_576] : memref<99999x128xf32, #tpu.memory_space<hbm>> -> memref<99999x128xf32, #tpu.memory_space<hbm>>
          tpu.wait_indirect_dma semaphore(%arg17 : memref<!tpu.dma_semaphore, #tpu.memory_space<semaphore_mem>>) src(%dma_wait3A_577 : memref<99999x128xf32, #tpu.memory_space<hbm>>) dst(%dma_wait3A_573 : memref<96x128xf32, #tpu.memory_space<vmem>>)
        } else {
        }
        %gt3A_219 = arith.constant 192 : i32
        %gt3A_220 = arith.cmpi sgt, %get3A_208, %gt3A_219 : i32
        %convert_element_type3A_221 = arith.extui %gt3A_220 : i1 to i32
        %cond3A_222 = arith.constant 0 : i32
        %cond3A_223 = arith.cmpi ne, %convert_element_type3A_221, %cond3A_222 : i32
        scf.if %cond3A_223 {
          %mul3A_567 = arith.constant 400 : i32
          %mul3A_568 = arith.muli %scan3A_179, %mul3A_567 : i32
          %add3A_569 = arith.constant 192 : i32
          %add3A_570 = arith.addi %mul3A_568, %add3A_569 : i32
          %dma_wait3A_571 = arith.constant 192 : i32
          %dma_wait3A_572 = arith.constant 0 : i32
          %dma_wait3A_573 = tpu.memref_slice %arg13[%dma_wait3A_571, %dma_wait3A_572] : memref<832x128xf32, #tpu.memory_space<vmem>> -> memref<96x128xf32, #tpu.memory_space<vmem>>
          %dma_wait3A_574 = tpu.memref_slice %arg10[%add3A_570] : memref<6416xi32, #tpu.memory_space<vmem>> -> memref<96xi32, #tpu.memory_space<vmem>>
          %dma_wait3A_575 = arith.constant 0 : i32
          %dma_wait3A_576 = arith.constant 0 : i32
          %dma_wait3A_577 = tpu.memref_slice %arg5[%dma_wait3A_575, %dma_wait3A_576] : memref<99999x128xf32, #tpu.memory_space<hbm>> -> memref<99999x128xf32, #tpu.memory_space<hbm>>
          tpu.wait_indirect_dma semaphore(%arg17 : memref<!tpu.dma_semaphore, #tpu.memory_space<semaphore_mem>>) src(%dma_wait3A_577 : memref<99999x128xf32, #tpu.memory_space<hbm>>) dst(%dma_wait3A_573 : memref<96x128xf32, #tpu.memory_space<vmem>>)
        } else {
        }
        %gt3A_224 = arith.constant 288 : i32
        %gt3A_225 = arith.cmpi sgt, %get3A_208, %gt3A_224 : i32
        %convert_element_type3A_226 = arith.extui %gt3A_225 : i1 to i32
        %cond3A_227 = arith.constant 0 : i32
        %cond3A_228 = arith.cmpi ne, %convert_element_type3A_226, %cond3A_227 : i32
        scf.if %cond3A_228 {
          %mul3A_567 = arith.constant 400 : i32
          %mul3A_568 = arith.muli %scan3A_179, %mul3A_567 : i32
          %add3A_569 = arith.constant 288 : i32
          %add3A_570 = arith.addi %mul3A_568, %add3A_569 : i32
          %dma_wait3A_571 = arith.constant 288 : i32
          %dma_wait3A_572 = arith.constant 0 : i32
          %dma_wait3A_573 = tpu.memref_slice %arg13[%dma_wait3A_571, %dma_wait3A_572] : memref<832x128xf32, #tpu.memory_space<vmem>> -> memref<96x128xf32, #tpu.memory_space<vmem>>
          %dma_wait3A_574 = tpu.memref_slice %arg10[%add3A_570] : memref<6416xi32, #tpu.memory_space<vmem>> -> memref<96xi32, #tpu.memory_space<vmem>>
          %dma_wait3A_575 = arith.constant 0 : i32
          %dma_wait3A_576 = arith.constant 0 : i32
          %dma_wait3A_577 = tpu.memref_slice %arg5[%dma_wait3A_575, %dma_wait3A_576] : memref<99999x128xf32, #tpu.memory_space<hbm>> -> memref<99999x128xf32, #tpu.memory_space<hbm>>
          tpu.wait_indirect_dma semaphore(%arg17 : memref<!tpu.dma_semaphore, #tpu.memory_space<semaphore_mem>>) src(%dma_wait3A_577 : memref<99999x128xf32, #tpu.memory_space<hbm>>) dst(%dma_wait3A_573 : memref<96x128xf32, #tpu.memory_space<vmem>>)
        } else {
        }
        %mul3A_229 = arith.constant 16 : i32
        %mul3A_230 = arith.muli %scan3A_179, %mul3A_229 : i32
        %add3A_231 = arith.addi %mul3A_2, %mul3A_230 : i32
        "tpu.region"() ({
          %run_scoped3A = tpu.sem_alloc : memref<!tpu.dma_semaphore, #tpu.memory_space<semaphore_mem>>
          %dma_start3A_567 = arith.constant 0 : i32
          %dma_start3A_568 = tpu.memref_slice %arg4[%add3A_231, %dma_start3A_567] : memref<8192x128xf32, #tpu.memory_space<hbm>> -> memref<16x128xf32, #tpu.memory_space<hbm>>
          %dma_start3A_569 = arith.constant 0 : i32
          %dma_start3A_570 = tpu.memref_slice %arg4[%add3A_231, %dma_start3A_569] : memref<8192x128xf32, #tpu.memory_space<hbm>> -> memref<16x128xf32, #tpu.memory_space<hbm>>
          tpu.enqueue_dma source(%dma_start3A_570 : memref<16x128xf32, #tpu.memory_space<hbm>>) target(%arg12 : memref<16x128xf32, #tpu.memory_space<vmem>>) target_semaphore(%run_scoped3A : memref<!tpu.dma_semaphore, #tpu.memory_space<semaphore_mem>>)
          %dma_wait3A_571 = arith.constant 0 : i32
          %dma_wait3A_572 = tpu.memref_slice %arg4[%add3A_231, %dma_wait3A_571] : memref<8192x128xf32, #tpu.memory_space<hbm>> -> memref<16x128xf32, #tpu.memory_space<hbm>>
          %dma_wait3A_573 = arith.constant 0 : i32
          %dma_wait3A_574 = tpu.memref_slice %arg4[%add3A_231, %dma_wait3A_573] : memref<8192x128xf32, #tpu.memory_space<hbm>> -> memref<16x128xf32, #tpu.memory_space<hbm>>
          tpu.wait_dma2 semaphore(%run_scoped3A : memref<!tpu.dma_semaphore, #tpu.memory_space<semaphore_mem>>) src(%dma_wait3A_574 : memref<16x128xf32, #tpu.memory_space<hbm>>) dst(%arg12 : memref<16x128xf32, #tpu.memory_space<vmem>>)
          tpu.yield
        }) : () -> ()
        %mul3A_232 = arith.constant 400 : i32
        %mul3A_233 = arith.muli %scan3A_179, %mul3A_232 : i32
        %add3A_234 = arith.constant 0 : i32
        %add3A_235 = arith.addi %mul3A_233, %add3A_234 : i32
        %get3A_236 = arith.index_cast %add3A_235 : i32 to index
        %get3A_237 = tpu.vector_load %arg11[%get3A_236] {strides = array<i32>} : memref<6528xi32, #tpu.memory_space<vmem>>, vector<16xi32>,
        %mul3A_238 = arith.constant 400 : i32
        %mul3A_239 = arith.muli %scan3A_179, %mul3A_238 : i32
        %add3A_240 = arith.constant 16 : i32
        %add3A_241 = arith.addi %mul3A_239, %add3A_240 : i32
        %get3A_242 = arith.index_cast %add3A_241 : i32 to index
        %get3A_243 = tpu.vector_load %arg11[%get3A_242] {strides = array<i32>} : memref<6528xi32, #tpu.memory_space<vmem>>, vector<16xi32>,
        %mul3A_244 = arith.constant 400 : i32
        %mul3A_245 = arith.muli %scan3A_179, %mul3A_244 : i32
        %add3A_246 = arith.constant 32 : i32
        %add3A_247 = arith.addi %mul3A_245, %add3A_246 : i32
        %get3A_248 = arith.index_cast %add3A_247 : i32 to index
        %get3A_249 = tpu.vector_load %arg11[%get3A_248] {strides = array<i32>} : memref<6528xi32, #tpu.memory_space<vmem>>, vector<16xi32>,
        %mul3A_250 = arith.constant 400 : i32
        %mul3A_251 = arith.muli %scan3A_179, %mul3A_250 : i32
        %add3A_252 = arith.constant 48 : i32
        %add3A_253 = arith.addi %mul3A_251, %add3A_252 : i32
        %get3A_254 = arith.index_cast %add3A_253 : i32 to index
        %get3A_255 = tpu.vector_load %arg11[%get3A_254] {strides = array<i32>} : memref<6528xi32, #tpu.memory_space<vmem>>, vector<16xi32>,
        %mul3A_256 = arith.constant 400 : i32
        %mul3A_257 = arith.muli %scan3A_179, %mul3A_256 : i32
        %add3A_258 = arith.constant 64 : i32
        %add3A_259 = arith.addi %mul3A_257, %add3A_258 : i32
        %get3A_260 = arith.index_cast %add3A_259 : i32 to index
        %get3A_261 = tpu.vector_load %arg11[%get3A_260] {strides = array<i32>} : memref<6528xi32, #tpu.memory_space<vmem>>, vector<16xi32>,
        %mul3A_262 = arith.constant 400 : i32
        %mul3A_263 = arith.muli %scan3A_179, %mul3A_262 : i32
        %add3A_264 = arith.constant 80 : i32
        %add3A_265 = arith.addi %mul3A_263, %add3A_264 : i32
        %get3A_266 = arith.index_cast %add3A_265 : i32 to index
        %get3A_267 = tpu.vector_load %arg11[%get3A_266] {strides = array<i32>} : memref<6528xi32, #tpu.memory_space<vmem>>, vector<16xi32>,
        %mul3A_268 = arith.constant 400 : i32
        %mul3A_269 = arith.muli %scan3A_179, %mul3A_268 : i32
        %add3A_270 = arith.constant 96 : i32
        %add3A_271 = arith.addi %mul3A_269, %add3A_270 : i32
        %get3A_272 = arith.index_cast %add3A_271 : i32 to index
        %get3A_273 = tpu.vector_load %arg11[%get3A_272] {strides = array<i32>} : memref<6528xi32, #tpu.memory_space<vmem>>, vector<16xi32>,
        %mul3A_274 = arith.constant 400 : i32
        %mul3A_275 = arith.muli %scan3A_179, %mul3A_274 : i32
        %add3A_276 = arith.constant 112 : i32
        %add3A_277 = arith.addi %mul3A_275, %add3A_276 : i32
        %get3A_278 = arith.index_cast %add3A_277 : i32 to index
        %get3A_279 = tpu.vector_load %arg11[%get3A_278] {strides = array<i32>} : memref<6528xi32, #tpu.memory_space<vmem>>, vector<16xi32>,
        %mul3A_280 = arith.constant 400 : i32
        %mul3A_281 = arith.muli %scan3A_179, %mul3A_280 : i32
        %add3A_282 = arith.constant 128 : i32
        %add3A_283 = arith.addi %mul3A_281, %add3A_282 : i32
        %get3A_284 = arith.index_cast %add3A_283 : i32 to index
        %get3A_285 = tpu.vector_load %arg11[%get3A_284] {strides = array<i32>} : memref<6528xi32, #tpu.memory_space<vmem>>, vector<16xi32>,
        %mul3A_286 = arith.constant 400 : i32
        %mul3A_287 = arith.muli %scan3A_179, %mul3A_286 : i32
        %add3A_288 = arith.constant 144 : i32
        %add3A_289 = arith.addi %mul3A_287, %add3A_288 : i32
        %get3A_290 = arith.index_cast %add3A_289 : i32 to index
        %get3A_291 = tpu.vector_load %arg11[%get3A_290] {strides = array<i32>} : memref<6528xi32, #tpu.memory_space<vmem>>, vector<16xi32>,
        %mul3A_292 = arith.constant 400 : i32
        %mul3A_293 = arith.muli %scan3A_179, %mul3A_292 : i32
        %add3A_294 = arith.constant 160 : i32
        %add3A_295 = arith.addi %mul3A_293, %add3A_294 : i32
        %get3A_296 = arith.index_cast %add3A_295 : i32 to index
        %get3A_297 = tpu.vector_load %arg11[%get3A_296] {strides = array<i32>} : memref<6528xi32, #tpu.memory_space<vmem>>, vector<16xi32>,
        %mul3A_298 = arith.constant 400 : i32
        %mul3A_299 = arith.muli %scan3A_179, %mul3A_298 : i32
        %add3A_300 = arith.constant 176 : i32
        %add3A_301 = arith.addi %mul3A_299, %add3A_300 : i32
        %get3A_302 = arith.index_cast %add3A_301 : i32 to index
        %get3A_303 = tpu.vector_load %arg11[%get3A_302] {strides = array<i32>} : memref<6528xi32, #tpu.memory_space<vmem>>, vector<16xi32>,
        %mul3A_304 = arith.constant 400 : i32
        %mul3A_305 = arith.muli %scan3A_179, %mul3A_304 : i32
        %add3A_306 = arith.constant 192 : i32
        %add3A_307 = arith.addi %mul3A_305, %add3A_306 : i32
        %get3A_308 = arith.index_cast %add3A_307 : i32 to index
        %get3A_309 = tpu.vector_load %arg11[%get3A_308] {strides = array<i32>} : memref<6528xi32, #tpu.memory_space<vmem>>, vector<16xi32>,
        %mul3A_310 = arith.constant 400 : i32
        %mul3A_311 = arith.muli %scan3A_179, %mul3A_310 : i32
        %add3A_312 = arith.constant 208 : i32
        %add3A_313 = arith.addi %mul3A_311, %add3A_312 : i32
        %get3A_314 = arith.index_cast %add3A_313 : i32 to index
        %get3A_315 = tpu.vector_load %arg11[%get3A_314] {strides = array<i32>} : memref<6528xi32, #tpu.memory_space<vmem>>, vector<16xi32>,
        %mul3A_316 = arith.constant 400 : i32
        %mul3A_317 = arith.muli %scan3A_179, %mul3A_316 : i32
        %add3A_318 = arith.constant 224 : i32
        %add3A_319 = arith.addi %mul3A_317, %add3A_318 : i32
        %get3A_320 = arith.index_cast %add3A_319 : i32 to index
        %get3A_321 = tpu.vector_load %arg11[%get3A_320] {strides = array<i32>} : memref<6528xi32, #tpu.memory_space<vmem>>, vector<16xi32>,
        %mul3A_322 = arith.constant 400 : i32
        %mul3A_323 = arith.muli %scan3A_179, %mul3A_322 : i32
        %add3A_324 = arith.constant 240 : i32
        %add3A_325 = arith.addi %mul3A_323, %add3A_324 : i32
        %get3A_326 = arith.index_cast %add3A_325 : i32 to index
        %get3A_327 = tpu.vector_load %arg11[%get3A_326] {strides = array<i32>} : memref<6528xi32, #tpu.memory_space<vmem>>, vector<16xi32>,
        %mul3A_328 = arith.constant 400 : i32
        %mul3A_329 = arith.muli %scan3A_179, %mul3A_328 : i32
        %add3A_330 = arith.constant 256 : i32
        %add3A_331 = arith.addi %mul3A_329, %add3A_330 : i32
        %get3A_332 = arith.index_cast %add3A_331 : i32 to index
        %get3A_333 = tpu.vector_load %arg11[%get3A_332] {strides = array<i32>} : memref<6528xi32, #tpu.memory_space<vmem>>, vector<16xi32>,
        %mul3A_334 = arith.constant 400 : i32
        %mul3A_335 = arith.muli %scan3A_179, %mul3A_334 : i32
        %add3A_336 = arith.constant 272 : i32
        %add3A_337 = arith.addi %mul3A_335, %add3A_336 : i32
        %get3A_338 = arith.index_cast %add3A_337 : i32 to index
        %get3A_339 = tpu.vector_load %arg11[%get3A_338] {strides = array<i32>} : memref<6528xi32, #tpu.memory_space<vmem>>, vector<16xi32>,
        %mul3A_340 = arith.constant 400 : i32
        %mul3A_341 = arith.muli %scan3A_179, %mul3A_340 : i32
        %add3A_342 = arith.constant 288 : i32
        %add3A_343 = arith.addi %mul3A_341, %add3A_342 : i32
        %get3A_344 = arith.index_cast %add3A_343 : i32 to index
        %get3A_345 = tpu.vector_load %arg11[%get3A_344] {strides = array<i32>} : memref<6528xi32, #tpu.memory_space<vmem>>, vector<16xi32>,
        %mul3A_346 = arith.constant 400 : i32
        %mul3A_347 = arith.muli %scan3A_179, %mul3A_346 : i32
        %add3A_348 = arith.constant 304 : i32
        %add3A_349 = arith.addi %mul3A_347, %add3A_348 : i32
        %get3A_350 = arith.index_cast %add3A_349 : i32 to index
        %get3A_351 = tpu.vector_load %arg11[%get3A_350] {strides = array<i32>} : memref<6528xi32, #tpu.memory_space<vmem>>, vector<16xi32>,
        %mul3A_352 = arith.constant 400 : i32
        %mul3A_353 = arith.muli %scan3A_179, %mul3A_352 : i32
        %add3A_354 = arith.constant 320 : i32
        %add3A_355 = arith.addi %mul3A_353, %add3A_354 : i32
        %get3A_356 = arith.index_cast %add3A_355 : i32 to index
        %get3A_357 = tpu.vector_load %arg11[%get3A_356] {strides = array<i32>} : memref<6528xi32, #tpu.memory_space<vmem>>, vector<16xi32>,
        %mul3A_358 = arith.constant 400 : i32
        %mul3A_359 = arith.muli %scan3A_179, %mul3A_358 : i32
        %add3A_360 = arith.constant 336 : i32
        %add3A_361 = arith.addi %mul3A_359, %add3A_360 : i32
        %get3A_362 = arith.index_cast %add3A_361 : i32 to index
        %get3A_363 = tpu.vector_load %arg11[%get3A_362] {strides = array<i32>} : memref<6528xi32, #tpu.memory_space<vmem>>, vector<16xi32>,
        %mul3A_364 = arith.constant 400 : i32
        %mul3A_365 = arith.muli %scan3A_179, %mul3A_364 : i32
        %add3A_366 = arith.constant 352 : i32
        %add3A_367 = arith.addi %mul3A_365, %add3A_366 : i32
        %get3A_368 = arith.index_cast %add3A_367 : i32 to index
        %get3A_369 = tpu.vector_load %arg11[%get3A_368] {strides = array<i32>} : memref<6528xi32, #tpu.memory_space<vmem>>, vector<16xi32>,
        %mul3A_370 = arith.constant 400 : i32
        %mul3A_371 = arith.muli %scan3A_179, %mul3A_370 : i32
        %add3A_372 = arith.constant 368 : i32
        %add3A_373 = arith.addi %mul3A_371, %add3A_372 : i32
        %get3A_374 = arith.index_cast %add3A_373 : i32 to index
        %get3A_375 = tpu.vector_load %arg11[%get3A_374] {strides = array<i32>} : memref<6528xi32, #tpu.memory_space<vmem>>, vector<16xi32>,
        %mul3A_376 = arith.constant 400 : i32
        %mul3A_377 = arith.muli %scan3A_179, %mul3A_376 : i32
        %add3A_378 = arith.constant 384 : i32
        %add3A_379 = arith.addi %mul3A_377, %add3A_378 : i32
        %get3A_380 = arith.index_cast %add3A_379 : i32 to index
        %get3A_381 = tpu.vector_load %arg11[%get3A_380] {strides = array<i32>} : memref<6528xi32, #tpu.memory_space<vmem>>, vector<16xi32>,
        %broadcast_in_dim3A = arith.constant 0.000000e+00 : f32
        %broadcast_in_dim3A_382 = vector.broadcast %broadcast_in_dim3A : f32 to vector<16xf32>
        %scan3A_383 = arith.constant 0 : i32
        %scan3A_384 = arith.constant 128 : i32
        %scan3A_385 = arith.addi %scan3A_383, %scan3A_384 : i32
        %scan3A_386 = arith.constant 1 : i32
        %scan3A_387:25 = scf.for %scan3A_567 = %scan3A_383 to %scan3A_385 step %scan3A_386 iter_args(%scan3A_568 = %broadcast_in_dim3A_382, %scan3A_569 = %broadcast_in_dim3A_382, %scan3A_570 = %broadcast_in_dim3A_382, %scan3A_571 = %broadcast_in_dim3A_382, %scan3A_572 = %broadcast_in_dim3A_382, %scan3A_573 = %broadcast_in_dim3A_382, %scan3A_574 = %broadcast_in_dim3A_382, %scan3A_575 = %broadcast_in_dim3A_382, %scan3A_576 = %broadcast_in_dim3A_382, %scan3A_577 = %broadcast_in_dim3A_382, %scan3A_578 = %broadcast_in_dim3A_382, %scan3A_579 = %broadcast_in_dim3A_382, %scan3A_580 = %broadcast_in_dim3A_382, %scan3A_581 = %broadcast_in_dim3A_382, %scan3A_582 = %broadcast_in_dim3A_382, %scan3A_583 = %broadcast_in_dim3A_382, %scan3A_584 = %broadcast_in_dim3A_382, %scan3A_585 = %broadcast_in_dim3A_382, %scan3A_586 = %broadcast_in_dim3A_382, %scan3A_587 = %broadcast_in_dim3A_382, %scan3A_588 = %broadcast_in_dim3A_382, %scan3A_589 = %broadcast_in_dim3A_382, %scan3A_590 = %broadcast_in_dim3A_382, %scan3A_591 = %broadcast_in_dim3A_382, %scan3A_592 = %broadcast_in_dim3A_382) -> (vector<16xf32>, vector<16xf32>, vector<16xf32>, vector<16xf32>, vector<16xf32>, vector<16xf32>, vector<16xf32>, vector<16xf32>, vector<16xf32>, vector<16xf32>, vector<16xf32>, vector<16xf32>, vector<16xf32>, vector<16xf32>, vector<16xf32>, vector<16xf32>, vector<16xf32>, vector<16xf32>, vector<16xf32>, vector<16xf32>, vector<16xf32>, vector<16xf32>, vector<16xf32>, vector<16xf32>, vector<16xf32>)  : i32 {
          %add3A_593 = vector.broadcast %scan3A_567 : i32 to vector<16xi32>
          %add3A_594 = arith.addi %iota3A, %add3A_593 : vector<16xi32>
          %and3A_595 = arith.constant 127 : i32
          %and3A_596 = vector.broadcast %and3A_595 : i32 to vector<16xi32>
          %and3A_597 = arith.andi %add3A_594, %and3A_596 : vector<16xi32>
          %gather3A = tpu.vector_load_idx %arg12[%iota3A, %and3A_597] : memref<16x128xf32, #tpu.memory_space<vmem>>[vector<16xi32>, vector<16xi32>], vector<16xf32>,
          %gather3A_598 = tpu.vector_load_idx %arg13[%get3A_237, %and3A_597] : memref<832x128xf32, #tpu.memory_space<vmem>>[vector<16xi32>, vector<16xi32>], vector<16xf32>,
          %mul3A_599 = arith.mulf %gather3A_598, %gather3A : vector<16xf32>
          %add3A_600 = arith.addf %scan3A_568, %mul3A_599 : vector<16xf32>
          %gather3A_601 = tpu.vector_load_idx %arg13[%get3A_243, %and3A_597] : memref<832x128xf32, #tpu.memory_space<vmem>>[vector<16xi32>, vector<16xi32>], vector<16xf32>,
          %mul3A_602 = arith.mulf %gather3A_601, %gather3A : vector<16xf32>
          %add3A_603 = arith.addf %scan3A_569, %mul3A_602 : vector<16xf32>
          %gather3A_604 = tpu.vector_load_idx %arg13[%get3A_249, %and3A_597] : memref<832x128xf32, #tpu.memory_space<vmem>>[vector<16xi32>, vector<16xi32>], vector<16xf32>,
          %mul3A_605 = arith.mulf %gather3A_604, %gather3A : vector<16xf32>
          %add3A_606 = arith.addf %scan3A_570, %mul3A_605 : vector<16xf32>
          %gather3A_607 = tpu.vector_load_idx %arg13[%get3A_255, %and3A_597] : memref<832x128xf32, #tpu.memory_space<vmem>>[vector<16xi32>, vector<16xi32>], vector<16xf32>,
          %mul3A_608 = arith.mulf %gather3A_607, %gather3A : vector<16xf32>
          %add3A_609 = arith.addf %scan3A_571, %mul3A_608 : vector<16xf32>
          %gather3A_610 = tpu.vector_load_idx %arg13[%get3A_261, %and3A_597] : memref<832x128xf32, #tpu.memory_space<vmem>>[vector<16xi32>, vector<16xi32>], vector<16xf32>,
          %mul3A_611 = arith.mulf %gather3A_610, %gather3A : vector<16xf32>
          %add3A_612 = arith.addf %scan3A_572, %mul3A_611 : vector<16xf32>
          %gather3A_613 = tpu.vector_load_idx %arg13[%get3A_267, %and3A_597] : memref<832x128xf32, #tpu.memory_space<vmem>>[vector<16xi32>, vector<16xi32>], vector<16xf32>,
          %mul3A_614 = arith.mulf %gather3A_613, %gather3A : vector<16xf32>
          %add3A_615 = arith.addf %scan3A_573, %mul3A_614 : vector<16xf32>
          %gather3A_616 = tpu.vector_load_idx %arg13[%get3A_273, %and3A_597] : memref<832x128xf32, #tpu.memory_space<vmem>>[vector<16xi32>, vector<16xi32>], vector<16xf32>,
          %mul3A_617 = arith.mulf %gather3A_616, %gather3A : vector<16xf32>
          %add3A_618 = arith.addf %scan3A_574, %mul3A_617 : vector<16xf32>
          %gather3A_619 = tpu.vector_load_idx %arg13[%get3A_279, %and3A_597] : memref<832x128xf32, #tpu.memory_space<vmem>>[vector<16xi32>, vector<16xi32>], vector<16xf32>,
          %mul3A_620 = arith.mulf %gather3A_619, %gather3A : vector<16xf32>
          %add3A_621 = arith.addf %scan3A_575, %mul3A_620 : vector<16xf32>
          %gather3A_622 = tpu.vector_load_idx %arg13[%get3A_285, %and3A_597] : memref<832x128xf32, #tpu.memory_space<vmem>>[vector<16xi32>, vector<16xi32>], vector<16xf32>,
          %mul3A_623 = arith.mulf %gather3A_622, %gather3A : vector<16xf32>
          %add3A_624 = arith.addf %scan3A_576, %mul3A_623 : vector<16xf32>
          %gather3A_625 = tpu.vector_load_idx %arg13[%get3A_291, %and3A_597] : memref<832x128xf32, #tpu.memory_space<vmem>>[vector<16xi32>, vector<16xi32>], vector<16xf32>,
          %mul3A_626 = arith.mulf %gather3A_625, %gather3A : vector<16xf32>
          %add3A_627 = arith.addf %scan3A_577, %mul3A_626 : vector<16xf32>
          %gather3A_628 = tpu.vector_load_idx %arg13[%get3A_297, %and3A_597] : memref<832x128xf32, #tpu.memory_space<vmem>>[vector<16xi32>, vector<16xi32>], vector<16xf32>,
          %mul3A_629 = arith.mulf %gather3A_628, %gather3A : vector<16xf32>
          %add3A_630 = arith.addf %scan3A_578, %mul3A_629 : vector<16xf32>
          %gather3A_631 = tpu.vector_load_idx %arg13[%get3A_303, %and3A_597] : memref<832x128xf32, #tpu.memory_space<vmem>>[vector<16xi32>, vector<16xi32>], vector<16xf32>,
          %mul3A_632 = arith.mulf %gather3A_631, %gather3A : vector<16xf32>
          %add3A_633 = arith.addf %scan3A_579, %mul3A_632 : vector<16xf32>
          %gather3A_634 = tpu.vector_load_idx %arg13[%get3A_309, %and3A_597] : memref<832x128xf32, #tpu.memory_space<vmem>>[vector<16xi32>, vector<16xi32>], vector<16xf32>,
          %mul3A_635 = arith.mulf %gather3A_634, %gather3A : vector<16xf32>
          %add3A_636 = arith.addf %scan3A_580, %mul3A_635 : vector<16xf32>
          %gather3A_637 = tpu.vector_load_idx %arg13[%get3A_315, %and3A_597] : memref<832x128xf32, #tpu.memory_space<vmem>>[vector<16xi32>, vector<16xi32>], vector<16xf32>,
          %mul3A_638 = arith.mulf %gather3A_637, %gather3A : vector<16xf32>
          %add3A_639 = arith.addf %scan3A_581, %mul3A_638 : vector<16xf32>
          %gather3A_640 = tpu.vector_load_idx %arg13[%get3A_321, %and3A_597] : memref<832x128xf32, #tpu.memory_space<vmem>>[vector<16xi32>, vector<16xi32>], vector<16xf32>,
          %mul3A_641 = arith.mulf %gather3A_640, %gather3A : vector<16xf32>
          %add3A_642 = arith.addf %scan3A_582, %mul3A_641 : vector<16xf32>
          %gather3A_643 = tpu.vector_load_idx %arg13[%get3A_327, %and3A_597] : memref<832x128xf32, #tpu.memory_space<vmem>>[vector<16xi32>, vector<16xi32>], vector<16xf32>,
          %mul3A_644 = arith.mulf %gather3A_643, %gather3A : vector<16xf32>
          %add3A_645 = arith.addf %scan3A_583, %mul3A_644 : vector<16xf32>
          %gather3A_646 = tpu.vector_load_idx %arg13[%get3A_333, %and3A_597] : memref<832x128xf32, #tpu.memory_space<vmem>>[vector<16xi32>, vector<16xi32>], vector<16xf32>,
          %mul3A_647 = arith.mulf %gather3A_646, %gather3A : vector<16xf32>
          %add3A_648 = arith.addf %scan3A_584, %mul3A_647 : vector<16xf32>
          %gather3A_649 = tpu.vector_load_idx %arg13[%get3A_339, %and3A_597] : memref<832x128xf32, #tpu.memory_space<vmem>>[vector<16xi32>, vector<16xi32>], vector<16xf32>,
          %mul3A_650 = arith.mulf %gather3A_649, %gather3A : vector<16xf32>
          %add3A_651 = arith.addf %scan3A_585, %mul3A_650 : vector<16xf32>
          %gather3A_652 = tpu.vector_load_idx %arg13[%get3A_345, %and3A_597] : memref<832x128xf32, #tpu.memory_space<vmem>>[vector<16xi32>, vector<16xi32>], vector<16xf32>,
          %mul3A_653 = arith.mulf %gather3A_652, %gather3A : vector<16xf32>
          %add3A_654 = arith.addf %scan3A_586, %mul3A_653 : vector<16xf32>
          %gather3A_655 = tpu.vector_load_idx %arg13[%get3A_351, %and3A_597] : memref<832x128xf32, #tpu.memory_space<vmem>>[vector<16xi32>, vector<16xi32>], vector<16xf32>,
          %mul3A_656 = arith.mulf %gather3A_655, %gather3A : vector<16xf32>
          %add3A_657 = arith.addf %scan3A_587, %mul3A_656 : vector<16xf32>
          %gather3A_658 = tpu.vector_load_idx %arg13[%get3A_357, %and3A_597] : memref<832x128xf32, #tpu.memory_space<vmem>>[vector<16xi32>, vector<16xi32>], vector<16xf32>,
          %mul3A_659 = arith.mulf %gather3A_658, %gather3A : vector<16xf32>
          %add3A_660 = arith.addf %scan3A_588, %mul3A_659 : vector<16xf32>
          %gather3A_661 = tpu.vector_load_idx %arg13[%get3A_363, %and3A_597] : memref<832x128xf32, #tpu.memory_space<vmem>>[vector<16xi32>, vector<16xi32>], vector<16xf32>,
          %mul3A_662 = arith.mulf %gather3A_661, %gather3A : vector<16xf32>
          %add3A_663 = arith.addf %scan3A_589, %mul3A_662 : vector<16xf32>
          %gather3A_664 = tpu.vector_load_idx %arg13[%get3A_369, %and3A_597] : memref<832x128xf32, #tpu.memory_space<vmem>>[vector<16xi32>, vector<16xi32>], vector<16xf32>,
          %mul3A_665 = arith.mulf %gather3A_664, %gather3A : vector<16xf32>
          %add3A_666 = arith.addf %scan3A_590, %mul3A_665 : vector<16xf32>
          %gather3A_667 = tpu.vector_load_idx %arg13[%get3A_375, %and3A_597] : memref<832x128xf32, #tpu.memory_space<vmem>>[vector<16xi32>, vector<16xi32>], vector<16xf32>,
          %mul3A_668 = arith.mulf %gather3A_667, %gather3A : vector<16xf32>
          %add3A_669 = arith.addf %scan3A_591, %mul3A_668 : vector<16xf32>
          %gather3A_670 = tpu.vector_load_idx %arg13[%get3A_381, %and3A_597] : memref<832x128xf32, #tpu.memory_space<vmem>>[vector<16xi32>, vector<16xi32>], vector<16xf32>,
          %mul3A_671 = arith.mulf %gather3A_670, %gather3A : vector<16xf32>
          %add3A_672 = arith.addf %scan3A_592, %mul3A_671 : vector<16xf32>
          scf.yield %add3A_600, %add3A_603, %add3A_606, %add3A_609, %add3A_612, %add3A_615, %add3A_618, %add3A_621, %add3A_624, %add3A_627, %add3A_630, %add3A_633, %add3A_636, %add3A_639, %add3A_642, %add3A_645, %add3A_648, %add3A_651, %add3A_654, %add3A_657, %add3A_660, %add3A_663, %add3A_666, %add3A_669, %add3A_672 : vector<16xf32>, vector<16xf32>, vector<16xf32>, vector<16xf32>, vector<16xf32>, vector<16xf32>, vector<16xf32>, vector<16xf32>, vector<16xf32>, vector<16xf32>, vector<16xf32>, vector<16xf32>, vector<16xf32>, vector<16xf32>, vector<16xf32>, vector<16xf32>, vector<16xf32>, vector<16xf32>, vector<16xf32>, vector<16xf32>, vector<16xf32>, vector<16xf32>, vector<16xf32>, vector<16xf32>, vector<16xf32>
        }
        %scan3A_388 = arith.constant 128 : i32
        %swap3A = arith.constant 0 : i32
        %swap3A_389 = arith.index_cast %swap3A : i32 to index
        %swap3A_390 = arith.constant 0 : index
        %swap3A_391 = tpu.vector_load %arg14[%swap3A_389, %swap3A_390] {strides = array<i32>} : memref<16x32xf32, #tpu.memory_space<vmem>>, vector<16xf32>,
        tpu.vector_store %arg14[%swap3A_389, %swap3A_390], %broadcast_in_dim3A_382 {strides = array<i32>} : memref<16x32xf32, #tpu.memory_space<vmem>>, vector<16xf32>,
        %swap3A_392 = arith.constant 0 : i32
        %swap3A_393 = arith.index_cast %swap3A_392 : i32 to index
        %swap3A_394 = arith.constant 16 : index
        %swap3A_395 = tpu.vector_load %arg14[%swap3A_393, %swap3A_394] {strides = array<i32>} : memref<16x32xf32, #tpu.memory_space<vmem>>, vector<16xf32>,
        tpu.vector_store %arg14[%swap3A_393, %swap3A_394], %broadcast_in_dim3A_382 {strides = array<i32>} : memref<16x32xf32, #tpu.memory_space<vmem>>, vector<16xf32>,
        %swap3A_396 = arith.constant 1 : i32
        %swap3A_397 = arith.index_cast %swap3A_396 : i32 to index
        %swap3A_398 = arith.constant 0 : index
        %swap3A_399 = tpu.vector_load %arg14[%swap3A_397, %swap3A_398] {strides = array<i32>} : memref<16x32xf32, #tpu.memory_space<vmem>>, vector<16xf32>,
        tpu.vector_store %arg14[%swap3A_397, %swap3A_398], %broadcast_in_dim3A_382 {strides = array<i32>} : memref<16x32xf32, #tpu.memory_space<vmem>>, vector<16xf32>,
        %swap3A_400 = arith.constant 1 : i32
        %swap3A_401 = arith.index_cast %swap3A_400 : i32 to index
        %swap3A_402 = arith.constant 16 : index
        %swap3A_403 = tpu.vector_load %arg14[%swap3A_401, %swap3A_402] {strides = array<i32>} : memref<16x32xf32, #tpu.memory_space<vmem>>, vector<16xf32>,
        tpu.vector_store %arg14[%swap3A_401, %swap3A_402], %broadcast_in_dim3A_382 {strides = array<i32>} : memref<16x32xf32, #tpu.memory_space<vmem>>, vector<16xf32>,
        %swap3A_404 = arith.constant 2 : i32
        %swap3A_405 = arith.index_cast %swap3A_404 : i32 to index
        %swap3A_406 = arith.constant 0 : index
        %swap3A_407 = tpu.vector_load %arg14[%swap3A_405, %swap3A_406] {strides = array<i32>} : memref<16x32xf32, #tpu.memory_space<vmem>>, vector<16xf32>,
        tpu.vector_store %arg14[%swap3A_405, %swap3A_406], %broadcast_in_dim3A_382 {strides = array<i32>} : memref<16x32xf32, #tpu.memory_space<vmem>>, vector<16xf32>,
        %swap3A_408 = arith.constant 2 : i32
        %swap3A_409 = arith.index_cast %swap3A_408 : i32 to index
        %swap3A_410 = arith.constant 16 : index
        %swap3A_411 = tpu.vector_load %arg14[%swap3A_409, %swap3A_410] {strides = array<i32>} : memref<16x32xf32, #tpu.memory_space<vmem>>, vector<16xf32>,
        tpu.vector_store %arg14[%swap3A_409, %swap3A_410], %broadcast_in_dim3A_382 {strides = array<i32>} : memref<16x32xf32, #tpu.memory_space<vmem>>, vector<16xf32>,
        %swap3A_412 = arith.constant 3 : i32
        %swap3A_413 = arith.index_cast %swap3A_412 : i32 to index
        %swap3A_414 = arith.constant 0 : index
        %swap3A_415 = tpu.vector_load %arg14[%swap3A_413, %swap3A_414] {strides = array<i32>} : memref<16x32xf32, #tpu.memory_space<vmem>>, vector<16xf32>,
        tpu.vector_store %arg14[%swap3A_413, %swap3A_414], %broadcast_in_dim3A_382 {strides = array<i32>} : memref<16x32xf32, #tpu.memory_space<vmem>>, vector<16xf32>,
        %swap3A_416 = arith.constant 3 : i32
        %swap3A_417 = arith.index_cast %swap3A_416 : i32 to index
        %swap3A_418 = arith.constant 16 : index
        %swap3A_419 = tpu.vector_load %arg14[%swap3A_417, %swap3A_418] {strides = array<i32>} : memref<16x32xf32, #tpu.memory_space<vmem>>, vector<16xf32>,
        tpu.vector_store %arg14[%swap3A_417, %swap3A_418], %broadcast_in_dim3A_382 {strides = array<i32>} : memref<16x32xf32, #tpu.memory_space<vmem>>, vector<16xf32>,
        %swap3A_420 = arith.constant 4 : i32
        %swap3A_421 = arith.index_cast %swap3A_420 : i32 to index
        %swap3A_422 = arith.constant 0 : index
        %swap3A_423 = tpu.vector_load %arg14[%swap3A_421, %swap3A_422] {strides = array<i32>} : memref<16x32xf32, #tpu.memory_space<vmem>>, vector<16xf32>,
        tpu.vector_store %arg14[%swap3A_421, %swap3A_422], %broadcast_in_dim3A_382 {strides = array<i32>} : memref<16x32xf32, #tpu.memory_space<vmem>>, vector<16xf32>,
        %swap3A_424 = arith.constant 4 : i32
        %swap3A_425 = arith.index_cast %swap3A_424 : i32 to index
        %swap3A_426 = arith.constant 16 : index
        %swap3A_427 = tpu.vector_load %arg14[%swap3A_425, %swap3A_426] {strides = array<i32>} : memref<16x32xf32, #tpu.memory_space<vmem>>, vector<16xf32>,
        tpu.vector_store %arg14[%swap3A_425, %swap3A_426], %broadcast_in_dim3A_382 {strides = array<i32>} : memref<16x32xf32, #tpu.memory_space<vmem>>, vector<16xf32>,
        %swap3A_428 = arith.constant 5 : i32
        %swap3A_429 = arith.index_cast %swap3A_428 : i32 to index
        %swap3A_430 = arith.constant 0 : index
        %swap3A_431 = tpu.vector_load %arg14[%swap3A_429, %swap3A_430] {strides = array<i32>} : memref<16x32xf32, #tpu.memory_space<vmem>>, vector<16xf32>,
        tpu.vector_store %arg14[%swap3A_429, %swap3A_430], %broadcast_in_dim3A_382 {strides = array<i32>} : memref<16x32xf32, #tpu.memory_space<vmem>>, vector<16xf32>,
        %swap3A_432 = arith.constant 5 : i32
        %swap3A_433 = arith.index_cast %swap3A_432 : i32 to index
        %swap3A_434 = arith.constant 16 : index
        %swap3A_435 = tpu.vector_load %arg14[%swap3A_433, %swap3A_434] {strides = array<i32>} : memref<16x32xf32, #tpu.memory_space<vmem>>, vector<16xf32>,
        tpu.vector_store %arg14[%swap3A_433, %swap3A_434], %broadcast_in_dim3A_382 {strides = array<i32>} : memref<16x32xf32, #tpu.memory_space<vmem>>, vector<16xf32>,
        %swap3A_436 = arith.constant 6 : i32
        %swap3A_437 = arith.index_cast %swap3A_436 : i32 to index
        %swap3A_438 = arith.constant 0 : index
        %swap3A_439 = tpu.vector_load %arg14[%swap3A_437, %swap3A_438] {strides = array<i32>} : memref<16x32xf32, #tpu.memory_space<vmem>>, vector<16xf32>,
        tpu.vector_store %arg14[%swap3A_437, %swap3A_438], %broadcast_in_dim3A_382 {strides = array<i32>} : memref<16x32xf32, #tpu.memory_space<vmem>>, vector<16xf32>,
        %swap3A_440 = arith.constant 6 : i32
        %swap3A_441 = arith.index_cast %swap3A_440 : i32 to index
        %swap3A_442 = arith.constant 16 : index
        %swap3A_443 = tpu.vector_load %arg14[%swap3A_441, %swap3A_442] {strides = array<i32>} : memref<16x32xf32, #tpu.memory_space<vmem>>, vector<16xf32>,
        tpu.vector_store %arg14[%swap3A_441, %swap3A_442], %broadcast_in_dim3A_382 {strides = array<i32>} : memref<16x32xf32, #tpu.memory_space<vmem>>, vector<16xf32>,
        %swap3A_444 = arith.constant 7 : i32
        %swap3A_445 = arith.index_cast %swap3A_444 : i32 to index
        %swap3A_446 = arith.constant 0 : index
        %swap3A_447 = tpu.vector_load %arg14[%swap3A_445, %swap3A_446] {strides = array<i32>} : memref<16x32xf32, #tpu.memory_space<vmem>>, vector<16xf32>,
        tpu.vector_store %arg14[%swap3A_445, %swap3A_446], %broadcast_in_dim3A_382 {strides = array<i32>} : memref<16x32xf32, #tpu.memory_space<vmem>>, vector<16xf32>,
        %swap3A_448 = arith.constant 7 : i32
        %swap3A_449 = arith.index_cast %swap3A_448 : i32 to index
        %swap3A_450 = arith.constant 16 : index
        %swap3A_451 = tpu.vector_load %arg14[%swap3A_449, %swap3A_450] {strides = array<i32>} : memref<16x32xf32, #tpu.memory_space<vmem>>, vector<16xf32>,
        tpu.vector_store %arg14[%swap3A_449, %swap3A_450], %broadcast_in_dim3A_382 {strides = array<i32>} : memref<16x32xf32, #tpu.memory_space<vmem>>, vector<16xf32>,
        %swap3A_452 = arith.constant 8 : i32
        %swap3A_453 = arith.index_cast %swap3A_452 : i32 to index
        %swap3A_454 = arith.constant 0 : index
        %swap3A_455 = tpu.vector_load %arg14[%swap3A_453, %swap3A_454] {strides = array<i32>} : memref<16x32xf32, #tpu.memory_space<vmem>>, vector<16xf32>,
        tpu.vector_store %arg14[%swap3A_453, %swap3A_454], %broadcast_in_dim3A_382 {strides = array<i32>} : memref<16x32xf32, #tpu.memory_space<vmem>>, vector<16xf32>,
        %swap3A_456 = arith.constant 8 : i32
        %swap3A_457 = arith.index_cast %swap3A_456 : i32 to index
        %swap3A_458 = arith.constant 16 : index
        %swap3A_459 = tpu.vector_load %arg14[%swap3A_457, %swap3A_458] {strides = array<i32>} : memref<16x32xf32, #tpu.memory_space<vmem>>, vector<16xf32>,
        tpu.vector_store %arg14[%swap3A_457, %swap3A_458], %broadcast_in_dim3A_382 {strides = array<i32>} : memref<16x32xf32, #tpu.memory_space<vmem>>, vector<16xf32>,
        %swap3A_460 = arith.constant 9 : i32
        %swap3A_461 = arith.index_cast %swap3A_460 : i32 to index
        %swap3A_462 = arith.constant 0 : index
        %swap3A_463 = tpu.vector_load %arg14[%swap3A_461, %swap3A_462] {strides = array<i32>} : memref<16x32xf32, #tpu.memory_space<vmem>>, vector<16xf32>,
        tpu.vector_store %arg14[%swap3A_461, %swap3A_462], %broadcast_in_dim3A_382 {strides = array<i32>} : memref<16x32xf32, #tpu.memory_space<vmem>>, vector<16xf32>,
        %swap3A_464 = arith.constant 9 : i32
        %swap3A_465 = arith.index_cast %swap3A_464 : i32 to index
        %swap3A_466 = arith.constant 16 : index
        %swap3A_467 = tpu.vector_load %arg14[%swap3A_465, %swap3A_466] {strides = array<i32>} : memref<16x32xf32, #tpu.memory_space<vmem>>, vector<16xf32>,
        tpu.vector_store %arg14[%swap3A_465, %swap3A_466], %broadcast_in_dim3A_382 {strides = array<i32>} : memref<16x32xf32, #tpu.memory_space<vmem>>, vector<16xf32>,
        %swap3A_468 = arith.constant 10 : i32
        %swap3A_469 = arith.index_cast %swap3A_468 : i32 to index
        %swap3A_470 = arith.constant 0 : index
        %swap3A_471 = tpu.vector_load %arg14[%swap3A_469, %swap3A_470] {strides = array<i32>} : memref<16x32xf32, #tpu.memory_space<vmem>>, vector<16xf32>,
        tpu.vector_store %arg14[%swap3A_469, %swap3A_470], %broadcast_in_dim3A_382 {strides = array<i32>} : memref<16x32xf32, #tpu.memory_space<vmem>>, vector<16xf32>,
        %swap3A_472 = arith.constant 10 : i32
        %swap3A_473 = arith.index_cast %swap3A_472 : i32 to index
        %swap3A_474 = arith.constant 16 : index
        %swap3A_475 = tpu.vector_load %arg14[%swap3A_473, %swap3A_474] {strides = array<i32>} : memref<16x32xf32, #tpu.memory_space<vmem>>, vector<16xf32>,
        tpu.vector_store %arg14[%swap3A_473, %swap3A_474], %broadcast_in_dim3A_382 {strides = array<i32>} : memref<16x32xf32, #tpu.memory_space<vmem>>, vector<16xf32>,
        %swap3A_476 = arith.constant 11 : i32
        %swap3A_477 = arith.index_cast %swap3A_476 : i32 to index
        %swap3A_478 = arith.constant 0 : index
        %swap3A_479 = tpu.vector_load %arg14[%swap3A_477, %swap3A_478] {strides = array<i32>} : memref<16x32xf32, #tpu.memory_space<vmem>>, vector<16xf32>,
        tpu.vector_store %arg14[%swap3A_477, %swap3A_478], %broadcast_in_dim3A_382 {strides = array<i32>} : memref<16x32xf32, #tpu.memory_space<vmem>>, vector<16xf32>,
        %swap3A_480 = arith.constant 11 : i32
        %swap3A_481 = arith.index_cast %swap3A_480 : i32 to index
        %swap3A_482 = arith.constant 16 : index
        %swap3A_483 = tpu.vector_load %arg14[%swap3A_481, %swap3A_482] {strides = array<i32>} : memref<16x32xf32, #tpu.memory_space<vmem>>, vector<16xf32>,
        tpu.vector_store %arg14[%swap3A_481, %swap3A_482], %broadcast_in_dim3A_382 {strides = array<i32>} : memref<16x32xf32, #tpu.memory_space<vmem>>, vector<16xf32>,
        %swap3A_484 = arith.constant 12 : i32
        %swap3A_485 = arith.index_cast %swap3A_484 : i32 to index
        %swap3A_486 = arith.constant 0 : index
        %swap3A_487 = tpu.vector_load %arg14[%swap3A_485, %swap3A_486] {strides = array<i32>} : memref<16x32xf32, #tpu.memory_space<vmem>>, vector<16xf32>,
        tpu.vector_store %arg14[%swap3A_485, %swap3A_486], %broadcast_in_dim3A_382 {strides = array<i32>} : memref<16x32xf32, #tpu.memory_space<vmem>>, vector<16xf32>,
        %swap3A_488 = arith.constant 12 : i32
        %swap3A_489 = arith.index_cast %swap3A_488 : i32 to index
        %swap3A_490 = arith.constant 16 : index
        %swap3A_491 = tpu.vector_load %arg14[%swap3A_489, %swap3A_490] {strides = array<i32>} : memref<16x32xf32, #tpu.memory_space<vmem>>, vector<16xf32>,
        tpu.vector_store %arg14[%swap3A_489, %swap3A_490], %broadcast_in_dim3A_382 {strides = array<i32>} : memref<16x32xf32, #tpu.memory_space<vmem>>, vector<16xf32>,
        %swap3A_492 = arith.constant 13 : i32
        %swap3A_493 = arith.index_cast %swap3A_492 : i32 to index
        %swap3A_494 = arith.constant 0 : index
        %swap3A_495 = tpu.vector_load %arg14[%swap3A_493, %swap3A_494] {strides = array<i32>} : memref<16x32xf32, #tpu.memory_space<vmem>>, vector<16xf32>,
        tpu.vector_store %arg14[%swap3A_493, %swap3A_494], %broadcast_in_dim3A_382 {strides = array<i32>} : memref<16x32xf32, #tpu.memory_space<vmem>>, vector<16xf32>,
        %swap3A_496 = arith.constant 13 : i32
        %swap3A_497 = arith.index_cast %swap3A_496 : i32 to index
        %swap3A_498 = arith.constant 16 : index
        %swap3A_499 = tpu.vector_load %arg14[%swap3A_497, %swap3A_498] {strides = array<i32>} : memref<16x32xf32, #tpu.memory_space<vmem>>, vector<16xf32>,
        tpu.vector_store %arg14[%swap3A_497, %swap3A_498], %broadcast_in_dim3A_382 {strides = array<i32>} : memref<16x32xf32, #tpu.memory_space<vmem>>, vector<16xf32>,
        %swap3A_500 = arith.constant 14 : i32
        %swap3A_501 = arith.index_cast %swap3A_500 : i32 to index
        %swap3A_502 = arith.constant 0 : index
        %swap3A_503 = tpu.vector_load %arg14[%swap3A_501, %swap3A_502] {strides = array<i32>} : memref<16x32xf32, #tpu.memory_space<vmem>>, vector<16xf32>,
        tpu.vector_store %arg14[%swap3A_501, %swap3A_502], %broadcast_in_dim3A_382 {strides = array<i32>} : memref<16x32xf32, #tpu.memory_space<vmem>>, vector<16xf32>,
        %swap3A_504 = arith.constant 14 : i32
        %swap3A_505 = arith.index_cast %swap3A_504 : i32 to index
        %swap3A_506 = arith.constant 16 : index
        %swap3A_507 = tpu.vector_load %arg14[%swap3A_505, %swap3A_506] {strides = array<i32>} : memref<16x32xf32, #tpu.memory_space<vmem>>, vector<16xf32>,
        tpu.vector_store %arg14[%swap3A_505, %swap3A_506], %broadcast_in_dim3A_382 {strides = array<i32>} : memref<16x32xf32, #tpu.memory_space<vmem>>, vector<16xf32>,
        %swap3A_508 = arith.constant 15 : i32
        %swap3A_509 = arith.index_cast %swap3A_508 : i32 to index
        %swap3A_510 = arith.constant 0 : index
        %swap3A_511 = tpu.vector_load %arg14[%swap3A_509, %swap3A_510] {strides = array<i32>} : memref<16x32xf32, #tpu.memory_space<vmem>>, vector<16xf32>,
        tpu.vector_store %arg14[%swap3A_509, %swap3A_510], %broadcast_in_dim3A_382 {strides = array<i32>} : memref<16x32xf32, #tpu.memory_space<vmem>>, vector<16xf32>,
        %swap3A_512 = arith.constant 15 : i32
        %swap3A_513 = arith.index_cast %swap3A_512 : i32 to index
        %swap3A_514 = arith.constant 16 : index
        %swap3A_515 = tpu.vector_load %arg14[%swap3A_513, %swap3A_514] {strides = array<i32>} : memref<16x32xf32, #tpu.memory_space<vmem>>, vector<16xf32>,
        tpu.vector_store %arg14[%swap3A_513, %swap3A_514], %broadcast_in_dim3A_382 {strides = array<i32>} : memref<16x32xf32, #tpu.memory_space<vmem>>, vector<16xf32>,
        %broadcast_in_dim3A_516 = arith.constant 0 : i32
        %broadcast_in_dim3A_517 = vector.broadcast %broadcast_in_dim3A_516 : i32 to vector<16xi32>
        tpu.vector_store_idx %arg14[%iota3A, %broadcast_in_dim3A_517], %scan3A_387#0 : memref<16x32xf32, #tpu.memory_space<vmem>>[vector<16xi32>, vector<16xi32>], vector<16xf32>,
        %broadcast_in_dim3A_518 = arith.constant 1 : i32
        %broadcast_in_dim3A_519 = vector.broadcast %broadcast_in_dim3A_518 : i32 to vector<16xi32>
        tpu.vector_store_idx %arg14[%iota3A, %broadcast_in_dim3A_519], %scan3A_387#1 : memref<16x32xf32, #tpu.memory_space<vmem>>[vector<16xi32>, vector<16xi32>], vector<16xf32>,
        %broadcast_in_dim3A_520 = arith.constant 2 : i32
        %broadcast_in_dim3A_521 = vector.broadcast %broadcast_in_dim3A_520 : i32 to vector<16xi32>
        tpu.vector_store_idx %arg14[%iota3A, %broadcast_in_dim3A_521], %scan3A_387#2 : memref<16x32xf32, #tpu.memory_space<vmem>>[vector<16xi32>, vector<16xi32>], vector<16xf32>,
        %broadcast_in_dim3A_522 = arith.constant 3 : i32
        %broadcast_in_dim3A_523 = vector.broadcast %broadcast_in_dim3A_522 : i32 to vector<16xi32>
        tpu.vector_store_idx %arg14[%iota3A, %broadcast_in_dim3A_523], %scan3A_387#3 : memref<16x32xf32, #tpu.memory_space<vmem>>[vector<16xi32>, vector<16xi32>], vector<16xf32>,
        %broadcast_in_dim3A_524 = arith.constant 4 : i32
        %broadcast_in_dim3A_525 = vector.broadcast %broadcast_in_dim3A_524 : i32 to vector<16xi32>
        tpu.vector_store_idx %arg14[%iota3A, %broadcast_in_dim3A_525], %scan3A_387#4 : memref<16x32xf32, #tpu.memory_space<vmem>>[vector<16xi32>, vector<16xi32>], vector<16xf32>,
        %broadcast_in_dim3A_526 = arith.constant 5 : i32
        %broadcast_in_dim3A_527 = vector.broadcast %broadcast_in_dim3A_526 : i32 to vector<16xi32>
        tpu.vector_store_idx %arg14[%iota3A, %broadcast_in_dim3A_527], %scan3A_387#5 : memref<16x32xf32, #tpu.memory_space<vmem>>[vector<16xi32>, vector<16xi32>], vector<16xf32>,
        %broadcast_in_dim3A_528 = arith.constant 6 : i32
        %broadcast_in_dim3A_529 = vector.broadcast %broadcast_in_dim3A_528 : i32 to vector<16xi32>
        tpu.vector_store_idx %arg14[%iota3A, %broadcast_in_dim3A_529], %scan3A_387#6 : memref<16x32xf32, #tpu.memory_space<vmem>>[vector<16xi32>, vector<16xi32>], vector<16xf32>,
        %broadcast_in_dim3A_530 = arith.constant 7 : i32
        %broadcast_in_dim3A_531 = vector.broadcast %broadcast_in_dim3A_530 : i32 to vector<16xi32>
        tpu.vector_store_idx %arg14[%iota3A, %broadcast_in_dim3A_531], %scan3A_387#7 : memref<16x32xf32, #tpu.memory_space<vmem>>[vector<16xi32>, vector<16xi32>], vector<16xf32>,
        %broadcast_in_dim3A_532 = arith.constant 8 : i32
        %broadcast_in_dim3A_533 = vector.broadcast %broadcast_in_dim3A_532 : i32 to vector<16xi32>
        tpu.vector_store_idx %arg14[%iota3A, %broadcast_in_dim3A_533], %scan3A_387#8 : memref<16x32xf32, #tpu.memory_space<vmem>>[vector<16xi32>, vector<16xi32>], vector<16xf32>,
        %broadcast_in_dim3A_534 = arith.constant 9 : i32
        %broadcast_in_dim3A_535 = vector.broadcast %broadcast_in_dim3A_534 : i32 to vector<16xi32>
        tpu.vector_store_idx %arg14[%iota3A, %broadcast_in_dim3A_535], %scan3A_387#9 : memref<16x32xf32, #tpu.memory_space<vmem>>[vector<16xi32>, vector<16xi32>], vector<16xf32>,
        %broadcast_in_dim3A_536 = arith.constant 10 : i32
        %broadcast_in_dim3A_537 = vector.broadcast %broadcast_in_dim3A_536 : i32 to vector<16xi32>
        tpu.vector_store_idx %arg14[%iota3A, %broadcast_in_dim3A_537], %scan3A_387#10 : memref<16x32xf32, #tpu.memory_space<vmem>>[vector<16xi32>, vector<16xi32>], vector<16xf32>,
        %broadcast_in_dim3A_538 = arith.constant 11 : i32
        %broadcast_in_dim3A_539 = vector.broadcast %broadcast_in_dim3A_538 : i32 to vector<16xi32>
        tpu.vector_store_idx %arg14[%iota3A, %broadcast_in_dim3A_539], %scan3A_387#11 : memref<16x32xf32, #tpu.memory_space<vmem>>[vector<16xi32>, vector<16xi32>], vector<16xf32>,
        %broadcast_in_dim3A_540 = arith.constant 12 : i32
        %broadcast_in_dim3A_541 = vector.broadcast %broadcast_in_dim3A_540 : i32 to vector<16xi32>
        tpu.vector_store_idx %arg14[%iota3A, %broadcast_in_dim3A_541], %scan3A_387#12 : memref<16x32xf32, #tpu.memory_space<vmem>>[vector<16xi32>, vector<16xi32>], vector<16xf32>,
        %broadcast_in_dim3A_542 = arith.constant 13 : i32
        %broadcast_in_dim3A_543 = vector.broadcast %broadcast_in_dim3A_542 : i32 to vector<16xi32>
        tpu.vector_store_idx %arg14[%iota3A, %broadcast_in_dim3A_543], %scan3A_387#13 : memref<16x32xf32, #tpu.memory_space<vmem>>[vector<16xi32>, vector<16xi32>], vector<16xf32>,
        %broadcast_in_dim3A_544 = arith.constant 14 : i32
        %broadcast_in_dim3A_545 = vector.broadcast %broadcast_in_dim3A_544 : i32 to vector<16xi32>
        tpu.vector_store_idx %arg14[%iota3A, %broadcast_in_dim3A_545], %scan3A_387#14 : memref<16x32xf32, #tpu.memory_space<vmem>>[vector<16xi32>, vector<16xi32>], vector<16xf32>,
        %broadcast_in_dim3A_546 = arith.constant 15 : i32
        %broadcast_in_dim3A_547 = vector.broadcast %broadcast_in_dim3A_546 : i32 to vector<16xi32>
        tpu.vector_store_idx %arg14[%iota3A, %broadcast_in_dim3A_547], %scan3A_387#15 : memref<16x32xf32, #tpu.memory_space<vmem>>[vector<16xi32>, vector<16xi32>], vector<16xf32>,
        %broadcast_in_dim3A_548 = arith.constant 16 : i32
        %broadcast_in_dim3A_549 = vector.broadcast %broadcast_in_dim3A_548 : i32 to vector<16xi32>
        tpu.vector_store_idx %arg14[%iota3A, %broadcast_in_dim3A_549], %scan3A_387#16 : memref<16x32xf32, #tpu.memory_space<vmem>>[vector<16xi32>, vector<16xi32>], vector<16xf32>,
        %broadcast_in_dim3A_550 = arith.constant 17 : i32
        %broadcast_in_dim3A_551 = vector.broadcast %broadcast_in_dim3A_550 : i32 to vector<16xi32>
        tpu.vector_store_idx %arg14[%iota3A, %broadcast_in_dim3A_551], %scan3A_387#17 : memref<16x32xf32, #tpu.memory_space<vmem>>[vector<16xi32>, vector<16xi32>], vector<16xf32>,
        %broadcast_in_dim3A_552 = arith.constant 18 : i32
        %broadcast_in_dim3A_553 = vector.broadcast %broadcast_in_dim3A_552 : i32 to vector<16xi32>
        tpu.vector_store_idx %arg14[%iota3A, %broadcast_in_dim3A_553], %scan3A_387#18 : memref<16x32xf32, #tpu.memory_space<vmem>>[vector<16xi32>, vector<16xi32>], vector<16xf32>,
        %broadcast_in_dim3A_554 = arith.constant 19 : i32
        %broadcast_in_dim3A_555 = vector.broadcast %broadcast_in_dim3A_554 : i32 to vector<16xi32>
        tpu.vector_store_idx %arg14[%iota3A, %broadcast_in_dim3A_555], %scan3A_387#19 : memref<16x32xf32, #tpu.memory_space<vmem>>[vector<16xi32>, vector<16xi32>], vector<16xf32>,
        %broadcast_in_dim3A_556 = arith.constant 20 : i32
        %broadcast_in_dim3A_557 = vector.broadcast %broadcast_in_dim3A_556 : i32 to vector<16xi32>
        tpu.vector_store_idx %arg14[%iota3A, %broadcast_in_dim3A_557], %scan3A_387#20 : memref<16x32xf32, #tpu.memory_space<vmem>>[vector<16xi32>, vector<16xi32>], vector<16xf32>,
        %broadcast_in_dim3A_558 = arith.constant 21 : i32
        %broadcast_in_dim3A_559 = vector.broadcast %broadcast_in_dim3A_558 : i32 to vector<16xi32>
        tpu.vector_store_idx %arg14[%iota3A, %broadcast_in_dim3A_559], %scan3A_387#21 : memref<16x32xf32, #tpu.memory_space<vmem>>[vector<16xi32>, vector<16xi32>], vector<16xf32>,
        %broadcast_in_dim3A_560 = arith.constant 22 : i32
        %broadcast_in_dim3A_561 = vector.broadcast %broadcast_in_dim3A_560 : i32 to vector<16xi32>
        tpu.vector_store_idx %arg14[%iota3A, %broadcast_in_dim3A_561], %scan3A_387#22 : memref<16x32xf32, #tpu.memory_space<vmem>>[vector<16xi32>, vector<16xi32>], vector<16xf32>,
        %broadcast_in_dim3A_562 = arith.constant 23 : i32
        %broadcast_in_dim3A_563 = vector.broadcast %broadcast_in_dim3A_562 : i32 to vector<16xi32>
        tpu.vector_store_idx %arg14[%iota3A, %broadcast_in_dim3A_563], %scan3A_387#23 : memref<16x32xf32, #tpu.memory_space<vmem>>[vector<16xi32>, vector<16xi32>], vector<16xf32>,
        %broadcast_in_dim3A_564 = arith.constant 24 : i32
        %broadcast_in_dim3A_565 = vector.broadcast %broadcast_in_dim3A_564 : i32 to vector<16xi32>
        tpu.vector_store_idx %arg14[%iota3A, %broadcast_in_dim3A_565], %scan3A_387#24 : memref<16x32xf32, #tpu.memory_space<vmem>>[vector<16xi32>, vector<16xi32>], vector<16xf32>,
        %add3A_566 = arith.addi %mul3A_2, %mul3A_230 : i32
        "tpu.region"() ({
          %run_scoped3A = tpu.sem_alloc : memref<!tpu.dma_semaphore, #tpu.memory_space<semaphore_mem>>
          %dma_start3A_567 = arith.constant 0 : i32
          %dma_start3A_568 = tpu.memref_slice %arg6[%add3A_566, %dma_start3A_567] : memref<8192x32xf32, #tpu.memory_space<hbm>> -> memref<16x32xf32, #tpu.memory_space<hbm>>
          %dma_start3A_569 = arith.constant 0 : i32
          %dma_start3A_570 = tpu.memref_slice %arg6[%add3A_566, %dma_start3A_569] : memref<8192x32xf32, #tpu.memory_space<hbm>> -> memref<16x32xf32, #tpu.memory_space<hbm>>
          tpu.enqueue_dma source(%arg14 : memref<16x32xf32, #tpu.memory_space<vmem>>) target(%dma_start3A_570 : memref<16x32xf32, #tpu.memory_space<hbm>>) target_semaphore(%run_scoped3A : memref<!tpu.dma_semaphore, #tpu.memory_space<semaphore_mem>>)
          %dma_wait3A_571 = arith.constant 0 : i32
          %dma_wait3A_572 = tpu.memref_slice %arg6[%add3A_566, %dma_wait3A_571] : memref<8192x32xf32, #tpu.memory_space<hbm>> -> memref<16x32xf32, #tpu.memory_space<hbm>>
          %dma_wait3A_573 = arith.constant 0 : i32
          %dma_wait3A_574 = tpu.memref_slice %arg6[%add3A_566, %dma_wait3A_573] : memref<8192x32xf32, #tpu.memory_space<hbm>> -> memref<16x32xf32, #tpu.memory_space<hbm>>
          tpu.wait_dma2 semaphore(%run_scoped3A : memref<!tpu.dma_semaphore, #tpu.memory_space<semaphore_mem>>) src(%arg14 : memref<16x32xf32, #tpu.memory_space<vmem>>) dst(%dma_wait3A_574 : memref<16x32xf32, #tpu.memory_space<hbm>>)
          tpu.yield
        }) : () -> ()
      } else {
      }
      %not3A = arith.constant true
      %not3A_195 = arith.xori %eq3A_191, %not3A : i1
      %convert_element_type3A_196 = arith.extui %not3A_195 : i1 to i32
      %cond3A_197 = arith.constant 0 : i32
      %cond3A_198 = arith.cmpi ne, %convert_element_type3A_196, %cond3A_197 : i32
      scf.if %cond3A_198 {
        %add3A_200 = arith.constant 1 : i32
        %add3A_201 = arith.addi %scan3A_179, %add3A_200 : i32
        %lt3A_202 = arith.constant 16 : i32
        %lt3A_203 = arith.cmpi slt, %add3A_201, %lt3A_202 : i32
        %convert_element_type3A_204 = arith.extui %lt3A_203 : i1 to i32
        %cond3A_205 = arith.constant 0 : i32
        %cond3A_206 = arith.cmpi ne, %convert_element_type3A_204, %cond3A_205 : i32
        scf.if %cond3A_206 {
          %add3A_567 = arith.constant 1 : i32
          %add3A_568 = arith.addi %scan3A_179, %add3A_567 : i32
          %get3A_569 = arith.index_cast %add3A_568 : i32 to index
          %get3A_570 = memref.load %arg15[%get3A_569] : memref<16xi32, #tpu.memory_space<smem>>
          %gt3A_571 = arith.constant 0 : i32
          %gt3A_572 = arith.cmpi sgt, %get3A_570, %gt3A_571 : i32
          %convert_element_type3A_573 = arith.extui %gt3A_572 : i1 to i32
          %cond3A_574 = arith.constant 0 : i32
          %cond3A_575 = arith.cmpi ne, %convert_element_type3A_573, %cond3A_574 : i32
          scf.if %cond3A_575 {
            %mul3A_591 = arith.constant 400 : i32
            %mul3A_592 = arith.muli %add3A_568, %mul3A_591 : i32
            %add3A_593 = arith.constant 0 : i32
            %add3A_594 = arith.addi %mul3A_592, %add3A_593 : i32
            %dma_start3A_595 = arith.constant 0 : i32
            %dma_start3A_596 = arith.constant 0 : i32
            %dma_start3A_597 = tpu.memref_slice %arg13[%dma_start3A_595, %dma_start3A_596] : memref<832x128xf32, #tpu.memory_space<vmem>> -> memref<96x128xf32, #tpu.memory_space<vmem>>
            %dma_start3A_598 = tpu.memref_slice %arg10[%add3A_594] : memref<6416xi32, #tpu.memory_space<vmem>> -> memref<96xi32, #tpu.memory_space<vmem>>
            %dma_start3A_599 = arith.constant 0 : i32
            %dma_start3A_600 = arith.constant 0 : i32
            %dma_start3A_601 = tpu.memref_slice %arg5[%dma_start3A_599, %dma_start3A_600] : memref<99999x128xf32, #tpu.memory_space<hbm>> -> memref<99999x128xf32, #tpu.memory_space<hbm>>
            tpu.enqueue_indirect_dma source(%dma_start3A_601 : memref<99999x128xf32, #tpu.memory_space<hbm>>) target(%dma_start3A_597 : memref<96x128xf32, #tpu.memory_space<vmem>>) offsets(%dma_start3A_598 : memref<96xi32, #tpu.memory_space<vmem>>) semaphore(%arg17 : memref<!tpu.dma_semaphore, #tpu.memory_space<semaphore_mem>>)
          } else {
          }
          %gt3A_576 = arith.constant 96 : i32
          %gt3A_577 = arith.cmpi sgt, %get3A_570, %gt3A_576 : i32
          %convert_element_type3A_578 = arith.extui %gt3A_577 : i1 to i32
          %cond3A_579 = arith.constant 0 : i32
          %cond3A_580 = arith.cmpi ne, %convert_element_type3A_578, %cond3A_579 : i32
          scf.if %cond3A_580 {
            %mul3A_591 = arith.constant 400 : i32
            %mul3A_592 = arith.muli %add3A_568, %mul3A_591 : i32
            %add3A_593 = arith.constant 96 : i32
            %add3A_594 = arith.addi %mul3A_592, %add3A_593 : i32
            %dma_start3A_595 = arith.constant 96 : i32
            %dma_start3A_596 = arith.constant 0 : i32
            %dma_start3A_597 = tpu.memref_slice %arg13[%dma_start3A_595, %dma_start3A_596] : memref<832x128xf32, #tpu.memory_space<vmem>> -> memref<96x128xf32, #tpu.memory_space<vmem>>
            %dma_start3A_598 = tpu.memref_slice %arg10[%add3A_594] : memref<6416xi32, #tpu.memory_space<vmem>> -> memref<96xi32, #tpu.memory_space<vmem>>
            %dma_start3A_599 = arith.constant 0 : i32
            %dma_start3A_600 = arith.constant 0 : i32
            %dma_start3A_601 = tpu.memref_slice %arg5[%dma_start3A_599, %dma_start3A_600] : memref<99999x128xf32, #tpu.memory_space<hbm>> -> memref<99999x128xf32, #tpu.memory_space<hbm>>
            tpu.enqueue_indirect_dma source(%dma_start3A_601 : memref<99999x128xf32, #tpu.memory_space<hbm>>) target(%dma_start3A_597 : memref<96x128xf32, #tpu.memory_space<vmem>>) offsets(%dma_start3A_598 : memref<96xi32, #tpu.memory_space<vmem>>) semaphore(%arg17 : memref<!tpu.dma_semaphore, #tpu.memory_space<semaphore_mem>>)
          } else {
          }
          %gt3A_581 = arith.constant 192 : i32
          %gt3A_582 = arith.cmpi sgt, %get3A_570, %gt3A_581 : i32
          %convert_element_type3A_583 = arith.extui %gt3A_582 : i1 to i32
          %cond3A_584 = arith.constant 0 : i32
          %cond3A_585 = arith.cmpi ne, %convert_element_type3A_583, %cond3A_584 : i32
          scf.if %cond3A_585 {
            %mul3A_591 = arith.constant 400 : i32
            %mul3A_592 = arith.muli %add3A_568, %mul3A_591 : i32
            %add3A_593 = arith.constant 192 : i32
            %add3A_594 = arith.addi %mul3A_592, %add3A_593 : i32
            %dma_start3A_595 = arith.constant 192 : i32
            %dma_start3A_596 = arith.constant 0 : i32
            %dma_start3A_597 = tpu.memref_slice %arg13[%dma_start3A_595, %dma_start3A_596] : memref<832x128xf32, #tpu.memory_space<vmem>> -> memref<96x128xf32, #tpu.memory_space<vmem>>
            %dma_start3A_598 = tpu.memref_slice %arg10[%add3A_594] : memref<6416xi32, #tpu.memory_space<vmem>> -> memref<96xi32, #tpu.memory_space<vmem>>
            %dma_start3A_599 = arith.constant 0 : i32
            %dma_start3A_600 = arith.constant 0 : i32
            %dma_start3A_601 = tpu.memref_slice %arg5[%dma_start3A_599, %dma_start3A_600] : memref<99999x128xf32, #tpu.memory_space<hbm>> -> memref<99999x128xf32, #tpu.memory_space<hbm>>
            tpu.enqueue_indirect_dma source(%dma_start3A_601 : memref<99999x128xf32, #tpu.memory_space<hbm>>) target(%dma_start3A_597 : memref<96x128xf32, #tpu.memory_space<vmem>>) offsets(%dma_start3A_598 : memref<96xi32, #tpu.memory_space<vmem>>) semaphore(%arg17 : memref<!tpu.dma_semaphore, #tpu.memory_space<semaphore_mem>>)
          } else {
          }
          %gt3A_586 = arith.constant 288 : i32
          %gt3A_587 = arith.cmpi sgt, %get3A_570, %gt3A_586 : i32
          %convert_element_type3A_588 = arith.extui %gt3A_587 : i1 to i32
          %cond3A_589 = arith.constant 0 : i32
          %cond3A_590 = arith.cmpi ne, %convert_element_type3A_588, %cond3A_589 : i32
          scf.if %cond3A_590 {
            %mul3A_591 = arith.constant 400 : i32
            %mul3A_592 = arith.muli %add3A_568, %mul3A_591 : i32
            %add3A_593 = arith.constant 288 : i32
            %add3A_594 = arith.addi %mul3A_592, %add3A_593 : i32
            %dma_start3A_595 = arith.constant 288 : i32
            %dma_start3A_596 = arith.constant 0 : i32
            %dma_start3A_597 = tpu.memref_slice %arg13[%dma_start3A_595, %dma_start3A_596] : memref<832x128xf32, #tpu.memory_space<vmem>> -> memref<96x128xf32, #tpu.memory_space<vmem>>
            %dma_start3A_598 = tpu.memref_slice %arg10[%add3A_594] : memref<6416xi32, #tpu.memory_space<vmem>> -> memref<96xi32, #tpu.memory_space<vmem>>
            %dma_start3A_599 = arith.constant 0 : i32
            %dma_start3A_600 = arith.constant 0 : i32
            %dma_start3A_601 = tpu.memref_slice %arg5[%dma_start3A_599, %dma_start3A_600] : memref<99999x128xf32, #tpu.memory_space<hbm>> -> memref<99999x128xf32, #tpu.memory_space<hbm>>
            tpu.enqueue_indirect_dma source(%dma_start3A_601 : memref<99999x128xf32, #tpu.memory_space<hbm>>) target(%dma_start3A_597 : memref<96x128xf32, #tpu.memory_space<vmem>>) offsets(%dma_start3A_598 : memref<96xi32, #tpu.memory_space<vmem>>) semaphore(%arg17 : memref<!tpu.dma_semaphore, #tpu.memory_space<semaphore_mem>>)
          } else {
          }
        } else {
        }
        %get3A_207 = arith.index_cast %scan3A_179 : i32 to index
        %get3A_208 = memref.load %arg15[%get3A_207] : memref<16xi32, #tpu.memory_space<smem>>
        %gt3A_209 = arith.constant 0 : i32
        %gt3A_210 = arith.cmpi sgt, %get3A_208, %gt3A_209 : i32
        %convert_element_type3A_211 = arith.extui %gt3A_210 : i1 to i32
        %cond3A_212 = arith.constant 0 : i32
        %cond3A_213 = arith.cmpi ne, %convert_element_type3A_211, %cond3A_212 : i32
        scf.if %cond3A_213 {
          %mul3A_567 = arith.constant 400 : i32
          %mul3A_568 = arith.muli %scan3A_179, %mul3A_567 : i32
          %add3A_569 = arith.constant 0 : i32
          %add3A_570 = arith.addi %mul3A_568, %add3A_569 : i32
          %dma_wait3A_571 = arith.constant 384 : i32
          %dma_wait3A_572 = arith.constant 0 : i32
          %dma_wait3A_573 = tpu.memref_slice %arg13[%dma_wait3A_571, %dma_wait3A_572] : memref<832x128xf32, #tpu.memory_space<vmem>> -> memref<96x128xf32, #tpu.memory_space<vmem>>
          %dma_wait3A_574 = tpu.memref_slice %arg10[%add3A_570] : memref<6416xi32, #tpu.memory_space<vmem>> -> memref<96xi32, #tpu.memory_space<vmem>>
          %dma_wait3A_575 = arith.constant 0 : i32
          %dma_wait3A_576 = arith.constant 0 : i32
          %dma_wait3A_577 = tpu.memref_slice %arg5[%dma_wait3A_575, %dma_wait3A_576] : memref<99999x128xf32, #tpu.memory_space<hbm>> -> memref<99999x128xf32, #tpu.memory_space<hbm>>
          tpu.wait_indirect_dma semaphore(%arg18 : memref<!tpu.dma_semaphore, #tpu.memory_space<semaphore_mem>>) src(%dma_wait3A_577 : memref<99999x128xf32, #tpu.memory_space<hbm>>) dst(%dma_wait3A_573 : memref<96x128xf32, #tpu.memory_space<vmem>>)
        } else {
        }
        %gt3A_214 = arith.constant 96 : i32
        %gt3A_215 = arith.cmpi sgt, %get3A_208, %gt3A_214 : i32
        %convert_element_type3A_216 = arith.extui %gt3A_215 : i1 to i32
        %cond3A_217 = arith.constant 0 : i32
        %cond3A_218 = arith.cmpi ne, %convert_element_type3A_216, %cond3A_217 : i32
        scf.if %cond3A_218 {
          %mul3A_567 = arith.constant 400 : i32
          %mul3A_568 = arith.muli %scan3A_179, %mul3A_567 : i32
          %add3A_569 = arith.constant 96 : i32
          %add3A_570 = arith.addi %mul3A_568, %add3A_569 : i32
          %dma_wait3A_571 = arith.constant 480 : i32
          %dma_wait3A_572 = arith.constant 0 : i32
          %dma_wait3A_573 = tpu.memref_slice %arg13[%dma_wait3A_571, %dma_wait3A_572] : memref<832x128xf32, #tpu.memory_space<vmem>> -> memref<96x128xf32, #tpu.memory_space<vmem>>
          %dma_wait3A_574 = tpu.memref_slice %arg10[%add3A_570] : memref<6416xi32, #tpu.memory_space<vmem>> -> memref<96xi32, #tpu.memory_space<vmem>>
          %dma_wait3A_575 = arith.constant 0 : i32
          %dma_wait3A_576 = arith.constant 0 : i32
          %dma_wait3A_577 = tpu.memref_slice %arg5[%dma_wait3A_575, %dma_wait3A_576] : memref<99999x128xf32, #tpu.memory_space<hbm>> -> memref<99999x128xf32, #tpu.memory_space<hbm>>
          tpu.wait_indirect_dma semaphore(%arg18 : memref<!tpu.dma_semaphore, #tpu.memory_space<semaphore_mem>>) src(%dma_wait3A_577 : memref<99999x128xf32, #tpu.memory_space<hbm>>) dst(%dma_wait3A_573 : memref<96x128xf32, #tpu.memory_space<vmem>>)
        } else {
        }
        %gt3A_219 = arith.constant 192 : i32
        %gt3A_220 = arith.cmpi sgt, %get3A_208, %gt3A_219 : i32
        %convert_element_type3A_221 = arith.extui %gt3A_220 : i1 to i32
        %cond3A_222 = arith.constant 0 : i32
        %cond3A_223 = arith.cmpi ne, %convert_element_type3A_221, %cond3A_222 : i32
        scf.if %cond3A_223 {
          %mul3A_567 = arith.constant 400 : i32
          %mul3A_568 = arith.muli %scan3A_179, %mul3A_567 : i32
          %add3A_569 = arith.constant 192 : i32
          %add3A_570 = arith.addi %mul3A_568, %add3A_569 : i32
          %dma_wait3A_571 = arith.constant 576 : i32
          %dma_wait3A_572 = arith.constant 0 : i32
          %dma_wait3A_573 = tpu.memref_slice %arg13[%dma_wait3A_571, %dma_wait3A_572] : memref<832x128xf32, #tpu.memory_space<vmem>> -> memref<96x128xf32, #tpu.memory_space<vmem>>
          %dma_wait3A_574 = tpu.memref_slice %arg10[%add3A_570] : memref<6416xi32, #tpu.memory_space<vmem>> -> memref<96xi32, #tpu.memory_space<vmem>>
          %dma_wait3A_575 = arith.constant 0 : i32
          %dma_wait3A_576 = arith.constant 0 : i32
          %dma_wait3A_577 = tpu.memref_slice %arg5[%dma_wait3A_575, %dma_wait3A_576] : memref<99999x128xf32, #tpu.memory_space<hbm>> -> memref<99999x128xf32, #tpu.memory_space<hbm>>
          tpu.wait_indirect_dma semaphore(%arg18 : memref<!tpu.dma_semaphore, #tpu.memory_space<semaphore_mem>>) src(%dma_wait3A_577 : memref<99999x128xf32, #tpu.memory_space<hbm>>) dst(%dma_wait3A_573 : memref<96x128xf32, #tpu.memory_space<vmem>>)
        } else {
        }
        %gt3A_224 = arith.constant 288 : i32
        %gt3A_225 = arith.cmpi sgt, %get3A_208, %gt3A_224 : i32
        %convert_element_type3A_226 = arith.extui %gt3A_225 : i1 to i32
        %cond3A_227 = arith.constant 0 : i32
        %cond3A_228 = arith.cmpi ne, %convert_element_type3A_226, %cond3A_227 : i32
        scf.if %cond3A_228 {
          %mul3A_567 = arith.constant 400 : i32
          %mul3A_568 = arith.muli %scan3A_179, %mul3A_567 : i32
          %add3A_569 = arith.constant 288 : i32
          %add3A_570 = arith.addi %mul3A_568, %add3A_569 : i32
          %dma_wait3A_571 = arith.constant 672 : i32
          %dma_wait3A_572 = arith.constant 0 : i32
          %dma_wait3A_573 = tpu.memref_slice %arg13[%dma_wait3A_571, %dma_wait3A_572] : memref<832x128xf32, #tpu.memory_space<vmem>> -> memref<96x128xf32, #tpu.memory_space<vmem>>
          %dma_wait3A_574 = tpu.memref_slice %arg10[%add3A_570] : memref<6416xi32, #tpu.memory_space<vmem>> -> memref<96xi32, #tpu.memory_space<vmem>>
          %dma_wait3A_575 = arith.constant 0 : i32
          %dma_wait3A_576 = arith.constant 0 : i32
          %dma_wait3A_577 = tpu.memref_slice %arg5[%dma_wait3A_575, %dma_wait3A_576] : memref<99999x128xf32, #tpu.memory_space<hbm>> -> memref<99999x128xf32, #tpu.memory_space<hbm>>
          tpu.wait_indirect_dma semaphore(%arg18 : memref<!tpu.dma_semaphore, #tpu.memory_space<semaphore_mem>>) src(%dma_wait3A_577 : memref<99999x128xf32, #tpu.memory_space<hbm>>) dst(%dma_wait3A_573 : memref<96x128xf32, #tpu.memory_space<vmem>>)
        } else {
        }
        %mul3A_229 = arith.constant 16 : i32
        %mul3A_230 = arith.muli %scan3A_179, %mul3A_229 : i32
        %add3A_231 = arith.addi %mul3A_2, %mul3A_230 : i32
        "tpu.region"() ({
          %run_scoped3A = tpu.sem_alloc : memref<!tpu.dma_semaphore, #tpu.memory_space<semaphore_mem>>
          %dma_start3A_567 = arith.constant 0 : i32
          %dma_start3A_568 = tpu.memref_slice %arg4[%add3A_231, %dma_start3A_567] : memref<8192x128xf32, #tpu.memory_space<hbm>> -> memref<16x128xf32, #tpu.memory_space<hbm>>
          %dma_start3A_569 = arith.constant 0 : i32
          %dma_start3A_570 = tpu.memref_slice %arg4[%add3A_231, %dma_start3A_569] : memref<8192x128xf32, #tpu.memory_space<hbm>> -> memref<16x128xf32, #tpu.memory_space<hbm>>
          tpu.enqueue_dma source(%dma_start3A_570 : memref<16x128xf32, #tpu.memory_space<hbm>>) target(%arg12 : memref<16x128xf32, #tpu.memory_space<vmem>>) target_semaphore(%run_scoped3A : memref<!tpu.dma_semaphore, #tpu.memory_space<semaphore_mem>>)
          %dma_wait3A_571 = arith.constant 0 : i32
          %dma_wait3A_572 = tpu.memref_slice %arg4[%add3A_231, %dma_wait3A_571] : memref<8192x128xf32, #tpu.memory_space<hbm>> -> memref<16x128xf32, #tpu.memory_space<hbm>>
          %dma_wait3A_573 = arith.constant 0 : i32
          %dma_wait3A_574 = tpu.memref_slice %arg4[%add3A_231, %dma_wait3A_573] : memref<8192x128xf32, #tpu.memory_space<hbm>> -> memref<16x128xf32, #tpu.memory_space<hbm>>
          tpu.wait_dma2 semaphore(%run_scoped3A : memref<!tpu.dma_semaphore, #tpu.memory_space<semaphore_mem>>) src(%dma_wait3A_574 : memref<16x128xf32, #tpu.memory_space<hbm>>) dst(%arg12 : memref<16x128xf32, #tpu.memory_space<vmem>>)
          tpu.yield
        }) : () -> ()
        %mul3A_232 = arith.constant 400 : i32
        %mul3A_233 = arith.muli %scan3A_179, %mul3A_232 : i32
        %add3A_234 = arith.constant 0 : i32
        %add3A_235 = arith.addi %mul3A_233, %add3A_234 : i32
        %get3A_236 = arith.index_cast %add3A_235 : i32 to index
        %get3A_237 = tpu.vector_load %arg11[%get3A_236] {strides = array<i32>} : memref<6528xi32, #tpu.memory_space<vmem>>, vector<16xi32>,
        %mul3A_238 = arith.constant 400 : i32
        %mul3A_239 = arith.muli %scan3A_179, %mul3A_238 : i32
        %add3A_240 = arith.constant 16 : i32
        %add3A_241 = arith.addi %mul3A_239, %add3A_240 : i32
        %get3A_242 = arith.index_cast %add3A_241 : i32 to index
        %get3A_243 = tpu.vector_load %arg11[%get3A_242] {strides = array<i32>} : memref<6528xi32, #tpu.memory_space<vmem>>, vector<16xi32>,
        %mul3A_244 = arith.constant 400 : i32
        %mul3A_245 = arith.muli %scan3A_179, %mul3A_244 : i32
        %add3A_246 = arith.constant 32 : i32
        %add3A_247 = arith.addi %mul3A_245, %add3A_246 : i32
        %get3A_248 = arith.index_cast %add3A_247 : i32 to index
        %get3A_249 = tpu.vector_load %arg11[%get3A_248] {strides = array<i32>} : memref<6528xi32, #tpu.memory_space<vmem>>, vector<16xi32>,
        %mul3A_250 = arith.constant 400 : i32
        %mul3A_251 = arith.muli %scan3A_179, %mul3A_250 : i32
        %add3A_252 = arith.constant 48 : i32
        %add3A_253 = arith.addi %mul3A_251, %add3A_252 : i32
        %get3A_254 = arith.index_cast %add3A_253 : i32 to index
        %get3A_255 = tpu.vector_load %arg11[%get3A_254] {strides = array<i32>} : memref<6528xi32, #tpu.memory_space<vmem>>, vector<16xi32>,
        %mul3A_256 = arith.constant 400 : i32
        %mul3A_257 = arith.muli %scan3A_179, %mul3A_256 : i32
        %add3A_258 = arith.constant 64 : i32
        %add3A_259 = arith.addi %mul3A_257, %add3A_258 : i32
        %get3A_260 = arith.index_cast %add3A_259 : i32 to index
        %get3A_261 = tpu.vector_load %arg11[%get3A_260] {strides = array<i32>} : memref<6528xi32, #tpu.memory_space<vmem>>, vector<16xi32>,
        %mul3A_262 = arith.constant 400 : i32
        %mul3A_263 = arith.muli %scan3A_179, %mul3A_262 : i32
        %add3A_264 = arith.constant 80 : i32
        %add3A_265 = arith.addi %mul3A_263, %add3A_264 : i32
        %get3A_266 = arith.index_cast %add3A_265 : i32 to index
        %get3A_267 = tpu.vector_load %arg11[%get3A_266] {strides = array<i32>} : memref<6528xi32, #tpu.memory_space<vmem>>, vector<16xi32>,
        %mul3A_268 = arith.constant 400 : i32
        %mul3A_269 = arith.muli %scan3A_179, %mul3A_268 : i32
        %add3A_270 = arith.constant 96 : i32
        %add3A_271 = arith.addi %mul3A_269, %add3A_270 : i32
        %get3A_272 = arith.index_cast %add3A_271 : i32 to index
        %get3A_273 = tpu.vector_load %arg11[%get3A_272] {strides = array<i32>} : memref<6528xi32, #tpu.memory_space<vmem>>, vector<16xi32>,
        %mul3A_274 = arith.constant 400 : i32
        %mul3A_275 = arith.muli %scan3A_179, %mul3A_274 : i32
        %add3A_276 = arith.constant 112 : i32
        %add3A_277 = arith.addi %mul3A_275, %add3A_276 : i32
        %get3A_278 = arith.index_cast %add3A_277 : i32 to index
        %get3A_279 = tpu.vector_load %arg11[%get3A_278] {strides = array<i32>} : memref<6528xi32, #tpu.memory_space<vmem>>, vector<16xi32>,
        %mul3A_280 = arith.constant 400 : i32
        %mul3A_281 = arith.muli %scan3A_179, %mul3A_280 : i32
        %add3A_282 = arith.constant 128 : i32
        %add3A_283 = arith.addi %mul3A_281, %add3A_282 : i32
        %get3A_284 = arith.index_cast %add3A_283 : i32 to index
        %get3A_285 = tpu.vector_load %arg11[%get3A_284] {strides = array<i32>} : memref<6528xi32, #tpu.memory_space<vmem>>, vector<16xi32>,
        %mul3A_286 = arith.constant 400 : i32
        %mul3A_287 = arith.muli %scan3A_179, %mul3A_286 : i32
        %add3A_288 = arith.constant 144 : i32
        %add3A_289 = arith.addi %mul3A_287, %add3A_288 : i32
        %get3A_290 = arith.index_cast %add3A_289 : i32 to index
        %get3A_291 = tpu.vector_load %arg11[%get3A_290] {strides = array<i32>} : memref<6528xi32, #tpu.memory_space<vmem>>, vector<16xi32>,
        %mul3A_292 = arith.constant 400 : i32
        %mul3A_293 = arith.muli %scan3A_179, %mul3A_292 : i32
        %add3A_294 = arith.constant 160 : i32
        %add3A_295 = arith.addi %mul3A_293, %add3A_294 : i32
        %get3A_296 = arith.index_cast %add3A_295 : i32 to index
        %get3A_297 = tpu.vector_load %arg11[%get3A_296] {strides = array<i32>} : memref<6528xi32, #tpu.memory_space<vmem>>, vector<16xi32>,
        %mul3A_298 = arith.constant 400 : i32
        %mul3A_299 = arith.muli %scan3A_179, %mul3A_298 : i32
        %add3A_300 = arith.constant 176 : i32
        %add3A_301 = arith.addi %mul3A_299, %add3A_300 : i32
        %get3A_302 = arith.index_cast %add3A_301 : i32 to index
        %get3A_303 = tpu.vector_load %arg11[%get3A_302] {strides = array<i32>} : memref<6528xi32, #tpu.memory_space<vmem>>, vector<16xi32>,
        %mul3A_304 = arith.constant 400 : i32
        %mul3A_305 = arith.muli %scan3A_179, %mul3A_304 : i32
        %add3A_306 = arith.constant 192 : i32
        %add3A_307 = arith.addi %mul3A_305, %add3A_306 : i32
        %get3A_308 = arith.index_cast %add3A_307 : i32 to index
        %get3A_309 = tpu.vector_load %arg11[%get3A_308] {strides = array<i32>} : memref<6528xi32, #tpu.memory_space<vmem>>, vector<16xi32>,
        %mul3A_310 = arith.constant 400 : i32
        %mul3A_311 = arith.muli %scan3A_179, %mul3A_310 : i32
        %add3A_312 = arith.constant 208 : i32
        %add3A_313 = arith.addi %mul3A_311, %add3A_312 : i32
        %get3A_314 = arith.index_cast %add3A_313 : i32 to index
        %get3A_315 = tpu.vector_load %arg11[%get3A_314] {strides = array<i32>} : memref<6528xi32, #tpu.memory_space<vmem>>, vector<16xi32>,
        %mul3A_316 = arith.constant 400 : i32
        %mul3A_317 = arith.muli %scan3A_179, %mul3A_316 : i32
        %add3A_318 = arith.constant 224 : i32
        %add3A_319 = arith.addi %mul3A_317, %add3A_318 : i32
        %get3A_320 = arith.index_cast %add3A_319 : i32 to index
        %get3A_321 = tpu.vector_load %arg11[%get3A_320] {strides = array<i32>} : memref<6528xi32, #tpu.memory_space<vmem>>, vector<16xi32>,
        %mul3A_322 = arith.constant 400 : i32
        %mul3A_323 = arith.muli %scan3A_179, %mul3A_322 : i32
        %add3A_324 = arith.constant 240 : i32
        %add3A_325 = arith.addi %mul3A_323, %add3A_324 : i32
        %get3A_326 = arith.index_cast %add3A_325 : i32 to index
        %get3A_327 = tpu.vector_load %arg11[%get3A_326] {strides = array<i32>} : memref<6528xi32, #tpu.memory_space<vmem>>, vector<16xi32>,
        %mul3A_328 = arith.constant 400 : i32
        %mul3A_329 = arith.muli %scan3A_179, %mul3A_328 : i32
        %add3A_330 = arith.constant 256 : i32
        %add3A_331 = arith.addi %mul3A_329, %add3A_330 : i32
        %get3A_332 = arith.index_cast %add3A_331 : i32 to index
        %get3A_333 = tpu.vector_load %arg11[%get3A_332] {strides = array<i32>} : memref<6528xi32, #tpu.memory_space<vmem>>, vector<16xi32>,
        %mul3A_334 = arith.constant 400 : i32
        %mul3A_335 = arith.muli %scan3A_179, %mul3A_334 : i32
        %add3A_336 = arith.constant 272 : i32
        %add3A_337 = arith.addi %mul3A_335, %add3A_336 : i32
        %get3A_338 = arith.index_cast %add3A_337 : i32 to index
        %get3A_339 = tpu.vector_load %arg11[%get3A_338] {strides = array<i32>} : memref<6528xi32, #tpu.memory_space<vmem>>, vector<16xi32>,
        %mul3A_340 = arith.constant 400 : i32
        %mul3A_341 = arith.muli %scan3A_179, %mul3A_340 : i32
        %add3A_342 = arith.constant 288 : i32
        %add3A_343 = arith.addi %mul3A_341, %add3A_342 : i32
        %get3A_344 = arith.index_cast %add3A_343 : i32 to index
        %get3A_345 = tpu.vector_load %arg11[%get3A_344] {strides = array<i32>} : memref<6528xi32, #tpu.memory_space<vmem>>, vector<16xi32>,
        %mul3A_346 = arith.constant 400 : i32
        %mul3A_347 = arith.muli %scan3A_179, %mul3A_346 : i32
        %add3A_348 = arith.constant 304 : i32
        %add3A_349 = arith.addi %mul3A_347, %add3A_348 : i32
        %get3A_350 = arith.index_cast %add3A_349 : i32 to index
        %get3A_351 = tpu.vector_load %arg11[%get3A_350] {strides = array<i32>} : memref<6528xi32, #tpu.memory_space<vmem>>, vector<16xi32>,
        %mul3A_352 = arith.constant 400 : i32
        %mul3A_353 = arith.muli %scan3A_179, %mul3A_352 : i32
        %add3A_354 = arith.constant 320 : i32
        %add3A_355 = arith.addi %mul3A_353, %add3A_354 : i32
        %get3A_356 = arith.index_cast %add3A_355 : i32 to index
        %get3A_357 = tpu.vector_load %arg11[%get3A_356] {strides = array<i32>} : memref<6528xi32, #tpu.memory_space<vmem>>, vector<16xi32>,
        %mul3A_358 = arith.constant 400 : i32
        %mul3A_359 = arith.muli %scan3A_179, %mul3A_358 : i32
        %add3A_360 = arith.constant 336 : i32
        %add3A_361 = arith.addi %mul3A_359, %add3A_360 : i32
        %get3A_362 = arith.index_cast %add3A_361 : i32 to index
        %get3A_363 = tpu.vector_load %arg11[%get3A_362] {strides = array<i32>} : memref<6528xi32, #tpu.memory_space<vmem>>, vector<16xi32>,
        %mul3A_364 = arith.constant 400 : i32
        %mul3A_365 = arith.muli %scan3A_179, %mul3A_364 : i32
        %add3A_366 = arith.constant 352 : i32
        %add3A_367 = arith.addi %mul3A_365, %add3A_366 : i32
        %get3A_368 = arith.index_cast %add3A_367 : i32 to index
        %get3A_369 = tpu.vector_load %arg11[%get3A_368] {strides = array<i32>} : memref<6528xi32, #tpu.memory_space<vmem>>, vector<16xi32>,
        %mul3A_370 = arith.constant 400 : i32
        %mul3A_371 = arith.muli %scan3A_179, %mul3A_370 : i32
        %add3A_372 = arith.constant 368 : i32
        %add3A_373 = arith.addi %mul3A_371, %add3A_372 : i32
        %get3A_374 = arith.index_cast %add3A_373 : i32 to index
        %get3A_375 = tpu.vector_load %arg11[%get3A_374] {strides = array<i32>} : memref<6528xi32, #tpu.memory_space<vmem>>, vector<16xi32>,
        %mul3A_376 = arith.constant 400 : i32
        %mul3A_377 = arith.muli %scan3A_179, %mul3A_376 : i32
        %add3A_378 = arith.constant 384 : i32
        %add3A_379 = arith.addi %mul3A_377, %add3A_378 : i32
        %get3A_380 = arith.index_cast %add3A_379 : i32 to index
        %get3A_381 = tpu.vector_load %arg11[%get3A_380] {strides = array<i32>} : memref<6528xi32, #tpu.memory_space<vmem>>, vector<16xi32>,
        %broadcast_in_dim3A = arith.constant 0.000000e+00 : f32
        %broadcast_in_dim3A_382 = vector.broadcast %broadcast_in_dim3A : f32 to vector<16xf32>
        %scan3A_383 = arith.constant 0 : i32
        %scan3A_384 = arith.constant 128 : i32
        %scan3A_385 = arith.addi %scan3A_383, %scan3A_384 : i32
        %scan3A_386 = arith.constant 1 : i32
        %scan3A_387:25 = scf.for %scan3A_567 = %scan3A_383 to %scan3A_385 step %scan3A_386 iter_args(%scan3A_568 = %broadcast_in_dim3A_382, %scan3A_569 = %broadcast_in_dim3A_382, %scan3A_570 = %broadcast_in_dim3A_382, %scan3A_571 = %broadcast_in_dim3A_382, %scan3A_572 = %broadcast_in_dim3A_382, %scan3A_573 = %broadcast_in_dim3A_382, %scan3A_574 = %broadcast_in_dim3A_382, %scan3A_575 = %broadcast_in_dim3A_382, %scan3A_576 = %broadcast_in_dim3A_382, %scan3A_577 = %broadcast_in_dim3A_382, %scan3A_578 = %broadcast_in_dim3A_382, %scan3A_579 = %broadcast_in_dim3A_382, %scan3A_580 = %broadcast_in_dim3A_382, %scan3A_581 = %broadcast_in_dim3A_382, %scan3A_582 = %broadcast_in_dim3A_382, %scan3A_583 = %broadcast_in_dim3A_382, %scan3A_584 = %broadcast_in_dim3A_382, %scan3A_585 = %broadcast_in_dim3A_382, %scan3A_586 = %broadcast_in_dim3A_382, %scan3A_587 = %broadcast_in_dim3A_382, %scan3A_588 = %broadcast_in_dim3A_382, %scan3A_589 = %broadcast_in_dim3A_382, %scan3A_590 = %broadcast_in_dim3A_382, %scan3A_591 = %broadcast_in_dim3A_382, %scan3A_592 = %broadcast_in_dim3A_382) -> (vector<16xf32>, vector<16xf32>, vector<16xf32>, vector<16xf32>, vector<16xf32>, vector<16xf32>, vector<16xf32>, vector<16xf32>, vector<16xf32>, vector<16xf32>, vector<16xf32>, vector<16xf32>, vector<16xf32>, vector<16xf32>, vector<16xf32>, vector<16xf32>, vector<16xf32>, vector<16xf32>, vector<16xf32>, vector<16xf32>, vector<16xf32>, vector<16xf32>, vector<16xf32>, vector<16xf32>, vector<16xf32>)  : i32 {
          %add3A_593 = vector.broadcast %scan3A_567 : i32 to vector<16xi32>
          %add3A_594 = arith.addi %iota3A, %add3A_593 : vector<16xi32>
          %and3A_595 = arith.constant 127 : i32
          %and3A_596 = vector.broadcast %and3A_595 : i32 to vector<16xi32>
          %and3A_597 = arith.andi %add3A_594, %and3A_596 : vector<16xi32>
          %gather3A = tpu.vector_load_idx %arg12[%iota3A, %and3A_597] : memref<16x128xf32, #tpu.memory_space<vmem>>[vector<16xi32>, vector<16xi32>], vector<16xf32>,
          %gather3A_598 = tpu.vector_load_idx %arg13[%get3A_237, %and3A_597] : memref<832x128xf32, #tpu.memory_space<vmem>>[vector<16xi32>, vector<16xi32>], vector<16xf32>,
          %mul3A_599 = arith.mulf %gather3A_598, %gather3A : vector<16xf32>
          %add3A_600 = arith.addf %scan3A_568, %mul3A_599 : vector<16xf32>
          %gather3A_601 = tpu.vector_load_idx %arg13[%get3A_243, %and3A_597] : memref<832x128xf32, #tpu.memory_space<vmem>>[vector<16xi32>, vector<16xi32>], vector<16xf32>,
          %mul3A_602 = arith.mulf %gather3A_601, %gather3A : vector<16xf32>
          %add3A_603 = arith.addf %scan3A_569, %mul3A_602 : vector<16xf32>
          %gather3A_604 = tpu.vector_load_idx %arg13[%get3A_249, %and3A_597] : memref<832x128xf32, #tpu.memory_space<vmem>>[vector<16xi32>, vector<16xi32>], vector<16xf32>,
          %mul3A_605 = arith.mulf %gather3A_604, %gather3A : vector<16xf32>
          %add3A_606 = arith.addf %scan3A_570, %mul3A_605 : vector<16xf32>
          %gather3A_607 = tpu.vector_load_idx %arg13[%get3A_255, %and3A_597] : memref<832x128xf32, #tpu.memory_space<vmem>>[vector<16xi32>, vector<16xi32>], vector<16xf32>,
          %mul3A_608 = arith.mulf %gather3A_607, %gather3A : vector<16xf32>
          %add3A_609 = arith.addf %scan3A_571, %mul3A_608 : vector<16xf32>
          %gather3A_610 = tpu.vector_load_idx %arg13[%get3A_261, %and3A_597] : memref<832x128xf32, #tpu.memory_space<vmem>>[vector<16xi32>, vector<16xi32>], vector<16xf32>,
          %mul3A_611 = arith.mulf %gather3A_610, %gather3A : vector<16xf32>
          %add3A_612 = arith.addf %scan3A_572, %mul3A_611 : vector<16xf32>
          %gather3A_613 = tpu.vector_load_idx %arg13[%get3A_267, %and3A_597] : memref<832x128xf32, #tpu.memory_space<vmem>>[vector<16xi32>, vector<16xi32>], vector<16xf32>,
          %mul3A_614 = arith.mulf %gather3A_613, %gather3A : vector<16xf32>
          %add3A_615 = arith.addf %scan3A_573, %mul3A_614 : vector<16xf32>
          %gather3A_616 = tpu.vector_load_idx %arg13[%get3A_273, %and3A_597] : memref<832x128xf32, #tpu.memory_space<vmem>>[vector<16xi32>, vector<16xi32>], vector<16xf32>,
          %mul3A_617 = arith.mulf %gather3A_616, %gather3A : vector<16xf32>
          %add3A_618 = arith.addf %scan3A_574, %mul3A_617 : vector<16xf32>
          %gather3A_619 = tpu.vector_load_idx %arg13[%get3A_279, %and3A_597] : memref<832x128xf32, #tpu.memory_space<vmem>>[vector<16xi32>, vector<16xi32>], vector<16xf32>,
          %mul3A_620 = arith.mulf %gather3A_619, %gather3A : vector<16xf32>
          %add3A_621 = arith.addf %scan3A_575, %mul3A_620 : vector<16xf32>
          %gather3A_622 = tpu.vector_load_idx %arg13[%get3A_285, %and3A_597] : memref<832x128xf32, #tpu.memory_space<vmem>>[vector<16xi32>, vector<16xi32>], vector<16xf32>,
          %mul3A_623 = arith.mulf %gather3A_622, %gather3A : vector<16xf32>
          %add3A_624 = arith.addf %scan3A_576, %mul3A_623 : vector<16xf32>
          %gather3A_625 = tpu.vector_load_idx %arg13[%get3A_291, %and3A_597] : memref<832x128xf32, #tpu.memory_space<vmem>>[vector<16xi32>, vector<16xi32>], vector<16xf32>,
          %mul3A_626 = arith.mulf %gather3A_625, %gather3A : vector<16xf32>
          %add3A_627 = arith.addf %scan3A_577, %mul3A_626 : vector<16xf32>
          %gather3A_628 = tpu.vector_load_idx %arg13[%get3A_297, %and3A_597] : memref<832x128xf32, #tpu.memory_space<vmem>>[vector<16xi32>, vector<16xi32>], vector<16xf32>,
          %mul3A_629 = arith.mulf %gather3A_628, %gather3A : vector<16xf32>
          %add3A_630 = arith.addf %scan3A_578, %mul3A_629 : vector<16xf32>
          %gather3A_631 = tpu.vector_load_idx %arg13[%get3A_303, %and3A_597] : memref<832x128xf32, #tpu.memory_space<vmem>>[vector<16xi32>, vector<16xi32>], vector<16xf32>,
          %mul3A_632 = arith.mulf %gather3A_631, %gather3A : vector<16xf32>
          %add3A_633 = arith.addf %scan3A_579, %mul3A_632 : vector<16xf32>
          %gather3A_634 = tpu.vector_load_idx %arg13[%get3A_309, %and3A_597] : memref<832x128xf32, #tpu.memory_space<vmem>>[vector<16xi32>, vector<16xi32>], vector<16xf32>,
          %mul3A_635 = arith.mulf %gather3A_634, %gather3A : vector<16xf32>
          %add3A_636 = arith.addf %scan3A_580, %mul3A_635 : vector<16xf32>
          %gather3A_637 = tpu.vector_load_idx %arg13[%get3A_315, %and3A_597] : memref<832x128xf32, #tpu.memory_space<vmem>>[vector<16xi32>, vector<16xi32>], vector<16xf32>,
          %mul3A_638 = arith.mulf %gather3A_637, %gather3A : vector<16xf32>
          %add3A_639 = arith.addf %scan3A_581, %mul3A_638 : vector<16xf32>
          %gather3A_640 = tpu.vector_load_idx %arg13[%get3A_321, %and3A_597] : memref<832x128xf32, #tpu.memory_space<vmem>>[vector<16xi32>, vector<16xi32>], vector<16xf32>,
          %mul3A_641 = arith.mulf %gather3A_640, %gather3A : vector<16xf32>
          %add3A_642 = arith.addf %scan3A_582, %mul3A_641 : vector<16xf32>
          %gather3A_643 = tpu.vector_load_idx %arg13[%get3A_327, %and3A_597] : memref<832x128xf32, #tpu.memory_space<vmem>>[vector<16xi32>, vector<16xi32>], vector<16xf32>,
          %mul3A_644 = arith.mulf %gather3A_643, %gather3A : vector<16xf32>
          %add3A_645 = arith.addf %scan3A_583, %mul3A_644 : vector<16xf32>
          %gather3A_646 = tpu.vector_load_idx %arg13[%get3A_333, %and3A_597] : memref<832x128xf32, #tpu.memory_space<vmem>>[vector<16xi32>, vector<16xi32>], vector<16xf32>,
          %mul3A_647 = arith.mulf %gather3A_646, %gather3A : vector<16xf32>
          %add3A_648 = arith.addf %scan3A_584, %mul3A_647 : vector<16xf32>
          %gather3A_649 = tpu.vector_load_idx %arg13[%get3A_339, %and3A_597] : memref<832x128xf32, #tpu.memory_space<vmem>>[vector<16xi32>, vector<16xi32>], vector<16xf32>,
          %mul3A_650 = arith.mulf %gather3A_649, %gather3A : vector<16xf32>
          %add3A_651 = arith.addf %scan3A_585, %mul3A_650 : vector<16xf32>
          %gather3A_652 = tpu.vector_load_idx %arg13[%get3A_345, %and3A_597] : memref<832x128xf32, #tpu.memory_space<vmem>>[vector<16xi32>, vector<16xi32>], vector<16xf32>,
          %mul3A_653 = arith.mulf %gather3A_652, %gather3A : vector<16xf32>
          %add3A_654 = arith.addf %scan3A_586, %mul3A_653 : vector<16xf32>
          %gather3A_655 = tpu.vector_load_idx %arg13[%get3A_351, %and3A_597] : memref<832x128xf32, #tpu.memory_space<vmem>>[vector<16xi32>, vector<16xi32>], vector<16xf32>,
          %mul3A_656 = arith.mulf %gather3A_655, %gather3A : vector<16xf32>
          %add3A_657 = arith.addf %scan3A_587, %mul3A_656 : vector<16xf32>
          %gather3A_658 = tpu.vector_load_idx %arg13[%get3A_357, %and3A_597] : memref<832x128xf32, #tpu.memory_space<vmem>>[vector<16xi32>, vector<16xi32>], vector<16xf32>,
          %mul3A_659 = arith.mulf %gather3A_658, %gather3A : vector<16xf32>
          %add3A_660 = arith.addf %scan3A_588, %mul3A_659 : vector<16xf32>
          %gather3A_661 = tpu.vector_load_idx %arg13[%get3A_363, %and3A_597] : memref<832x128xf32, #tpu.memory_space<vmem>>[vector<16xi32>, vector<16xi32>], vector<16xf32>,
          %mul3A_662 = arith.mulf %gather3A_661, %gather3A : vector<16xf32>
          %add3A_663 = arith.addf %scan3A_589, %mul3A_662 : vector<16xf32>
          %gather3A_664 = tpu.vector_load_idx %arg13[%get3A_369, %and3A_597] : memref<832x128xf32, #tpu.memory_space<vmem>>[vector<16xi32>, vector<16xi32>], vector<16xf32>,
          %mul3A_665 = arith.mulf %gather3A_664, %gather3A : vector<16xf32>
          %add3A_666 = arith.addf %scan3A_590, %mul3A_665 : vector<16xf32>
          %gather3A_667 = tpu.vector_load_idx %arg13[%get3A_375, %and3A_597] : memref<832x128xf32, #tpu.memory_space<vmem>>[vector<16xi32>, vector<16xi32>], vector<16xf32>,
          %mul3A_668 = arith.mulf %gather3A_667, %gather3A : vector<16xf32>
          %add3A_669 = arith.addf %scan3A_591, %mul3A_668 : vector<16xf32>
          %gather3A_670 = tpu.vector_load_idx %arg13[%get3A_381, %and3A_597] : memref<832x128xf32, #tpu.memory_space<vmem>>[vector<16xi32>, vector<16xi32>], vector<16xf32>,
          %mul3A_671 = arith.mulf %gather3A_670, %gather3A : vector<16xf32>
          %add3A_672 = arith.addf %scan3A_592, %mul3A_671 : vector<16xf32>
          scf.yield %add3A_600, %add3A_603, %add3A_606, %add3A_609, %add3A_612, %add3A_615, %add3A_618, %add3A_621, %add3A_624, %add3A_627, %add3A_630, %add3A_633, %add3A_636, %add3A_639, %add3A_642, %add3A_645, %add3A_648, %add3A_651, %add3A_654, %add3A_657, %add3A_660, %add3A_663, %add3A_666, %add3A_669, %add3A_672 : vector<16xf32>, vector<16xf32>, vector<16xf32>, vector<16xf32>, vector<16xf32>, vector<16xf32>, vector<16xf32>, vector<16xf32>, vector<16xf32>, vector<16xf32>, vector<16xf32>, vector<16xf32>, vector<16xf32>, vector<16xf32>, vector<16xf32>, vector<16xf32>, vector<16xf32>, vector<16xf32>, vector<16xf32>, vector<16xf32>, vector<16xf32>, vector<16xf32>, vector<16xf32>, vector<16xf32>, vector<16xf32>
        }
        %scan3A_388 = arith.constant 128 : i32
        %swap3A = arith.constant 0 : i32
        %swap3A_389 = arith.index_cast %swap3A : i32 to index
        %swap3A_390 = arith.constant 0 : index
        %swap3A_391 = tpu.vector_load %arg14[%swap3A_389, %swap3A_390] {strides = array<i32>} : memref<16x32xf32, #tpu.memory_space<vmem>>, vector<16xf32>,
        tpu.vector_store %arg14[%swap3A_389, %swap3A_390], %broadcast_in_dim3A_382 {strides = array<i32>} : memref<16x32xf32, #tpu.memory_space<vmem>>, vector<16xf32>,
        %swap3A_392 = arith.constant 0 : i32
        %swap3A_393 = arith.index_cast %swap3A_392 : i32 to index
        %swap3A_394 = arith.constant 16 : index
        %swap3A_395 = tpu.vector_load %arg14[%swap3A_393, %swap3A_394] {strides = array<i32>} : memref<16x32xf32, #tpu.memory_space<vmem>>, vector<16xf32>,
        tpu.vector_store %arg14[%swap3A_393, %swap3A_394], %broadcast_in_dim3A_382 {strides = array<i32>} : memref<16x32xf32, #tpu.memory_space<vmem>>, vector<16xf32>,
        %swap3A_396 = arith.constant 1 : i32
        %swap3A_397 = arith.index_cast %swap3A_396 : i32 to index
        %swap3A_398 = arith.constant 0 : index
        %swap3A_399 = tpu.vector_load %arg14[%swap3A_397, %swap3A_398] {strides = array<i32>} : memref<16x32xf32, #tpu.memory_space<vmem>>, vector<16xf32>,
        tpu.vector_store %arg14[%swap3A_397, %swap3A_398], %broadcast_in_dim3A_382 {strides = array<i32>} : memref<16x32xf32, #tpu.memory_space<vmem>>, vector<16xf32>,
        %swap3A_400 = arith.constant 1 : i32
        %swap3A_401 = arith.index_cast %swap3A_400 : i32 to index
        %swap3A_402 = arith.constant 16 : index
        %swap3A_403 = tpu.vector_load %arg14[%swap3A_401, %swap3A_402] {strides = array<i32>} : memref<16x32xf32, #tpu.memory_space<vmem>>, vector<16xf32>,
        tpu.vector_store %arg14[%swap3A_401, %swap3A_402], %broadcast_in_dim3A_382 {strides = array<i32>} : memref<16x32xf32, #tpu.memory_space<vmem>>, vector<16xf32>,
        %swap3A_404 = arith.constant 2 : i32
        %swap3A_405 = arith.index_cast %swap3A_404 : i32 to index
        %swap3A_406 = arith.constant 0 : index
        %swap3A_407 = tpu.vector_load %arg14[%swap3A_405, %swap3A_406] {strides = array<i32>} : memref<16x32xf32, #tpu.memory_space<vmem>>, vector<16xf32>,
        tpu.vector_store %arg14[%swap3A_405, %swap3A_406], %broadcast_in_dim3A_382 {strides = array<i32>} : memref<16x32xf32, #tpu.memory_space<vmem>>, vector<16xf32>,
        %swap3A_408 = arith.constant 2 : i32
        %swap3A_409 = arith.index_cast %swap3A_408 : i32 to index
        %swap3A_410 = arith.constant 16 : index
        %swap3A_411 = tpu.vector_load %arg14[%swap3A_409, %swap3A_410] {strides = array<i32>} : memref<16x32xf32, #tpu.memory_space<vmem>>, vector<16xf32>,
        tpu.vector_store %arg14[%swap3A_409, %swap3A_410], %broadcast_in_dim3A_382 {strides = array<i32>} : memref<16x32xf32, #tpu.memory_space<vmem>>, vector<16xf32>,
        %swap3A_412 = arith.constant 3 : i32
        %swap3A_413 = arith.index_cast %swap3A_412 : i32 to index
        %swap3A_414 = arith.constant 0 : index
        %swap3A_415 = tpu.vector_load %arg14[%swap3A_413, %swap3A_414] {strides = array<i32>} : memref<16x32xf32, #tpu.memory_space<vmem>>, vector<16xf32>,
        tpu.vector_store %arg14[%swap3A_413, %swap3A_414], %broadcast_in_dim3A_382 {strides = array<i32>} : memref<16x32xf32, #tpu.memory_space<vmem>>, vector<16xf32>,
        %swap3A_416 = arith.constant 3 : i32
        %swap3A_417 = arith.index_cast %swap3A_416 : i32 to index
        %swap3A_418 = arith.constant 16 : index
        %swap3A_419 = tpu.vector_load %arg14[%swap3A_417, %swap3A_418] {strides = array<i32>} : memref<16x32xf32, #tpu.memory_space<vmem>>, vector<16xf32>,
        tpu.vector_store %arg14[%swap3A_417, %swap3A_418], %broadcast_in_dim3A_382 {strides = array<i32>} : memref<16x32xf32, #tpu.memory_space<vmem>>, vector<16xf32>,
        %swap3A_420 = arith.constant 4 : i32
        %swap3A_421 = arith.index_cast %swap3A_420 : i32 to index
        %swap3A_422 = arith.constant 0 : index
        %swap3A_423 = tpu.vector_load %arg14[%swap3A_421, %swap3A_422] {strides = array<i32>} : memref<16x32xf32, #tpu.memory_space<vmem>>, vector<16xf32>,
        tpu.vector_store %arg14[%swap3A_421, %swap3A_422], %broadcast_in_dim3A_382 {strides = array<i32>} : memref<16x32xf32, #tpu.memory_space<vmem>>, vector<16xf32>,
        %swap3A_424 = arith.constant 4 : i32
        %swap3A_425 = arith.index_cast %swap3A_424 : i32 to index
        %swap3A_426 = arith.constant 16 : index
        %swap3A_427 = tpu.vector_load %arg14[%swap3A_425, %swap3A_426] {strides = array<i32>} : memref<16x32xf32, #tpu.memory_space<vmem>>, vector<16xf32>,
        tpu.vector_store %arg14[%swap3A_425, %swap3A_426], %broadcast_in_dim3A_382 {strides = array<i32>} : memref<16x32xf32, #tpu.memory_space<vmem>>, vector<16xf32>,
        %swap3A_428 = arith.constant 5 : i32
        %swap3A_429 = arith.index_cast %swap3A_428 : i32 to index
        %swap3A_430 = arith.constant 0 : index
        %swap3A_431 = tpu.vector_load %arg14[%swap3A_429, %swap3A_430] {strides = array<i32>} : memref<16x32xf32, #tpu.memory_space<vmem>>, vector<16xf32>,
        tpu.vector_store %arg14[%swap3A_429, %swap3A_430], %broadcast_in_dim3A_382 {strides = array<i32>} : memref<16x32xf32, #tpu.memory_space<vmem>>, vector<16xf32>,
        %swap3A_432 = arith.constant 5 : i32
        %swap3A_433 = arith.index_cast %swap3A_432 : i32 to index
        %swap3A_434 = arith.constant 16 : index
        %swap3A_435 = tpu.vector_load %arg14[%swap3A_433, %swap3A_434] {strides = array<i32>} : memref<16x32xf32, #tpu.memory_space<vmem>>, vector<16xf32>,
        tpu.vector_store %arg14[%swap3A_433, %swap3A_434], %broadcast_in_dim3A_382 {strides = array<i32>} : memref<16x32xf32, #tpu.memory_space<vmem>>, vector<16xf32>,
        %swap3A_436 = arith.constant 6 : i32
        %swap3A_437 = arith.index_cast %swap3A_436 : i32 to index
        %swap3A_438 = arith.constant 0 : index
        %swap3A_439 = tpu.vector_load %arg14[%swap3A_437, %swap3A_438] {strides = array<i32>} : memref<16x32xf32, #tpu.memory_space<vmem>>, vector<16xf32>,
        tpu.vector_store %arg14[%swap3A_437, %swap3A_438], %broadcast_in_dim3A_382 {strides = array<i32>} : memref<16x32xf32, #tpu.memory_space<vmem>>, vector<16xf32>,
        %swap3A_440 = arith.constant 6 : i32
        %swap3A_441 = arith.index_cast %swap3A_440 : i32 to index
        %swap3A_442 = arith.constant 16 : index
        %swap3A_443 = tpu.vector_load %arg14[%swap3A_441, %swap3A_442] {strides = array<i32>} : memref<16x32xf32, #tpu.memory_space<vmem>>, vector<16xf32>,
        tpu.vector_store %arg14[%swap3A_441, %swap3A_442], %broadcast_in_dim3A_382 {strides = array<i32>} : memref<16x32xf32, #tpu.memory_space<vmem>>, vector<16xf32>,
        %swap3A_444 = arith.constant 7 : i32
        %swap3A_445 = arith.index_cast %swap3A_444 : i32 to index
        %swap3A_446 = arith.constant 0 : index
        %swap3A_447 = tpu.vector_load %arg14[%swap3A_445, %swap3A_446] {strides = array<i32>} : memref<16x32xf32, #tpu.memory_space<vmem>>, vector<16xf32>,
        tpu.vector_store %arg14[%swap3A_445, %swap3A_446], %broadcast_in_dim3A_382 {strides = array<i32>} : memref<16x32xf32, #tpu.memory_space<vmem>>, vector<16xf32>,
        %swap3A_448 = arith.constant 7 : i32
        %swap3A_449 = arith.index_cast %swap3A_448 : i32 to index
        %swap3A_450 = arith.constant 16 : index
        %swap3A_451 = tpu.vector_load %arg14[%swap3A_449, %swap3A_450] {strides = array<i32>} : memref<16x32xf32, #tpu.memory_space<vmem>>, vector<16xf32>,
        tpu.vector_store %arg14[%swap3A_449, %swap3A_450], %broadcast_in_dim3A_382 {strides = array<i32>} : memref<16x32xf32, #tpu.memory_space<vmem>>, vector<16xf32>,
        %swap3A_452 = arith.constant 8 : i32
        %swap3A_453 = arith.index_cast %swap3A_452 : i32 to index
        %swap3A_454 = arith.constant 0 : index
        %swap3A_455 = tpu.vector_load %arg14[%swap3A_453, %swap3A_454] {strides = array<i32>} : memref<16x32xf32, #tpu.memory_space<vmem>>, vector<16xf32>,
        tpu.vector_store %arg14[%swap3A_453, %swap3A_454], %broadcast_in_dim3A_382 {strides = array<i32>} : memref<16x32xf32, #tpu.memory_space<vmem>>, vector<16xf32>,
        %swap3A_456 = arith.constant 8 : i32
        %swap3A_457 = arith.index_cast %swap3A_456 : i32 to index
        %swap3A_458 = arith.constant 16 : index
        %swap3A_459 = tpu.vector_load %arg14[%swap3A_457, %swap3A_458] {strides = array<i32>} : memref<16x32xf32, #tpu.memory_space<vmem>>, vector<16xf32>,
        tpu.vector_store %arg14[%swap3A_457, %swap3A_458], %broadcast_in_dim3A_382 {strides = array<i32>} : memref<16x32xf32, #tpu.memory_space<vmem>>, vector<16xf32>,
        %swap3A_460 = arith.constant 9 : i32
        %swap3A_461 = arith.index_cast %swap3A_460 : i32 to index
        %swap3A_462 = arith.constant 0 : index
        %swap3A_463 = tpu.vector_load %arg14[%swap3A_461, %swap3A_462] {strides = array<i32>} : memref<16x32xf32, #tpu.memory_space<vmem>>, vector<16xf32>,
        tpu.vector_store %arg14[%swap3A_461, %swap3A_462], %broadcast_in_dim3A_382 {strides = array<i32>} : memref<16x32xf32, #tpu.memory_space<vmem>>, vector<16xf32>,
        %swap3A_464 = arith.constant 9 : i32
        %swap3A_465 = arith.index_cast %swap3A_464 : i32 to index
        %swap3A_466 = arith.constant 16 : index
        %swap3A_467 = tpu.vector_load %arg14[%swap3A_465, %swap3A_466] {strides = array<i32>} : memref<16x32xf32, #tpu.memory_space<vmem>>, vector<16xf32>,
        tpu.vector_store %arg14[%swap3A_465, %swap3A_466], %broadcast_in_dim3A_382 {strides = array<i32>} : memref<16x32xf32, #tpu.memory_space<vmem>>, vector<16xf32>,
        %swap3A_468 = arith.constant 10 : i32
        %swap3A_469 = arith.index_cast %swap3A_468 : i32 to index
        %swap3A_470 = arith.constant 0 : index
        %swap3A_471 = tpu.vector_load %arg14[%swap3A_469, %swap3A_470] {strides = array<i32>} : memref<16x32xf32, #tpu.memory_space<vmem>>, vector<16xf32>,
        tpu.vector_store %arg14[%swap3A_469, %swap3A_470], %broadcast_in_dim3A_382 {strides = array<i32>} : memref<16x32xf32, #tpu.memory_space<vmem>>, vector<16xf32>,
        %swap3A_472 = arith.constant 10 : i32
        %swap3A_473 = arith.index_cast %swap3A_472 : i32 to index
        %swap3A_474 = arith.constant 16 : index
        %swap3A_475 = tpu.vector_load %arg14[%swap3A_473, %swap3A_474] {strides = array<i32>} : memref<16x32xf32, #tpu.memory_space<vmem>>, vector<16xf32>,
        tpu.vector_store %arg14[%swap3A_473, %swap3A_474], %broadcast_in_dim3A_382 {strides = array<i32>} : memref<16x32xf32, #tpu.memory_space<vmem>>, vector<16xf32>,
        %swap3A_476 = arith.constant 11 : i32
        %swap3A_477 = arith.index_cast %swap3A_476 : i32 to index
        %swap3A_478 = arith.constant 0 : index
        %swap3A_479 = tpu.vector_load %arg14[%swap3A_477, %swap3A_478] {strides = array<i32>} : memref<16x32xf32, #tpu.memory_space<vmem>>, vector<16xf32>,
        tpu.vector_store %arg14[%swap3A_477, %swap3A_478], %broadcast_in_dim3A_382 {strides = array<i32>} : memref<16x32xf32, #tpu.memory_space<vmem>>, vector<16xf32>,
        %swap3A_480 = arith.constant 11 : i32
        %swap3A_481 = arith.index_cast %swap3A_480 : i32 to index
        %swap3A_482 = arith.constant 16 : index
        %swap3A_483 = tpu.vector_load %arg14[%swap3A_481, %swap3A_482] {strides = array<i32>} : memref<16x32xf32, #tpu.memory_space<vmem>>, vector<16xf32>,
        tpu.vector_store %arg14[%swap3A_481, %swap3A_482], %broadcast_in_dim3A_382 {strides = array<i32>} : memref<16x32xf32, #tpu.memory_space<vmem>>, vector<16xf32>,
        %swap3A_484 = arith.constant 12 : i32
        %swap3A_485 = arith.index_cast %swap3A_484 : i32 to index
        %swap3A_486 = arith.constant 0 : index
        %swap3A_487 = tpu.vector_load %arg14[%swap3A_485, %swap3A_486] {strides = array<i32>} : memref<16x32xf32, #tpu.memory_space<vmem>>, vector<16xf32>,
        tpu.vector_store %arg14[%swap3A_485, %swap3A_486], %broadcast_in_dim3A_382 {strides = array<i32>} : memref<16x32xf32, #tpu.memory_space<vmem>>, vector<16xf32>,
        %swap3A_488 = arith.constant 12 : i32
        %swap3A_489 = arith.index_cast %swap3A_488 : i32 to index
        %swap3A_490 = arith.constant 16 : index
        %swap3A_491 = tpu.vector_load %arg14[%swap3A_489, %swap3A_490] {strides = array<i32>} : memref<16x32xf32, #tpu.memory_space<vmem>>, vector<16xf32>,
        tpu.vector_store %arg14[%swap3A_489, %swap3A_490], %broadcast_in_dim3A_382 {strides = array<i32>} : memref<16x32xf32, #tpu.memory_space<vmem>>, vector<16xf32>,
        %swap3A_492 = arith.constant 13 : i32
        %swap3A_493 = arith.index_cast %swap3A_492 : i32 to index
        %swap3A_494 = arith.constant 0 : index
        %swap3A_495 = tpu.vector_load %arg14[%swap3A_493, %swap3A_494] {strides = array<i32>} : memref<16x32xf32, #tpu.memory_space<vmem>>, vector<16xf32>,
        tpu.vector_store %arg14[%swap3A_493, %swap3A_494], %broadcast_in_dim3A_382 {strides = array<i32>} : memref<16x32xf32, #tpu.memory_space<vmem>>, vector<16xf32>,
        %swap3A_496 = arith.constant 13 : i32
        %swap3A_497 = arith.index_cast %swap3A_496 : i32 to index
        %swap3A_498 = arith.constant 16 : index
        %swap3A_499 = tpu.vector_load %arg14[%swap3A_497, %swap3A_498] {strides = array<i32>} : memref<16x32xf32, #tpu.memory_space<vmem>>, vector<16xf32>,
        tpu.vector_store %arg14[%swap3A_497, %swap3A_498], %broadcast_in_dim3A_382 {strides = array<i32>} : memref<16x32xf32, #tpu.memory_space<vmem>>, vector<16xf32>,
        %swap3A_500 = arith.constant 14 : i32
        %swap3A_501 = arith.index_cast %swap3A_500 : i32 to index
        %swap3A_502 = arith.constant 0 : index
        %swap3A_503 = tpu.vector_load %arg14[%swap3A_501, %swap3A_502] {strides = array<i32>} : memref<16x32xf32, #tpu.memory_space<vmem>>, vector<16xf32>,
        tpu.vector_store %arg14[%swap3A_501, %swap3A_502], %broadcast_in_dim3A_382 {strides = array<i32>} : memref<16x32xf32, #tpu.memory_space<vmem>>, vector<16xf32>,
        %swap3A_504 = arith.constant 14 : i32
        %swap3A_505 = arith.index_cast %swap3A_504 : i32 to index
        %swap3A_506 = arith.constant 16 : index
        %swap3A_507 = tpu.vector_load %arg14[%swap3A_505, %swap3A_506] {strides = array<i32>} : memref<16x32xf32, #tpu.memory_space<vmem>>, vector<16xf32>,
        tpu.vector_store %arg14[%swap3A_505, %swap3A_506], %broadcast_in_dim3A_382 {strides = array<i32>} : memref<16x32xf32, #tpu.memory_space<vmem>>, vector<16xf32>,
        %swap3A_508 = arith.constant 15 : i32
        %swap3A_509 = arith.index_cast %swap3A_508 : i32 to index
        %swap3A_510 = arith.constant 0 : index
        %swap3A_511 = tpu.vector_load %arg14[%swap3A_509, %swap3A_510] {strides = array<i32>} : memref<16x32xf32, #tpu.memory_space<vmem>>, vector<16xf32>,
        tpu.vector_store %arg14[%swap3A_509, %swap3A_510], %broadcast_in_dim3A_382 {strides = array<i32>} : memref<16x32xf32, #tpu.memory_space<vmem>>, vector<16xf32>,
        %swap3A_512 = arith.constant 15 : i32
        %swap3A_513 = arith.index_cast %swap3A_512 : i32 to index
        %swap3A_514 = arith.constant 16 : index
        %swap3A_515 = tpu.vector_load %arg14[%swap3A_513, %swap3A_514] {strides = array<i32>} : memref<16x32xf32, #tpu.memory_space<vmem>>, vector<16xf32>,
        tpu.vector_store %arg14[%swap3A_513, %swap3A_514], %broadcast_in_dim3A_382 {strides = array<i32>} : memref<16x32xf32, #tpu.memory_space<vmem>>, vector<16xf32>,
        %broadcast_in_dim3A_516 = arith.constant 0 : i32
        %broadcast_in_dim3A_517 = vector.broadcast %broadcast_in_dim3A_516 : i32 to vector<16xi32>
        tpu.vector_store_idx %arg14[%iota3A, %broadcast_in_dim3A_517], %scan3A_387#0 : memref<16x32xf32, #tpu.memory_space<vmem>>[vector<16xi32>, vector<16xi32>], vector<16xf32>,
        %broadcast_in_dim3A_518 = arith.constant 1 : i32
        %broadcast_in_dim3A_519 = vector.broadcast %broadcast_in_dim3A_518 : i32 to vector<16xi32>
        tpu.vector_store_idx %arg14[%iota3A, %broadcast_in_dim3A_519], %scan3A_387#1 : memref<16x32xf32, #tpu.memory_space<vmem>>[vector<16xi32>, vector<16xi32>], vector<16xf32>,
        %broadcast_in_dim3A_520 = arith.constant 2 : i32
        %broadcast_in_dim3A_521 = vector.broadcast %broadcast_in_dim3A_520 : i32 to vector<16xi32>
        tpu.vector_store_idx %arg14[%iota3A, %broadcast_in_dim3A_521], %scan3A_387#2 : memref<16x32xf32, #tpu.memory_space<vmem>>[vector<16xi32>, vector<16xi32>], vector<16xf32>,
        %broadcast_in_dim3A_522 = arith.constant 3 : i32
        %broadcast_in_dim3A_523 = vector.broadcast %broadcast_in_dim3A_522 : i32 to vector<16xi32>
        tpu.vector_store_idx %arg14[%iota3A, %broadcast_in_dim3A_523], %scan3A_387#3 : memref<16x32xf32, #tpu.memory_space<vmem>>[vector<16xi32>, vector<16xi32>], vector<16xf32>,
        %broadcast_in_dim3A_524 = arith.constant 4 : i32
        %broadcast_in_dim3A_525 = vector.broadcast %broadcast_in_dim3A_524 : i32 to vector<16xi32>
        tpu.vector_store_idx %arg14[%iota3A, %broadcast_in_dim3A_525], %scan3A_387#4 : memref<16x32xf32, #tpu.memory_space<vmem>>[vector<16xi32>, vector<16xi32>], vector<16xf32>,
        %broadcast_in_dim3A_526 = arith.constant 5 : i32
        %broadcast_in_dim3A_527 = vector.broadcast %broadcast_in_dim3A_526 : i32 to vector<16xi32>
        tpu.vector_store_idx %arg14[%iota3A, %broadcast_in_dim3A_527], %scan3A_387#5 : memref<16x32xf32, #tpu.memory_space<vmem>>[vector<16xi32>, vector<16xi32>], vector<16xf32>,
        %broadcast_in_dim3A_528 = arith.constant 6 : i32
        %broadcast_in_dim3A_529 = vector.broadcast %broadcast_in_dim3A_528 : i32 to vector<16xi32>
        tpu.vector_store_idx %arg14[%iota3A, %broadcast_in_dim3A_529], %scan3A_387#6 : memref<16x32xf32, #tpu.memory_space<vmem>>[vector<16xi32>, vector<16xi32>], vector<16xf32>,
        %broadcast_in_dim3A_530 = arith.constant 7 : i32
        %broadcast_in_dim3A_531 = vector.broadcast %broadcast_in_dim3A_530 : i32 to vector<16xi32>
        tpu.vector_store_idx %arg14[%iota3A, %broadcast_in_dim3A_531], %scan3A_387#7 : memref<16x32xf32, #tpu.memory_space<vmem>>[vector<16xi32>, vector<16xi32>], vector<16xf32>,
        %broadcast_in_dim3A_532 = arith.constant 8 : i32
        %broadcast_in_dim3A_533 = vector.broadcast %broadcast_in_dim3A_532 : i32 to vector<16xi32>
        tpu.vector_store_idx %arg14[%iota3A, %broadcast_in_dim3A_533], %scan3A_387#8 : memref<16x32xf32, #tpu.memory_space<vmem>>[vector<16xi32>, vector<16xi32>], vector<16xf32>,
        %broadcast_in_dim3A_534 = arith.constant 9 : i32
        %broadcast_in_dim3A_535 = vector.broadcast %broadcast_in_dim3A_534 : i32 to vector<16xi32>
        tpu.vector_store_idx %arg14[%iota3A, %broadcast_in_dim3A_535], %scan3A_387#9 : memref<16x32xf32, #tpu.memory_space<vmem>>[vector<16xi32>, vector<16xi32>], vector<16xf32>,
        %broadcast_in_dim3A_536 = arith.constant 10 : i32
        %broadcast_in_dim3A_537 = vector.broadcast %broadcast_in_dim3A_536 : i32 to vector<16xi32>
        tpu.vector_store_idx %arg14[%iota3A, %broadcast_in_dim3A_537], %scan3A_387#10 : memref<16x32xf32, #tpu.memory_space<vmem>>[vector<16xi32>, vector<16xi32>], vector<16xf32>,
        %broadcast_in_dim3A_538 = arith.constant 11 : i32
        %broadcast_in_dim3A_539 = vector.broadcast %broadcast_in_dim3A_538 : i32 to vector<16xi32>
        tpu.vector_store_idx %arg14[%iota3A, %broadcast_in_dim3A_539], %scan3A_387#11 : memref<16x32xf32, #tpu.memory_space<vmem>>[vector<16xi32>, vector<16xi32>], vector<16xf32>,
        %broadcast_in_dim3A_540 = arith.constant 12 : i32
        %broadcast_in_dim3A_541 = vector.broadcast %broadcast_in_dim3A_540 : i32 to vector<16xi32>
        tpu.vector_store_idx %arg14[%iota3A, %broadcast_in_dim3A_541], %scan3A_387#12 : memref<16x32xf32, #tpu.memory_space<vmem>>[vector<16xi32>, vector<16xi32>], vector<16xf32>,
        %broadcast_in_dim3A_542 = arith.constant 13 : i32
        %broadcast_in_dim3A_543 = vector.broadcast %broadcast_in_dim3A_542 : i32 to vector<16xi32>
        tpu.vector_store_idx %arg14[%iota3A, %broadcast_in_dim3A_543], %scan3A_387#13 : memref<16x32xf32, #tpu.memory_space<vmem>>[vector<16xi32>, vector<16xi32>], vector<16xf32>,
        %broadcast_in_dim3A_544 = arith.constant 14 : i32
        %broadcast_in_dim3A_545 = vector.broadcast %broadcast_in_dim3A_544 : i32 to vector<16xi32>
        tpu.vector_store_idx %arg14[%iota3A, %broadcast_in_dim3A_545], %scan3A_387#14 : memref<16x32xf32, #tpu.memory_space<vmem>>[vector<16xi32>, vector<16xi32>], vector<16xf32>,
        %broadcast_in_dim3A_546 = arith.constant 15 : i32
        %broadcast_in_dim3A_547 = vector.broadcast %broadcast_in_dim3A_546 : i32 to vector<16xi32>
        tpu.vector_store_idx %arg14[%iota3A, %broadcast_in_dim3A_547], %scan3A_387#15 : memref<16x32xf32, #tpu.memory_space<vmem>>[vector<16xi32>, vector<16xi32>], vector<16xf32>,
        %broadcast_in_dim3A_548 = arith.constant 16 : i32
        %broadcast_in_dim3A_549 = vector.broadcast %broadcast_in_dim3A_548 : i32 to vector<16xi32>
        tpu.vector_store_idx %arg14[%iota3A, %broadcast_in_dim3A_549], %scan3A_387#16 : memref<16x32xf32, #tpu.memory_space<vmem>>[vector<16xi32>, vector<16xi32>], vector<16xf32>,
        %broadcast_in_dim3A_550 = arith.constant 17 : i32
        %broadcast_in_dim3A_551 = vector.broadcast %broadcast_in_dim3A_550 : i32 to vector<16xi32>
        tpu.vector_store_idx %arg14[%iota3A, %broadcast_in_dim3A_551], %scan3A_387#17 : memref<16x32xf32, #tpu.memory_space<vmem>>[vector<16xi32>, vector<16xi32>], vector<16xf32>,
        %broadcast_in_dim3A_552 = arith.constant 18 : i32
        %broadcast_in_dim3A_553 = vector.broadcast %broadcast_in_dim3A_552 : i32 to vector<16xi32>
        tpu.vector_store_idx %arg14[%iota3A, %broadcast_in_dim3A_553], %scan3A_387#18 : memref<16x32xf32, #tpu.memory_space<vmem>>[vector<16xi32>, vector<16xi32>], vector<16xf32>,
        %broadcast_in_dim3A_554 = arith.constant 19 : i32
        %broadcast_in_dim3A_555 = vector.broadcast %broadcast_in_dim3A_554 : i32 to vector<16xi32>
        tpu.vector_store_idx %arg14[%iota3A, %broadcast_in_dim3A_555], %scan3A_387#19 : memref<16x32xf32, #tpu.memory_space<vmem>>[vector<16xi32>, vector<16xi32>], vector<16xf32>,
        %broadcast_in_dim3A_556 = arith.constant 20 : i32
        %broadcast_in_dim3A_557 = vector.broadcast %broadcast_in_dim3A_556 : i32 to vector<16xi32>
        tpu.vector_store_idx %arg14[%iota3A, %broadcast_in_dim3A_557], %scan3A_387#20 : memref<16x32xf32, #tpu.memory_space<vmem>>[vector<16xi32>, vector<16xi32>], vector<16xf32>,
        %broadcast_in_dim3A_558 = arith.constant 21 : i32
        %broadcast_in_dim3A_559 = vector.broadcast %broadcast_in_dim3A_558 : i32 to vector<16xi32>
        tpu.vector_store_idx %arg14[%iota3A, %broadcast_in_dim3A_559], %scan3A_387#21 : memref<16x32xf32, #tpu.memory_space<vmem>>[vector<16xi32>, vector<16xi32>], vector<16xf32>,
        %broadcast_in_dim3A_560 = arith.constant 22 : i32
        %broadcast_in_dim3A_561 = vector.broadcast %broadcast_in_dim3A_560 : i32 to vector<16xi32>
        tpu.vector_store_idx %arg14[%iota3A, %broadcast_in_dim3A_561], %scan3A_387#22 : memref<16x32xf32, #tpu.memory_space<vmem>>[vector<16xi32>, vector<16xi32>], vector<16xf32>,
        %broadcast_in_dim3A_562 = arith.constant 23 : i32
        %broadcast_in_dim3A_563 = vector.broadcast %broadcast_in_dim3A_562 : i32 to vector<16xi32>
        tpu.vector_store_idx %arg14[%iota3A, %broadcast_in_dim3A_563], %scan3A_387#23 : memref<16x32xf32, #tpu.memory_space<vmem>>[vector<16xi32>, vector<16xi32>], vector<16xf32>,
        %broadcast_in_dim3A_564 = arith.constant 24 : i32
        %broadcast_in_dim3A_565 = vector.broadcast %broadcast_in_dim3A_564 : i32 to vector<16xi32>
        tpu.vector_store_idx %arg14[%iota3A, %broadcast_in_dim3A_565], %scan3A_387#24 : memref<16x32xf32, #tpu.memory_space<vmem>>[vector<16xi32>, vector<16xi32>], vector<16xf32>,
        %add3A_566 = arith.addi %mul3A_2, %mul3A_230 : i32
        "tpu.region"() ({
          %run_scoped3A = tpu.sem_alloc : memref<!tpu.dma_semaphore, #tpu.memory_space<semaphore_mem>>
          %dma_start3A_567 = arith.constant 0 : i32
          %dma_start3A_568 = tpu.memref_slice %arg6[%add3A_566, %dma_start3A_567] : memref<8192x32xf32, #tpu.memory_space<hbm>> -> memref<16x32xf32, #tpu.memory_space<hbm>>
          %dma_start3A_569 = arith.constant 0 : i32
          %dma_start3A_570 = tpu.memref_slice %arg6[%add3A_566, %dma_start3A_569] : memref<8192x32xf32, #tpu.memory_space<hbm>> -> memref<16x32xf32, #tpu.memory_space<hbm>>
          tpu.enqueue_dma source(%arg14 : memref<16x32xf32, #tpu.memory_space<vmem>>) target(%dma_start3A_570 : memref<16x32xf32, #tpu.memory_space<hbm>>) target_semaphore(%run_scoped3A : memref<!tpu.dma_semaphore, #tpu.memory_space<semaphore_mem>>)
          %dma_wait3A_571 = arith.constant 0 : i32
          %dma_wait3A_572 = tpu.memref_slice %arg6[%add3A_566, %dma_wait3A_571] : memref<8192x32xf32, #tpu.memory_space<hbm>> -> memref<16x32xf32, #tpu.memory_space<hbm>>
          %dma_wait3A_573 = arith.constant 0 : i32
          %dma_wait3A_574 = tpu.memref_slice %arg6[%add3A_566, %dma_wait3A_573] : memref<8192x32xf32, #tpu.memory_space<hbm>> -> memref<16x32xf32, #tpu.memory_space<hbm>>
          tpu.wait_dma2 semaphore(%run_scoped3A : memref<!tpu.dma_semaphore, #tpu.memory_space<semaphore_mem>>) src(%arg14 : memref<16x32xf32, #tpu.memory_space<vmem>>) dst(%dma_wait3A_574 : memref<16x32xf32, #tpu.memory_space<hbm>>)
          tpu.yield
        }) : () -> ()
      } else {
      }
      %scan3A_199 = arith.constant 0 : i32
      scf.yield %scan3A_199 : i32
    }
    %scan3A_178 = arith.constant 16 : i32
    return
  }
}

module attributes {stable_mosaic.version = 14 : i64} {
  func.func @_tc_bce_kernel(%arg0: memref<2048x128xf32, #tpu.memory_space<vmem>>, %arg1: memref<2048x128xi32, #tpu.memory_space<vmem>>, %arg2: memref<1x1xf32, #tpu.memory_space<vmem>>, %arg3: memref<1x1xf32, #tpu.memory_space<vmem>>) attributes {dimension_semantics = [], scalar_prefetch = 0 : i64, scratch_operands = 0 : i64, tpu.core_type = #tpu.core_type<tc>} {
    %get3A = arith.constant 0 : index
    %get3A_0 = arith.constant 0 : index
    %get3A_1 = vector.load %arg0[%get3A, %get3A_0] : memref<2048x128xf32, #tpu.memory_space<vmem>>, vector<2048x128xf32>
    %get3A_2 = arith.constant 0 : index
    %get3A_3 = arith.constant 0 : index
    %get3A_4 = vector.load %arg1[%get3A_2, %get3A_3] : memref<2048x128xi32, #tpu.memory_space<vmem>>, vector<2048x128xi32>
    %shift_right_arithmetic3A = arith.constant 17 : i32
    %shift_right_arithmetic3A_5 = vector.broadcast %shift_right_arithmetic3A : i32 to vector<2048x128xi32>
    %shift_right_arithmetic3A_6 = arith.shrsi %get3A_4, %shift_right_arithmetic3A_5 : vector<2048x128xi32>
    %and3A = arith.constant 1 : i32
    %and3A_7 = vector.broadcast %and3A : i32 to vector<2048x128xi32>
    %and3A_8 = arith.andi %shift_right_arithmetic3A_6, %and3A_7 : vector<2048x128xi32>
    %convert_element_type3A = arith.sitofp %and3A_8 : vector<2048x128xi32> to vector<2048x128xf32>
    %shift_right_arithmetic3A_9 = arith.constant 18 : i32
    %shift_right_arithmetic3A_10 = vector.broadcast %shift_right_arithmetic3A_9 : i32 to vector<2048x128xi32>
    %shift_right_arithmetic3A_11 = arith.shrsi %get3A_4, %shift_right_arithmetic3A_10 : vector<2048x128xi32>
    %and3A_12 = arith.constant 1 : i32
    %and3A_13 = vector.broadcast %and3A_12 : i32 to vector<2048x128xi32>
    %and3A_14 = arith.andi %shift_right_arithmetic3A_11, %and3A_13 : vector<2048x128xi32>
    %convert_element_type3A_15 = arith.sitofp %and3A_14 : vector<2048x128xi32> to vector<2048x128xf32>
    %max3A = arith.constant 0.000000e+00 : f32
    %max3A_16 = vector.broadcast %max3A : f32 to vector<2048x128xf32>
    %max3A_17 = arith.maximumf %get3A_1, %max3A_16 : vector<2048x128xf32>
    %mul3A = arith.mulf %get3A_1, %convert_element_type3A : vector<2048x128xf32>
    %sub3A = arith.subf %max3A_17, %mul3A : vector<2048x128xf32>
    %abs3A = math.absf %get3A_1 : vector<2048x128xf32>
    %neg3A = arith.constant 0.000000e+00 : f32
    %neg3A_18 = vector.broadcast %neg3A : f32 to vector<2048x128xf32>
    %neg3A_19 = arith.subf %neg3A_18, %abs3A : vector<2048x128xf32>
    %exp3A = math.exp %neg3A_19 : vector<2048x128xf32>
    %log1p3A = math.log1p %exp3A : vector<2048x128xf32>
    %add3A = arith.addf %sub3A, %log1p3A : vector<2048x128xf32>
    %mul3A_20 = arith.mulf %add3A, %convert_element_type3A_15 : vector<2048x128xf32>
    %reduce_sum3A = vector.shape_cast %mul3A_20 : vector<2048x128xf32> to vector<1x2048x128xf32>
    %reduce_sum3A_21 = arith.constant dense<0.000000e+00> : vector<1xf32>
    %reduce_sum3A_22 = vector.multi_reduction <add>, %reduce_sum3A, %reduce_sum3A_21 [1, 2] : vector<1x2048x128xf32> to vector<1xf32>
    %reduce_sum3A_23 = vector.shape_cast %reduce_sum3A_22 : vector<1xf32> to vector<1x1x1xf32>
    %reduce_sum3A_24 = vector.extract %reduce_sum3A_23[0, 0, 0] : f32 from vector<1x1x1xf32>
    %reshape3A = vector.broadcast %reduce_sum3A_24 : f32 to vector<1x1xf32>
    %swap3A = arith.constant 0 : index
    %swap3A_25 = arith.constant 0 : index
    %swap3A_26 = vector.load %arg2[%swap3A, %swap3A_25] : memref<1x1xf32, #tpu.memory_space<vmem>>, vector<1x1xf32>
    tpu.vector_store %arg2[%swap3A, %swap3A_25], %reshape3A {strides = array<i32>} : memref<1x1xf32, #tpu.memory_space<vmem>>, vector<1x1xf32>,
    %reduce_sum3A_27 = vector.shape_cast %convert_element_type3A_15 : vector<2048x128xf32> to vector<1x2048x128xf32>
    %reduce_sum3A_28 = arith.constant dense<0.000000e+00> : vector<1xf32>
    %reduce_sum3A_29 = vector.multi_reduction <add>, %reduce_sum3A_27, %reduce_sum3A_28 [1, 2] : vector<1x2048x128xf32> to vector<1xf32>
    %reduce_sum3A_30 = vector.shape_cast %reduce_sum3A_29 : vector<1xf32> to vector<1x1x1xf32>
    %reduce_sum3A_31 = vector.extract %reduce_sum3A_30[0, 0, 0] : f32 from vector<1x1x1xf32>
    %reshape3A_32 = vector.broadcast %reduce_sum3A_31 : f32 to vector<1x1xf32>
    %swap3A_33 = arith.constant 0 : index
    %swap3A_34 = arith.constant 0 : index
    %swap3A_35 = vector.load %arg3[%swap3A_33, %swap3A_34] : memref<1x1xf32, #tpu.memory_space<vmem>>, vector<1x1xf32>
    tpu.vector_store %arg3[%swap3A_33, %swap3A_34], %reshape3A_32 {strides = array<i32>} : memref<1x1xf32, #tpu.memory_space<vmem>>, vector<1x1xf32>,
    return
  }
}

</mosaic_0001>

<sc_bundles>
// kernel: kernel.4.cloned.1.call-start
scs
__scs_entry_jumppad:
0x0: {  	(pc) =	sbr.rel $0x88, $3  }
0x1: {  	(tag) =	ssettag $0x0;
	lr =	simm.s32 $0x1  }
0x2: {  	[smem:$0x3F9B] =	sst lr;
	_ =	strace $0xD0000000  }
0x3: {  	_ = 	snop  }
0x4: {  	_ = 	snop  }
0x5: {  	_ = 	snop  }
0x6: {  	_ = 	snop  }
0x7: {  	_ = 	snop  }
__scs_overlays_trampoline_lowered:
0x8: {  	[smem:$0x3FAA] =	sst s0  }
0x9: {  	[smem:$0x3FAB] =	sst s1  }
0xa: {  	[smem:$0x3FAC] =	sst s2  }
0xb: {  	[smem:$0x3FAD] =	sst s3  }
0xc: {  	[smem:$0x3FAE] =	sst s4  }
0xd: {  	[smem:$0x3FAF] =	sst s5  }
0xe: {  	[smem:$0x3FB0] =	sst s6  }
0xf: {  	[smem:$0x3FB1] =	sst s7  }
0x10: {  	[smem:$0x3FB2] =	sst s8  }
0x11: {  	[smem:$0x3FB3] =	sst s9;
	s0 =	simm.s32 @!p0 $0x0  }
0x12: {  	s1 =	sld [smem:$0x3F99];
	s0 =	simm.s32 @p0 $0x1  }
0x13: {  	[smem:$0x3FB4] =	sst s0;
	s0 =	simm.s32 @!p1 $0x0  }
0x14: {  	s2 =	sld [smem:$0x3F98];
	s0 =	simm.s32 @p1 $0x1  }
0x15: {  	[smem:$0x3FB5] =	sst s0;
	s0 =	simm.s32 @!p2 $0x0  }
0x16: {  	s3 =	sld [smem:$0x3FDB];
	s0 =	simm.s32 @p2 $0x1  }
0x17: {  	s4 =	simm.s32 $0x1BF5;
	[smem:$0x3FB7] =	sst s0  }
0x18: {  	s0 =	sld [smem:$0x3F9A];
	_ =	swait.ge [sflag:s4], $0x0  }
0x19: {  	s7 =	sld [smem:$0x3F9B]  }
0x1a: {  	s8 =	sadd.s32 $0xFFFFE003, lr  }
0x1b: {  	s9 =	sadd.s32 $0xFFFFFEF7, lr;
	s5 =	simm.s32 $0xFFFFFFFF;
	p2 =	slt.u32 s8, $0xFFFFF086  }
0x1c: {  	p1 =	slt.u32 s9, $0xF7A;
	s5 =	simm.s32 @!p2 $0x0  }
0x1d: {  	s5 =	simm.s32 @p1 $0x1;
	p0 =	seq.s32 s7, s2  }
0x1e: {  	s7 =	smul.u32 @!p0 $0xF7A, s2;
	p2 =	seq.s32 @!p0 s5, $0x0  }
0x1f: {  	s9 =	smul.u32 $0xF7A, s1;
	s8 =	simm.s32 @!p0 $0x1BF5;
	p2 =	por !p2, p0  }
0x20: {  	[sflag:s8] =	ssyncset.s32 @!p0 $0xFFFFF086;
	s6 =	sadd.s32 @!p0 s3, s7;
	s7 =	simm.s32 @!p0 $0x108  }
0x21: {  	s3 =	sadd.s32 s3, s9;
	s6 =	sadd.s32 @!p0 $0x88, s6;
	s7 =	simm.s32 @p2 $0x1082  }
0x22: {  	[simem:s7], [sflag:s8] =	dma.local @!p0 [hbm:s6], $0xF7A  }
0x23: {  	s9 =	sor.u32 $0xD0000000, s2;
	s6 =	simm.s32 $0x108;
	_ =	swait.ge @!p0 [sflag:s8], $0x0  }
0x24: {  	s3 =	sadd.s32 $0x88, s3;
	s6 =	simm.s32 @!p1 $0x1082;
	[sflag:s4] =	ssyncset.s32 $0xFFFFF086  }
0x25: {  	[simem:s6], [sflag:s4] =	dma.local [hbm:s3], $0xF7A  }
0x26: {  	[smem:$0x3F9B] =	sst s1;
	(tag) =	ssettag s2;
	_ =	strace s9  }
0x27: {  	s1 =	sld [smem:$0x3FAB]  }
0x28: {  	s2 =	sld [smem:$0x3FAC]  }
0x29: {  	s4 =	sld [smem:$0x3FAE]  }
0x2a: {  	p0 =	seq.s32 s5, $0x0;
	s5 =	sld [smem:$0x3FAF]  }
0x2b: {  	s6 =	sld [smem:$0x3FB0]  }
0x2c: {  	s7 =	sld [smem:$0x3FB1]  }
0x2d: {  	s3 =	simm.s32 $0x108;
	s8 =	sld [smem:$0x3FB2]  }
0x2e: {  	s3 =	simm.s32 @!p0 $0x1082;
	s9 =	sld [smem:$0x3FB3]  }
0x2f: {  	lr =	sadd.s32 s0, s3;
	s0 =	sld [smem:$0x3FAA]  }
0x30: {  	s3 =	sld [smem:$0x3FAD]  }
0x31: {  	[smem:$0x3FB6] =	sst s10  }
0x32: {  	s10 =	sld [smem:$0x3FB4];
	_ =	sdelay $0x3  }
0x33: {  	p0 =	seq.s32 s10, $0x1;
	s10 =	sld [smem:$0x3FB6];
	_ =	sdelay $0x3  }
0x34: {  	[smem:$0x3FB6] =	sst s10  }
0x35: {  	s10 =	sld [smem:$0x3FB5];
	_ =	sdelay $0x3  }
0x36: {  	p1 =	seq.s32 s10, $0x1;
	s10 =	sld [smem:$0x3FB6];
	_ =	sdelay $0x3  }
0x37: {  	[smem:$0x3FB6] =	sst s10  }
0x38: {  	s10 =	sld [smem:$0x3FB7]  }
0x39: {  	_ = 	snop;
	(pc) =	sbr.ind lr, $3  }
0x3a: {  	_ = 	snop  }
0x3b: {  	_ = 	snop  }
0x3c: {  	p2 =	seq.s32 s10, $0x1;
	s10 =	sld [smem:$0x3FB6]  }
0x3d: {  	_ =	shalt  }
0x3e: {  	_ =	shalt  }
0x3f: {  	_ =	shalt  }
0x40: {  	_ =	shalt  }
0x41: {  	_ =	shalt  }
0x42: {  	_ =	shalt  }
0x43: {  	_ =	shalt  }
0x44: {  	_ =	shalt  }
0x45: {  	_ =	shalt  }
0x46: {  	_ =	shalt  }
0x47: {  	_ =	shalt  }
0x48: {  	_ =	shalt  }
0x49: {  	_ =	shalt  }
0x4a: {  	_ =	shalt  }
0x4b: {  	_ =	shalt  }
0x4c: {  	_ =	shalt  }
0x4d: {  	_ =	shalt  }
0x4e: {  	_ =	shalt  }
0x4f: {  	_ =	shalt  }
0x50: {  	_ =	shalt  }
0x51: {  	_ =	shalt  }
0x52: {  	_ =	shalt  }
0x53: {  	_ =	shalt  }
0x54: {  	_ =	shalt  }
0x55: {  	_ =	shalt  }
0x56: {  	_ =	shalt  }
0x57: {  	_ =	shalt  }
0x58: {  	_ =	shalt  }
0x59: {  	_ =	shalt  }
0x5a: {  	_ =	shalt  }
0x5b: {  	_ =	shalt  }
0x5c: {  	_ =	shalt  }
0x5d: {  	_ =	shalt  }
0x5e: {  	_ =	shalt  }
0x5f: {  	_ =	shalt  }
0x60: {  	_ =	shalt  }
0x61: {  	_ =	shalt  }
0x62: {  	_ =	shalt  }
0x63: {  	_ =	shalt  }
0x64: {  	_ =	shalt  }
0x65: {  	_ =	shalt  }
0x66: {  	_ =	shalt  }
0x67: {  	_ =	shalt  }
0x68: {  	_ =	shalt  }
0x69: {  	_ =	shalt  }
0x6a: {  	_ =	shalt  }
0x6b: {  	_ =	shalt  }
0x6c: {  	_ =	shalt  }
0x6d: {  	_ =	shalt  }
0x6e: {  	_ =	shalt  }
0x6f: {  	_ =	shalt  }
0x70: {  	_ =	shalt  }
0x71: {  	_ =	shalt  }
0x72: {  	_ =	shalt  }
0x73: {  	_ =	shalt  }
0x74: {  	_ =	shalt  }
0x75: {  	_ =	shalt  }
0x76: {  	_ =	shalt  }
0x77: {  	_ =	shalt  }
0x78: {  	_ =	shalt  }
0x79: {  	_ =	shalt  }
0x7a: {  	_ =	shalt  }
0x7b: {  	_ =	shalt  }
0x7c: {  	_ =	shalt  }
0x7d: {  	_ =	shalt  }
0x7e: {  	_ =	shalt  }
0x7f: {  	_ =	shalt  }
0x80: {  	_ =	shalt  }
0x81: {  	_ =	shalt  }
0x82: {  	_ =	shalt  }
0x83: {  	_ =	shalt  }
0x84: {  	_ =	shalt  }
0x85: {  	_ =	shalt  }
0x86: {  	_ =	shalt  }
0x87: {  	_ =	shalt  }
.Lfunc_end0:
.L_simem_size_0:
called_computation_lowered:
.L_overlay_start_0:
0x88: {  	s2 =	sld [smem:$0x3FD9]  }
0x89: {  	s3 =	sld [smem:$0x3FFE];
	_ =	sdelay $0x1  }
0x8a: {  	s1 =	srdreg.scid  }
0x8b: {  	s0 =	sand.u32 $0x1, s1  }
0x8c: {  	s17 =	sshll.u32 s0, $0xA;
	s2 =	sadd.s32 s3, s2  }
0x8d: {  	s2 =	sadd.s32 s2, s17  }
0x8e: {  	[smem:$0x3FC2] =	sst s2  }
0x8f: {  	_ = 	snop  }
0x90: {  	s2 =	sld [smem:$0x3FC9]  }
0x91: {  	s18 =	sld [smem:$0x3FC8]  }
0x92: {  	s4 =	sld [smem:$0x3FC7];
	(tm) =	ssettm $0x1  }
0x93: {  	s5 =	sld [smem:$0x3FFB];
	_ =	sdelay $0x3  }
0x94: {  	_ =	strace s5  }
0x95: {  	s5 =	sld [smem:$0x3FFC];
	_ =	sdelay $0x3  }
0x96: {  	_ =	strace s5  }
0x97: {  	s5 =	sld [smem:$0x3FFD];
	_ =	sdelay $0x3  }
0x98: {  	_ =	strace s5  }
0x99: {  	_ =	strace $0x8FFFFFFF  }
0x9a: {  	s19 =	sld [smem:$0x3FDB];
	_ =	sdelay $0x1  }
0x9b: {  	s6 =	simm.s32 $_scs_section_size  }
0x9c: {  	s7 =	simm.s32 $_size__tile_overlayer_lowered;
	s8 =	simm.s32 $_tile_overlayer_lowered  }
0x9d: {  	s22 =	simm.s32 $0x1BFF;
	s21 =	sshll.u32 s8, $0x1;
	s5 =	sadd.s32 s6, s19  }
0x9e: {  	s9 =	simm.s32 $0x0;
	s20 =	sshll.u32 s7, $0x1;
	s7 =	sadd.s32 s21, s5  }
0x9f: {  	[timem:s9], [sflag:s22] =	dma.local [hbm:s7], s20  }
0xa0: {  	_ =	swait.ge [sflag:s22], s20  }
0xa1: {  	s6 =	ssub.s32 $0x0, s20;
	[sflag:s22] =	ssyncset.done $0x0  }
0xa2: {  	[sflag:s22] =	ssyncadd.s32 s6;
	_ =	sdelay $0x1  }
0xa3: {  	s23 =	simm.s32 $0x1B8B  }
0xa4: {  	_ =	swait.ge [sflag:s23], $0x1  }
0xa5: {  	[sflag:s23] =	ssyncset.done $0x0  }
0xa6: {  	s25 =	simm.s32 $0x1B8E;
	s24 =	sld [smem:$0x3FFE];
	[sflag:s23] =	ssyncadd.s32 $0xFFFFFFFF  }
0xa7: {  	s26 =	simm.s32 $execute0_lowered;
	[smem:$0x3FD2] =	sst s25  }
0xa8: {  	s7 =	sshll.u32 s26, $0x1;
	_ =	strace $0x80000046;
	[dreg:$0x1] =	wrdreg $0xFFFFFFFF  }
0xa9: {  	s28 =	simm.s32 $_size_execute0_lowered;
	s5 =	sadd.s32 s5, s7;
	[dreg:$0x0] =	wrdreg $0x0  }
0xaa: {  	s7 =	sshll.u32 s28, $0x1;
	[dreg:$0x2] =	wrdreg s5  }
0xab: {  	[dreg:$0x3] =	wrdreg s7  }
0xac: {  	[dreg:$0x4] =	wrdreg $0xC0  }
0xad: {  	_ =	task [dreg:s9], $0x5FFFF  }
0xae: {  	[dreg:$0x1] =	wrdreg $0xFFFFFFFF  }
0xaf: {  	[dreg:$0x0] =	wrdreg $0x60  }
0xb0: {  	[dreg:$0x2] =	wrdreg s24  }
0xb1: {  	[dreg:$0x3] =	wrdreg s18  }
0xb2: {  	[dreg:$0x4] =	wrdreg s2  }
0xb3: {  	[dreg:$0x5] =	wrdreg s4  }
0xb4: {  	[dreg:$0x6] =	wrdreg $0x9  }
0xb5: {  	_ =	task.clear_ibuf [dreg:s9], $0x7FFFF;
	_ =	strace $0x90000046  }
0xb6: {  	s29 =	simm.s32 $0x9;
	_ =	strace $0x80000048  }
0xb7: {  	_ =	swait.ge [sflag:s29], $0x1  }
0xb8: {  	[sflag:s29] =	ssyncadd.s32 $0xFFFFFFFF  }
0xb9: {  	_ =	strace $0x90000048  }
0xba: {  	_ =	sfence  }
0xbb: {  	s30 =	sld [smem:$0x0];
	_ =	sdelay $0x2  }
0xbc: {  	s31 =	sshll.u32 s1, $0xD;
	s1 =	sshrl.u32 s1, $0x2  }
0xbd: {  	s3 =	sand.u32 $0x4000, s31;
	s1 =	sadd.s32 s1, s30  }
0xbe: {  	s0 =	sor.u32 s3, s0;
	s1 =	sshll.u32 s1, $0x11  }
0xbf: {  	s0 =	sor.u32 s1, s0  }
0xc0: {  	s0 =	sadd.s32 $0x8F2B, s0  }
0xc1: {  	[sflag:s0] =	ssyncadd.remote.s32 $0x1  }
0xc2: {  	_ =	sfence.sel $0xFFFF  }
0xc3: {  	[dreg:$0x0] =	wrdreg $0xFFFFFFFF;
	(pc) =	sbr.abs _section_cstart, $3  }
0xc4: {  	[dreg:$0x1] =	wrdreg $0xFFFFFFFF  }
0xc5: {  	_ =	task.clear_ibuf [dreg:s9], $0x2FFFF;
	_ =	strace $0x9FFFFFFF  }
0xc6: {  	(tm) =	ssettm $0x7FFFFFFF  }
0xc7: {  	_ =	shalt  }
tec
execute0_lowered:
.L_overlay_start_1:
0x0: {  	(tag) =	ssettag $0x1  }
0x1: {  	s0 =	rddreg [dreg:$0x0]  }
0x2: {  	s2 =	rddreg [dreg:$0x1]  }
0x3: {  	s1 =	rddreg [dreg:$0x2];
	s4 =	simm.s32 $0x0;
	v61 =	vlaneseq.u32  }
0x4: {  	[smem:$0x7FF] =	sst s4;
	v0 =	vmul.u32 $0x20, v61;
	v8 =	vor.u32 $0x10, v61  }
0x5: {  	s3 =	rddreg [dreg:$0x3];
	v62 =	vmul.u32 $0x80, v61;
	_ =	strace $0x80000047;
	[tilespmem:$0x1FFC0] =	vst v8  }
0x6: {  	v6 =	vmul.u32 $0x10, v61;
	[tilespmem:$0x1FFA0] =	vst v0  }
0x7: {  	[tilespmem:$0x1FFE0] =	vst v62  }
0x8: {  	v1 =	vor.u32 $0x1, v0;
	[tilespmem:$0x1FFF0] =	vst v6  }
0x9: {  	v50 =	vor.u32 $0x2, v0;
	[tilespmem:$0x1FED0] =	vst v1  }
0xa: {  	v51 =	vor.u32 $0x3, v0;
	[tilespmem:$0x1FEE0] =	vst v50  }
0xb: {  	v52 =	vor.u32 $0x4, v0;
	[tilespmem:$0x1FEF0] =	vst v51  }
0xc: {  	s5 =	srdreg.scid;
	s13 =	stileid.u32;
	v53 =	vor.u32 $0x5, v0;
	[tilespmem:$0x1FF00] =	vst v52  }
0xd: {  	s14 =	simm.s32 $0x4;
	s16 =	simm.s32 $0x20;
	s17 =	simm.s32 $0x100;
	v54 =	vor.u32 $0x6, v0;
	[tilespmem:$0x1FF10] =	vst v53  }
0xe: {  	s23 =	simm.s32 $0x1;
	s24 =	simm.s32 $0x2A10;
	s30 =	simm.s32 $0x4390;
	v55 =	vor.u32 $0x7, v0;
	[tilespmem:$0x1FF20] =	vst v54  }
0xf: {  	s31 =	simm.s32 $0x5;
	s15 =	simm.s32 $0x0;
	s8 =	sand.u32 $0x1, s5;
	v56 =	vor.u32 $0x8, v0;
	[tilespmem:$0x1FF30] =	vst v55  }
0x10: {  	s6 =	sshll.u32 s13, $0x1;
	s5 =	sadd.s32 $0x188800, s0;
	s26 =	sadd.s32 $0x1865F0, s3;
	v57 =	vor.u32 $0x9, v0;
	[tilespmem:$0x1FF40] =	vst v56  }
0x11: {  	s28 =	sshll.u32 s13, $0xE;
	s7 =	sor.u32 s8, s6;
	s6 =	sadd.s32 $0x1E00, s0;
	v58 =	vor.u32 $0xA, v0;
	[tilespmem:$0x1FF50] =	vst v57  }
0x12: {  	s10 =	ssub.s32 $0x2, s8;
	[dreg:$0x6] =	wrdreg s26;
	s29 =	sshll.u32 s8, $0xD;
	v59 =	vor.u32 $0xB, v0;
	[tilespmem:$0x1FF60] =	vst v58  }
.Ltmp0:
0x13: {  	s9 =	sshll.u32 s7, $0xA;
	s25 =	sshrl.u32 s10, $0x1;
	v60 =	vor.u32 $0xC, v0;
	[tilespmem:$0x1FF70] =	vst v59;
	(pc) =	sbr.rel .LBB2_1-.Ltmp0, $4  }
0x14: {  	s11 =	sshll.u32 s7, $0x5;
	s7 =	sshll.u32 s7, $0x8;
	s13 =	sor.u32 s29, s28;
	v63 =	vor.u32 $0xD, v0;
	[tilespmem:$0x1FF80] =	vst v60  }
0x15: {  	v0 =	vor.u32 $0xE, v0;
	s0 =	sadd.s32 s9, s0;
	s12 =	ssub.s32 s10, s25;
	s2 =	sadd.s32 s2, s11;
	[tilespmem:$0x1FF90] =	vst v63  }
0x16: {  	v9 =	vor.u32 $0x100, v6;
	[tilespmem:$0x1FFB0] =	vst v0;
	[dreg:$0x5] =	wrdreg s2;
	s10 =	sadd.s32 $0x9E00, s0;
	s11 =	sadd.s32 $0xA000, s0  }
0x17: {  	v7 =	vimm.s32 $0x0;
	[tilespmem:$0x1FFD0] =	vst v9;
	s12 =	smax.u32 s12, $0x1;
	s0 =	simm.s32 $0x4B90;
	s2 =	simm.s32 $0x1EB90  }
.LBB2_16:
0x18: {  	s15 =	sadd.s32 $0x1, s15  }
0x19: {  	p0 =	sne.s32 s15, s12  }
.Ltmp1:
0x1a: {  	_ = 	snop;
	(pc) =	sbr.rel @!p0 .LBB2_17-.Ltmp1, $1  }
0x1b: {  	_ =	sdelay $0x3  }
.LBB2_1:
0x1c: {  	s8 =	rddreg [dreg:$0x5]  }
0x1d: {  	[tilespmem:s4], [sflag:$0x4] =	stream.linear.gather [hbm4b:s8+s4], $0x100, $0x38;
	[tilespmem:$0x1ED90] =	vst v63  }
0x1e: {  	_ =	swait.ge [sflag:s14], $0x100  }
0x1f: {  	[sflag:s14] =	ssyncset.done $0x0  }
0x20: {  	s9 =	simm.s32 $0x1CB90;
	s29 =	rddreg [dreg:$0x6];
	[sflag:s14] =	ssyncadd.s32 $0xFFFFFF00  }
0x21: {  	[tilespmem:s9], [sflag:$0x4] =	stream.linear.gather [hbm4b:s29+s4], $0x2000, $0x38;
	[tilespmem:$0x1ED90] =	vst v63  }
0x22: {  	_ =	swait.ge [sflag:s14], $0x2000  }
0x23: {  	v0 =	vor.u32 s13, v61;
	s19 =	simm.s32 $0x0;
	[sflag:s14] =	ssyncset.done $0x0  }
0x24: {  	s18 =	smov.u32 s13;
	s8 =	simm.s32 $0x40;
	v0 =	vand.u32 $0xFFFF, v0;
	[sflag:s14] =	ssyncadd.s32 $0xFFFFE000  }
.LBB2_2:
0x25: {  	p0 =	sne.s32 s8, $0x63C0  }
0x26: {  	[tilespmem:s19+$0x1100] =	vst v0;
	s18 =	sadd.s32 $0x10, s18;
	s19 =	smov.u32 s8;
	s8 =	sadd.s32 $0x40, s8  }
.Ltmp2:
0x27: {  	(pc) =	sbr.rel @p0 .LBB2_2-.Ltmp2, $3  }
0x28: {  	_ =	sdelay $0x1  }
0x29: {  	v0 =	vor.u32 s18, v61  }
0x2a: {  	s19 =	sshra.s32 s19, $0x2;
	v0 =	vand.u32 $0xFFFF, v0  }
0x2b: {  	[tilespmem:s19+$0x1100] =	vst v0;
	s8 =	simm.s32 $0x0  }
0x2c: {  	[tilespmem:s17], [sflag:$0x1] =	stream.indirect.gather [hbm4b:s5+s16], $0x20, s8, s16, $0xb8;
	[tilespmem:$0x1ED90] =	vst v63  }
0x2d: {  	s9 =	simm.s32 $0x500  }
0x2e: {  	[tilespmem:s9], [sflag:$0x1] =	stream.indirect.gather [hbm4b:s5+s16], $0x20, s16, s16, $0xb8;
	[tilespmem:$0x1ED90] =	vst v63  }
0x2f: {  	s22 =	simm.s32 $0x40;
	s18 =	simm.s32 $0x900  }
0x30: {  	[tilespmem:s18], [sflag:$0x1] =	stream.indirect.gather [hbm4b:s5+s16], $0x20, s22, s16, $0xb8;
	[tilespmem:$0x1ED90] =	vst v63  }
0x31: {  	s25 =	simm.s32 $0x60;
	s26 =	simm.s32 $0xD00  }
0x32: {  	[tilespmem:s26], [sflag:$0x1] =	stream.indirect.gather [hbm4b:s5+s16], $0x20, s25, s16, $0xb8;
	[tilespmem:$0x1ED90] =	vst v63  }
0x33: {  	_ =	swait.ge [sflag:s23], $0x400  }
0x34: {  	[sflag:s23] =	ssyncset.done $0x0  }
0x35: {  	[sflag:s23] =	ssyncadd.s32 $0xFFFFFC00  }
0x36: {  	_ =	swait.ge [sflag:s23], $0x400  }
0x37: {  	[sflag:s23] =	ssyncset.done $0x0  }
0x38: {  	[sflag:s23] =	ssyncadd.s32 $0xFFFFFC00  }
0x39: {  	_ =	swait.ge [sflag:s23], $0x400  }
0x3a: {  	[sflag:s23] =	ssyncset.done $0x0  }
0x3b: {  	[sflag:s23] =	ssyncadd.s32 $0xFFFFFC00  }
0x3c: {  	_ =	swait.ge [sflag:s23], $0x400  }
0x3d: {  	s9 =	simm.s32 $0x0;
	[sflag:s23] =	ssyncset.done $0x0  }
0x3e: {  	v0 =	vor.u32 s9, v61;
	[sflag:s23] =	ssyncadd.s32 $0xFFFFFC00  }
0x3f: {  	[hbm4b:s10+s8] =	stream.linear.scatter [tilespmem:s17], [sflag:$0x4], $0x1000, $0x38;
	[tilespmem:$0x1ED90] =	vst v63  }
0x40: {  	_ =	swait.ge [sflag:s14], $0x1000  }
0x41: {  	[sflag:s14] =	ssyncset.done $0x0  }
0x42: {  	[sflag:s14] =	ssyncadd.s32 $0xFFFFF000  }
0x43: {  	v0 =	vld.idx.msk [tilespmem:v0+s17+$0x0], $0xffff;
	_ =	sdelay $0x4  }
0x44: {  	v1 =	vand.u32 $0x1FFFF, v0;
	v0 =	vand.u32 $0x40000, v0  }
0x45: {  	vm0 =	vne.s32 v0, $0x0;
	vm1 =	vlt.u32 v1, $0x1865F  }
0x46: {  	vm2 =	vmand vm0, vm1  }
0x47: {  	v0 =	vsel vm2, $0x1, v7  }
0x48: {  	(xrf0) =	vadd.scan.msk.s32 $0xffff, v0  }
0x49: {  	s19 =	simm.s32 $0x0;
	v0 =	vmpcnt.ones.xlane vm2  }
0x4a: {  	s20 =	smul.u32 $0x190, s19;
	s21 =	sand.u32 $0x1, s19  }
0x4b: {  	p0 =	seq.s32 s21, $0x1;
	s21 =	simm.s32 $0x180;
	s8 =	sand.u32 $0xF, s8;
	v0 =	vxor.u32 $0x80000000, v0  }
0x4c: {  	s21 =	simm.s32 @!p0 $0x0;
	s22 =	sor.u32 s8, s20;
	(xrf0) =	vmax.scan.msk.u32 $0xffff, v0  }
0x4d: {  	s25 =	sadd.s32 $0x0, s21;
	v2 =	vadd.s32 s22, v6;
	v0 =	vsel vm2, $0xFFFFFFFF, v7  }
0x4e: {  	v3 =	vor.u32 s9, v8;
	v0 =	vadd.s32 s25, v0;
	v4, _, _ =	vpop (xrf0)  }
0x4f: {  	s20 =	sadd.s32 $0x1100, s20;
	v5 =	vadd.s32 $0xFFFE7CA1, v1;
	v0 =	vadd.s32 v4, v0  }
0x50: {  	s26 =	sadd.s32 $0x0, s20;
	v0 =	vsel vm1, v0, v5  }
0x51: {  	[tilespmem:s26+$0x0] =	vst.msk vm2, v1;
	v0 =	vnsel vm0, $0x0, v0  }
0x52: {  	v1, _, _ =	vpop (xrf0);
	[tilespmem:v2+s24+$0x0] =	vst.idx.msk $0xffff, v0  }
0x53: {  	(v2sf) =	vpush v1, $0xF;
	v0 =	vld.idx.msk [tilespmem:v3+s17+$0x0], $0xffff;
	_ =	sdelay $0x4  }
0x54: {  	v1 =	vand.u32 $0x1FFFF, v0;
	v0 =	vand.u32 $0x40000, v0  }
0x55: {  	vm0 =	vne.s32 v0, $0x0;
	vm1 =	vlt.u32 v1, $0x1865F  }
0x56: {  	vm2 =	vmand vm0, vm1  }
0x57: {  	v0 =	vmpcnt.ones.xlane vm2  }
0x58: {  	v2 =	vsel vm2, $0x1, v7  }
0x59: {  	(xrf0) =	vadd.scan.msk.s32 $0xffff, v2;
	v0 =	vxor.u32 $0x80000000, v0  }
0x5a: {  	(xrf0) =	vmax.scan.msk.u32 $0xffff, v0;
	_ =	sdelay $0x3  }
0x5b: {  	s9 =	spop (v2sf)  }
0x5c: {  	s18 =	sadd.s32 $0x0, s9;
	v0, _, _ =	vpop (xrf0)  }
0x5d: {  	s25 =	simm.s32 $0x20;
	v3 =	vadd.s32 s22, v9;
	v2 =	vsel vm2, $0xFFFFFFFF, v7;
	s18 =	sadd.s32 $0x80000000, s18;
	v4, _, _ =	vpop (xrf0)  }
0x5e: {  	v5 =	vor.u32 s25, v61;
	v0 =	vadd.s32 v2, v0;
	s21 =	sadd.s32 s21, s18;
	(v2sf) =	vpush v4, $0xF  }
0x5f: {  	v2 =	vadd.s32 $0xFFFE7CA1, v1;
	v0 =	vadd.s32 s21, v0  }
0x60: {  	s20 =	sadd.s32 s18, s20;
	v0 =	vsel vm1, v0, v2  }
0x61: {  	[tilespmem:s20+$0x0] =	vst.msk vm2, v1;
	v0 =	vnsel vm0, $0x0, v0  }
0x62: {  	[tilespmem:v3+s24+$0x0] =	vst.idx.msk $0xffff, v0  }
0x63: {  	v1 =	vld.idx.msk [tilespmem:v5+s17+$0x0], $0xffff;
	_ =	sdelay $0x4  }
0x64: {  	v0 =	vand.u32 $0x1FFFF, v1;
	v1 =	vand.u32 $0x40000, v1  }
0x65: {  	vm0 =	vne.s32 v1, $0x0;
	vm1 =	vlt.u32 v0, $0x1865F  }
0x66: {  	p6 =	sne.s32 s8, $0xF;
	vm2 =	vmand vm0, vm1  }
0x67: {  	p0 =	por p6, p6;
	s26 =	simm.s32 $0x0;
	s22 =	simm.s32 $0x1;
	v1 =	vmpcnt.ones.xlane vm2  }
0x68: {  	s8 =	smul.u32 $0x190, s26;
	s29 =	sand.u32 $0xF, s22;
	s9 =	sand.u32 $0x1, s26;
	v2 =	vsel vm2, $0x1, v7  }
0x69: {  	p2 =	seq.s32 s9, $0x1;
	s21 =	simm.s32 $0x2;
	(xrf0) =	vadd.scan.msk.s32 $0xffff, v2;
	v1 =	vxor.u32 $0x80000000, v1;
	s28 =	spop (v2sf)  }
.LBB2_4:
0x6a: {  	s22 =	sor.u32 s29, s8;
	s20 =	sadd.s32 $0x1100, s8  }
0x6b: {  	s18 =	sadd.s32 s28, s18;
	s28 =	smov.u32 s21;
	s8 =	simm.s32 $0x180  }
0x6c: {  	v2 =	vsel vm2, $0xFFFFFFFF, v7;
	s8 =	simm.s32 @!p2 $0x0;
	v3 =	vadd.s32 s22, v6;
	p2 =	sne.s32 s29, $0xF;
	(xrf0) =	vmax.scan.msk.u32 $0xffff, v1;
	s18 =	sadd.s32 $0x80000000, s18  }
0x6d: {  	s21 =	sadd.s32 $0x1, s21;
	v1 =	vor.u32 s25, v8;
	[smem:s19] =	sst @!p0 s18;
	s18 =	simm.s32 @!p0 $0x0  }
0x6e: {  	v4 =	vadd.s32 $0xFFFE7CA1, v0;
	p1 =	sne.s32 s21, $0x80;
	s25 =	sadd.s32 s18, s20;
	s19 =	sadd.s32 s18, s8  }
0x6f: {  	p0 =	por p2, p2;
	v2 =	vadd.s32 s19, v2;
	v5, _, _ =	vpop (xrf0);
	s19 =	smov.u32 s26  }
0x70: {  	v5 =	vadd.s32 v5, v2  }
0x71: {  	v4 =	vsel vm1, v5, v4  }
0x72: {  	[tilespmem:s25+$0x0] =	vst.msk vm2, v0;
	v0 =	vnsel vm0, $0x0, v4;
	v2, _, _ =	vpop (xrf0)  }
0x73: {  	[tilespmem:v3+s24+$0x0] =	vst.idx.msk $0xffff, v0;
	(v2sf) =	vpush v2, $0xF  }
0x74: {  	v0 =	vld.idx.msk [tilespmem:v1+s17+$0x0], $0xffff;
	_ =	sdelay $0x5  }
0x75: {  	v1 =	vand.u32 $0x1FFFF, v0;
	v0 =	vand.u32 $0x40000, v0  }
0x76: {  	vm0 =	vne.s32 v0, $0x0;
	vm1 =	vlt.u32 v1, $0x1865F  }
0x77: {  	vm2 =	vmand vm0, vm1  }
0x78: {  	v0 =	vsel vm2, $0x1, v7;
	v2 =	vmpcnt.ones.xlane vm2  }
0x79: {  	(xrf0) =	vadd.scan.msk.s32 $0xffff, v0  }
0x7a: {  	v0 =	vxor.u32 $0x80000000, v2  }
0x7b: {  	(xrf0) =	vmax.scan.msk.u32 $0xffff, v0;
	_ =	sdelay $0x1  }
0x7c: {  	s26 =	spop (v2sf)  }
0x7d: {  	s25 =	sshll.u32 s28, $0x5;
	s18 =	sadd.s32 s26, s18  }
0x7e: {  	v3 =	vadd.s32 s22, v9;
	v2 =	vsel vm2, $0xFFFFFFFF, v7;
	v0 =	vor.u32 s25, v61;
	s18 =	sadd.s32 $0x80000000, s18;
	v4, _, _ =	vpop (xrf0)  }
0x7f: {  	s20 =	sadd.s32 s18, s20;
	v2 =	vadd.s32 v2, v4;
	s8 =	sadd.s32 s8, s18  }
0x80: {  	[tilespmem:s20+$0x0] =	vst.msk vm2, v1;
	v2 =	vadd.s32 s8, v2;
	v1 =	vadd.s32 $0xFFFE7CA1, v1;
	v4, _, _ =	vpop (xrf0)  }
0x81: {  	v1 =	vsel vm1, v2, v1;
	(v2sf) =	vpush v4, $0xF  }
0x82: {  	v1 =	vnsel vm0, $0x0, v1  }
0x83: {  	[tilespmem:v3+s24+$0x0] =	vst.idx.msk $0xffff, v1;
	_ =	sdelay $0x1  }
0x84: {  	v1 =	vld.idx.msk [tilespmem:v0+s17+$0x0], $0xffff;
	_ =	sdelay $0x5  }
0x85: {  	v0 =	vand.u32 $0x1FFFF, v1;
	v1 =	vand.u32 $0x40000, v1  }
.Ltmp3:
0x86: {  	vm0 =	vne.s32 v1, $0x0;
	vm1 =	vlt.u32 v0, $0x1865F;
	(pc) =	sbr.rel @p1 .LBB2_4-.Ltmp3, $4  }
0x87: {  	vm2 =	vmand vm0, vm1  }
0x88: {  	s26 =	sshrl.u32 s28, $0x4;
	v1 =	vsel vm2, $0x1, v7;
	v2 =	vmpcnt.ones.xlane vm2  }
0x89: {  	s8 =	smul.u32 $0x190, s26;
	s20 =	sand.u32 $0x1, s26;
	(xrf0) =	vadd.scan.msk.s32 $0xffff, v1  }
0x8a: {  	s29 =	sand.u32 $0xF, s28;
	p2 =	seq.s32 s20, $0x1;
	v1 =	vxor.u32 $0x80000000, v2;
	s28 =	spop (v2sf)  }
0x8b: {  	s18 =	sadd.s32 s28, s18  }
0x8c: {  	s20 =	simm.s32 $0x180;
	s9 =	sor.u32 s29, s8;
	s18 =	sadd.s32 $0x80000000, s18  }
0x8d: {  	s20 =	simm.s32 @!p2 $0x0;
	[smem:s19] =	sst @!p0 s18;
	s18 =	simm.s32 @!p0 $0x0  }
0x8e: {  	v2 =	vsel vm2, $0xFFFFFFFF, v7;
	v3 =	vadd.s32 s9, v6;
	s21 =	sadd.s32 s18, s20  }
0x8f: {  	v4 =	vor.u32 s25, v8;
	v2 =	vadd.s32 s21, v2;
	v5, _, _ =	vpop (xrf0)  }
0x90: {  	s8 =	sadd.s32 $0x1100, s8;
	v2 =	vadd.s32 v5, v2;
	v5 =	vadd.s32 $0xFFFE7CA1, v0  }
0x91: {  	s22 =	sadd.s32 s18, s8;
	v2 =	vsel vm1, v2, v5  }
0x92: {  	(xrf0) =	vmax.scan.msk.u32 $0xffff, v1;
	[tilespmem:s22+$0x0] =	vst.msk vm2, v0;
	v0 =	vnsel vm0, $0x0, v2  }
0x93: {  	[tilespmem:v3+s24+$0x0] =	vst.idx.msk $0xffff, v0  }
0x94: {  	v0 =	vld.idx.msk [tilespmem:v4+s17+$0x0], $0xffff;
	_ =	sdelay $0x3  }
0x95: {  	v3, _, _ =	vpop (xrf0)  }
0x96: {  	(v2sf) =	vpush v3, $0xF;
	v1 =	vand.u32 $0x1FFFF, v0;
	v0 =	vand.u32 $0x40000, v0  }
0x97: {  	vm0 =	vne.s32 v0, $0x0;
	vm1 =	vlt.u32 v1, $0x1865F  }
0x98: {  	vm2 =	vmand vm0, vm1  }
0x99: {  	v0 =	vmpcnt.ones.xlane vm2  }
0x9a: {  	v2 =	vsel vm2, $0x1, v7  }
0x9b: {  	(xrf0) =	vadd.scan.msk.s32 $0xffff, v2;
	v0 =	vxor.u32 $0x80000000, v0  }
0x9c: {  	(xrf0) =	vmax.scan.msk.u32 $0xffff, v0;
	_ =	sdelay $0x4  }
0x9d: {  	v0, _, _ =	vpop (xrf0)  }
0x9e: {  	v2, _, _ =	vpop (xrf0)  }
0x9f: {  	(v2sf) =	vpush v2, $0xF;
	_ =	sdelay $0x1  }
0xa0: {  	s25 =	spop (v2sf)  }
0xa1: {  	s18 =	sadd.s32 s25, s18  }
0xa2: {  	v3 =	vadd.s32 s9, v9;
	s18 =	sadd.s32 $0x80000000, s18;
	v2 =	vsel vm2, $0xFFFFFFFF, v7  }
0xa3: {  	s9 =	sadd.s32 s20, s18;
	v0 =	vadd.s32 v2, v0  }
0xa4: {  	v2 =	vadd.s32 $0xFFFE7CA1, v1;
	v0 =	vadd.s32 s9, v0  }
0xa5: {  	s8 =	sadd.s32 s18, s8;
	v0 =	vsel vm1, v0, v2  }
0xa6: {  	[tilespmem:s8+$0x0] =	vst.msk vm2, v1;
	v0 =	vnsel vm0, $0x0, v0  }
0xa7: {  	s9 =	simm.s32 $0x80;
	[tilespmem:v3+s24+$0x0] =	vst.idx.msk $0xffff, v0  }
0xa8: {  	[tilespmem:s17], [sflag:$0x1] =	stream.indirect.gather [hbm4b:s5+s16], $0x20, s9, s16, $0xb8;
	[tilespmem:$0x1ED90] =	vst v63  }
0xa9: {  	s21 =	simm.s32 $0xA0;
	s20 =	simm.s32 $0x500  }
0xaa: {  	[tilespmem:s20], [sflag:$0x1] =	stream.indirect.gather [hbm4b:s5+s16], $0x20, s21, s16, $0xb8;
	[tilespmem:$0x1ED90] =	vst v63  }
0xab: {  	s22 =	simm.s32 $0x900;
	s25 =	simm.s32 $0xC0  }
0xac: {  	[tilespmem:s22], [sflag:$0x1] =	stream.indirect.gather [hbm4b:s5+s16], $0x20, s25, s16, $0xb8;
	[tilespmem:$0x1ED90] =	vst v63  }
0xad: {  	p6 =	sne.s32 s29, $0xF;
	s19 =	spop (v2sf)  }
0xae: {  	p0 =	por p6, p6;
	s8 =	sadd.s32 s19, s18  }
0xaf: {  	s20 =	simm.s32 $0xE0;
	s19 =	simm.s32 $0xD00;
	s8 =	sadd.s32 $0x80000000, s8  }
0xb0: {  	[tilespmem:s19], [sflag:$0x1] =	stream.indirect.gather [hbm4b:s5+s16], $0x20, s20, s16, $0xb8;
	[tilespmem:$0x1ED90] =	vst v63  }
0xb1: {  	[smem:s26] =	sst @!p0 s8  }
0xb2: {  	_ =	swait.ge [sflag:s23], $0x400  }
0xb3: {  	[sflag:s23] =	ssyncset.done $0x0  }
0xb4: {  	[sflag:s23] =	ssyncadd.s32 $0xFFFFFC00  }
0xb5: {  	_ =	swait.ge [sflag:s23], $0x400  }
0xb6: {  	[sflag:s23] =	ssyncset.done $0x0  }
0xb7: {  	[sflag:s23] =	ssyncadd.s32 $0xFFFFFC00  }
0xb8: {  	_ =	swait.ge [sflag:s23], $0x400  }
0xb9: {  	[sflag:s23] =	ssyncset.done $0x0  }
0xba: {  	[sflag:s23] =	ssyncadd.s32 $0xFFFFFC00  }
0xbb: {  	_ =	swait.ge [sflag:s23], $0x400  }
0xbc: {  	s21 =	simm.s32 $0x0;
	[sflag:s23] =	ssyncset.done $0x0  }
0xbd: {  	v0 =	vor.u32 s21, v61;
	s22 =	simm.s32 $0x0;
	[sflag:s23] =	ssyncadd.s32 $0xFFFFFC00  }
0xbe: {  	[hbm4b:s11+s22] =	stream.linear.scatter [tilespmem:s17], [sflag:$0x4], $0x1000, $0x38;
	[tilespmem:$0x1ED90] =	vst v63  }
0xbf: {  	_ =	swait.ge [sflag:s14], $0x1000  }
0xc0: {  	[sflag:s14] =	ssyncset.done $0x0  }
0xc1: {  	[sflag:s14] =	ssyncadd.s32 $0xFFFFF000  }
0xc2: {  	v0 =	vld.idx.msk [tilespmem:v0+s17+$0x0], $0xffff;
	_ =	sdelay $0x4  }
0xc3: {  	v1 =	vand.u32 $0x1FFFF, v0;
	v0 =	vand.u32 $0x40000, v0  }
0xc4: {  	vm0 =	vne.s32 v0, $0x0;
	vm1 =	vlt.u32 v1, $0x1865F  }
0xc5: {  	vm2 =	vmand vm0, vm1  }
0xc6: {  	v0 =	vsel vm2, $0x1, v7  }
0xc7: {  	s25 =	simm.s32 $0x0;
	(xrf0) =	vadd.scan.msk.s32 $0xffff, v0  }
0xc8: {  	s19 =	sor.u32 $0x8, s25;
	v0 =	vmpcnt.ones.xlane vm2  }
0xc9: {  	s20 =	sand.u32 $0x1, s25;
	s26 =	smul.u32 $0x190, s19  }
0xca: {  	p0 =	seq.s32 s20, $0x1;
	s8 =	sand.u32 $0xF, s22;
	s20 =	simm.s32 $0x180;
	v0 =	vxor.u32 $0x80000000, v0  }
0xcb: {  	s20 =	simm.s32 @!p0 $0x0;
	s22 =	sor.u32 s8, s26;
	(xrf0) =	vmax.scan.msk.u32 $0xffff, v0  }
0xcc: {  	s9 =	sadd.s32 $0x0, s20;
	v2 =	vadd.s32 s22, v6;
	v0 =	vsel vm2, $0xFFFFFFFF, v7  }
0xcd: {  	v3 =	vor.u32 s21, v8;
	v0 =	vadd.s32 s9, v0;
	v4, _, _ =	vpop (xrf0)  }
0xce: {  	s26 =	sadd.s32 $0x1100, s26;
	v5 =	vadd.s32 $0xFFFE7CA1, v1;
	v0 =	vadd.s32 v4, v0  }
0xcf: {  	s21 =	sadd.s32 $0x0, s26;
	v0 =	vsel vm1, v0, v5  }
0xd0: {  	[tilespmem:s21+$0x0] =	vst.msk vm2, v1;
	v0 =	vnsel vm0, $0x0, v0  }
0xd1: {  	v1, _, _ =	vpop (xrf0);
	[tilespmem:v2+s24+$0x0] =	vst.idx.msk $0xffff, v0  }
0xd2: {  	(v2sf) =	vpush v1, $0xF;
	v0 =	vld.idx.msk [tilespmem:v3+s17+$0x0], $0xffff;
	_ =	sdelay $0x4  }
0xd3: {  	v1 =	vand.u32 $0x1FFFF, v0;
	v0 =	vand.u32 $0x40000, v0  }
0xd4: {  	vm0 =	vne.s32 v0, $0x0;
	vm1 =	vlt.u32 v1, $0x1865F  }
0xd5: {  	vm2 =	vmand vm0, vm1  }
0xd6: {  	v0 =	vmpcnt.ones.xlane vm2  }
0xd7: {  	v2 =	vsel vm2, $0x1, v7  }
0xd8: {  	(xrf0) =	vadd.scan.msk.s32 $0xffff, v2;
	v0 =	vxor.u32 $0x80000000, v0  }
0xd9: {  	(xrf0) =	vmax.scan.msk.u32 $0xffff, v0;
	_ =	sdelay $0x3  }
0xda: {  	s9 =	spop (v2sf)  }
0xdb: {  	s21 =	sadd.s32 $0x0, s9;
	v0, _, _ =	vpop (xrf0)  }
0xdc: {  	s28 =	simm.s32 $0x20;
	v3 =	vadd.s32 s22, v9;
	v2 =	vsel vm2, $0xFFFFFFFF, v7;
	s9 =	sadd.s32 $0x80000000, s21;
	v4, _, _ =	vpop (xrf0)  }
0xdd: {  	v5 =	vor.u32 s28, v61;
	v0 =	vadd.s32 v2, v0;
	s20 =	sadd.s32 s20, s9;
	(v2sf) =	vpush v4, $0xF  }
0xde: {  	v2 =	vadd.s32 $0xFFFE7CA1, v1;
	v0 =	vadd.s32 s20, v0  }
0xdf: {  	s18 =	sadd.s32 s9, s26;
	v0 =	vsel vm1, v0, v2  }
0xe0: {  	[tilespmem:s18+$0x0] =	vst.msk vm2, v1;
	v0 =	vnsel vm0, $0x0, v0  }
0xe1: {  	[tilespmem:v3+s24+$0x0] =	vst.idx.msk $0xffff, v0  }
0xe2: {  	v1 =	vld.idx.msk [tilespmem:v5+s17+$0x0], $0xffff;
	_ =	sdelay $0x4  }
0xe3: {  	v0 =	vand.u32 $0x1FFFF, v1;
	v1 =	vand.u32 $0x40000, v1  }
0xe4: {  	vm0 =	vne.s32 v1, $0x0;
	vm1 =	vlt.u32 v0, $0x1865F  }
0xe5: {  	s29 =	simm.s32 $0x180;
	vm2 =	vmand vm0, vm1  }
0xe6: {  	s25 =	simm.s32 $0x2;
	p1 =	sne.s32 s8, $0xF;
	s20 =	simm.s32 $0x0;
	v1 =	vmpcnt.ones.xlane vm2;
	v2 =	vsel vm2, $0x1, v7  }
0xe7: {  	s21 =	simm.s32 $0x1;
	s26 =	sor.u32 $0x8, s20;
	s18 =	sand.u32 $0x1, s20;
	(xrf0) =	vadd.scan.msk.s32 $0xffff, v2  }
0xe8: {  	s20 =	smul.u32 $0x190, s26;
	p0 =	seq.s32 s18, $0x1;
	v1 =	vxor.u32 $0x80000000, v1;
	s22 =	spop (v2sf)  }
0xe9: {  	s21 =	sand.u32 $0xF, s21;
	s29 =	simm.s32 @!p0 $0x0;
	(xrf0) =	vmax.scan.msk.u32 $0xffff, v1;
	s18 =	sadd.s32 s22, s9  }
.LBB2_6:
0xea: {  	s8 =	sor.u32 s21, s20  }
0xeb: {  	s20 =	sadd.s32 $0x1100, s20;
	s9 =	sadd.s32 $0x80000000, s18;
	s18 =	smov.u32 s25  }
0xec: {  	s25 =	sadd.s32 $0x1, s25;
	v1 =	vsel vm2, $0xFFFFFFFF, v7;
	v2 =	vadd.s32 s8, v6;
	[smem:s19] =	sst @!p1 s9;
	s9 =	simm.s32 @!p1 $0x0  }
0xed: {  	v3 =	vor.u32 s28, v8;
	p0 =	sne.s32 s25, $0x80;
	s19 =	smov.u32 s26;
	s22 =	sadd.s32 s9, s29;
	v4, _, _ =	vpop (xrf0)  }
0xee: {  	v5 =	vadd.s32 $0xFFFE7CA1, v0;
	v1 =	vadd.s32 s22, v1  }
0xef: {  	s22 =	sadd.s32 s9, s20;
	v1 =	vadd.s32 v4, v1;
	v4, _, _ =	vpop (xrf0)  }
0xf0: {  	[tilespmem:s22+$0x0] =	vst.msk vm2, v0;
	v0 =	vsel vm1, v1, v5;
	(v2sf) =	vpush v4, $0xF  }
0xf1: {  	v0 =	vnsel vm0, $0x0, v0  }
0xf2: {  	[tilespmem:v2+s24+$0x0] =	vst.idx.msk $0xffff, v0  }
0xf3: {  	v0 =	vld.idx.msk [tilespmem:v3+s17+$0x0], $0xffff;
	_ =	sdelay $0x5  }
0xf4: {  	v1 =	vand.u32 $0x1FFFF, v0;
	v0 =	vand.u32 $0x40000, v0  }
0xf5: {  	vm0 =	vne.s32 v0, $0x0;
	vm1 =	vlt.u32 v1, $0x1865F  }
0xf6: {  	vm2 =	vmand vm0, vm1  }
0xf7: {  	v0 =	vsel vm2, $0x1, v7;
	v2 =	vmpcnt.ones.xlane vm2  }
0xf8: {  	(xrf0) =	vadd.scan.msk.s32 $0xffff, v0  }
0xf9: {  	v0 =	vxor.u32 $0x80000000, v2  }
0xfa: {  	s22 =	spop (v2sf);
	(xrf0) =	vmax.scan.msk.u32 $0xffff, v0  }
0xfb: {  	s9 =	sadd.s32 s22, s9;
	_ =	sdelay $0x1  }
0xfc: {  	v0 =	vsel vm2, $0xFFFFFFFF, v7;
	s9 =	sadd.s32 $0x80000000, s9  }
0xfd: {  	s28 =	sshll.u32 s18, $0x5;
	v2 =	vadd.s32 s8, v9;
	s20 =	sadd.s32 s9, s20;
	s22 =	sadd.s32 s29, s9;
	v3, _, _ =	vpop (xrf0)  }
0xfe: {  	v4 =	vor.u32 s28, v61;
	[tilespmem:s20+$0x0] =	vst.msk vm2, v1;
	v0 =	vadd.s32 v0, v3;
	v1 =	vadd.s32 $0xFFFE7CA1, v1  }
0xff: {  	v0 =	vadd.s32 s22, v0;
	v3, _, _ =	vpop (xrf0)  }
0x100: {  	v0 =	vsel vm1, v0, v1;
	(v2sf) =	vpush v3, $0xF  }
0x101: {  	v0 =	vnsel vm0, $0x0, v0  }
0x102: {  	[tilespmem:v2+s24+$0x0] =	vst.idx.msk $0xffff, v0  }
0x103: {  	v1 =	vld.idx.msk [tilespmem:v4+s17+$0x0], $0xffff;
	_ =	sdelay $0x5  }
0x104: {  	v0 =	vand.u32 $0x1FFFF, v1;
	v1 =	vand.u32 $0x40000, v1  }
0x105: {  	vm0 =	vne.s32 v1, $0x0;
	vm1 =	vlt.u32 v0, $0x1865F  }
0x106: {  	vm2 =	vmand vm0, vm1  }
.Ltmp4:
0x107: {  	s8 =	sshrl.u32 s18, $0x4;
	v1 =	vsel vm2, $0x1, v7;
	v2 =	vmpcnt.ones.xlane vm2;
	(pc) =	sbr.rel @p0 .LBB2_6-.Ltmp4, $4  }
0x108: {  	s26 =	sor.u32 $0x8, s8;
	s8 =	sand.u32 $0x1, s8;
	(xrf0) =	vadd.scan.msk.s32 $0xffff, v1  }
0x109: {  	p1 =	sne.s32 s21, $0xF;
	p2 =	seq.s32 s8, $0x1;
	v1 =	vxor.u32 $0x80000000, v2  }
0x10a: {  	s29 =	simm.s32 $0x180;
	s20 =	smul.u32 $0x190, s26;
	(xrf0) =	vmax.scan.msk.u32 $0xffff, v1;
	s8 =	spop (v2sf)  }
0x10b: {  	s21 =	sand.u32 $0xF, s18;
	s29 =	simm.s32 @!p2 $0x0;
	s18 =	sadd.s32 s8, s9  }
0x10c: {  	s8 =	sadd.s32 $0x80000000, s18  }
0x10d: {  	s9 =	sor.u32 s21, s20;
	[smem:s19] =	sst @!p1 s8;
	s8 =	simm.s32 @!p1 $0x0  }
0x10e: {  	v1 =	vsel vm2, $0xFFFFFFFF, v7;
	v2 =	vadd.s32 s9, v6;
	s25 =	sadd.s32 s8, s29  }
0x10f: {  	v3 =	vor.u32 s28, v8;
	v4, _, _ =	vpop (xrf0);
	v1 =	vadd.s32 s25, v1  }
0x110: {  	s28 =	sadd.s32 $0x1100, s20;
	v5 =	vadd.s32 $0xFFFE7CA1, v0;
	v1 =	vadd.s32 v4, v1  }
0x111: {  	s20 =	sadd.s32 s8, s28;
	v51, _, _ =	vpop (xrf0);
	v1 =	vsel vm1, v1, v5  }
0x112: {  	[tilespmem:s20+$0x0] =	vst.msk vm2, v0;
	(v2sf) =	vpush v51, $0xF;
	v52 =	vnsel vm0, $0x0, v1  }
0x113: {  	[tilespmem:v2+s24+$0x0] =	vst.idx.msk $0xffff, v52  }
0x114: {  	v0 =	vld.idx.msk [tilespmem:v3+s17+$0x0], $0xffff;
	_ =	sdelay $0x4  }
0x115: {  	v53 =	vand.u32 $0x1FFFF, v0;
	v0 =	vand.u32 $0x40000, v0  }
0x116: {  	vm13 =	vne.s32 v0, $0x0;
	vm14 =	vlt.u32 v53, $0x1865F  }
0x117: {  	vm15 =	vmand vm13, vm14  }
0x118: {  	v54 =	vsel vm15, $0x1, v7;
	v55 =	vmpcnt.ones.xlane vm15  }
0x119: {  	(xrf0) =	vadd.scan.msk.s32 $0xffff, v54  }
0x11a: {  	v56 =	vxor.u32 $0x80000000, v55  }
0x11b: {  	(xrf0) =	vmax.scan.msk.u32 $0xffff, v56  }
0x11c: {  	s19 =	sld [smem:$0x0]  }
0x11d: {  	s22 =	spop (v2sf)  }
0x11e: {  	s8 =	sadd.s32 s22, s8  }
0x11f: {  	v58 =	vadd.s32 s9, v9;
	p0 =	slt.s32 s19, $0x1;
	v57 =	vsel vm15, $0xFFFFFFFF, v7;
	s8 =	sadd.s32 $0x80000000, s8;
	v59, _, _ =	vpop (xrf0)  }
0x120: {  	p1 =	slt.u32 @!p0 s19, $0x61;
	s25 =	sadd.s32 s29, s8;
	v0 =	vadd.s32 v57, v59  }
0x121: {  	p2 =	por p1, p0;
	v60 =	vadd.s32 $0xFFFE7CA1, v53;
	v0 =	vadd.s32 s25, v0;
	v63, _, _ =	vpop (xrf0)  }
0x122: {  	p3 =	slt.u32 @!p2 s19, $0xC1;
	s28 =	sadd.s32 s8, s28;
	v0 =	vsel vm14, v0, v60;
	(v2sf) =	vpush v63, $0xF  }
0x123: {  	s9 =	simm.s32 @!p0 $0x60;
	p4 =	por @!p0 p3, p1;
	[tilespmem:s28+$0x0] =	vst.msk vm15, v53;
	v0 =	vnsel vm13, $0x0, v0  }
0x124: {  	s18 =	simm.s32 @!p0 $0x1100;
	s20 =	simm.s32 @!p0 $0x4B90;
	p4 =	por p4, p0;
	[tilespmem:v58+s24+$0x0] =	vst.idx.msk $0xffff, v0  }
0x125: {  	[tilespmem:s20], [sflag:$0x2] =	stream.indirect.gather @!p0 [hbm4b:s3+s9], $0x80, s18, s9, $0xb8;
	[tilespmem:$0x1ED90] =	vst v63  }
0x126: {  	s9 =	simm.s32 @!p2 $0x60;
	s18 =	simm.s32 @!p2 $0x1160;
	s20 =	simm.s32 @!p2 $0x7B90  }
0x127: {  	[tilespmem:s20], [sflag:$0x2] =	stream.indirect.gather @!p2 [hbm4b:s3+s9], $0x80, s18, s9, $0xb8;
	[tilespmem:$0x1ED90] =	vst v63  }
0x128: {  	s9 =	simm.s32 @!p4 $0x60;
	s18 =	simm.s32 @!p4 $0x11C0;
	s20 =	simm.s32 @!p4 $0xAB90  }
0x129: {  	[tilespmem:s20], [sflag:$0x2] =	stream.indirect.gather @!p4 [hbm4b:s3+s9], $0x80, s18, s9, $0xb8;
	[tilespmem:$0x1ED90] =	vst v63  }
0x12a: {  	p4 =	slt.u32 @!p4 s19, $0x121  }
0x12b: {  	p2 =	por @!p2 p4, p3  }
0x12c: {  	p1 =	por @!p0 p2, p1  }
0x12d: {  	p0 =	por p1, p0  }
0x12e: {  	s9 =	simm.s32 @!p0 $0x60;
	s18 =	simm.s32 @!p0 $0x1220;
	s19 =	simm.s32 @!p0 $0xDB90  }
0x12f: {  	[tilespmem:s19], [sflag:$0x2] =	stream.indirect.gather @!p0 [hbm4b:s3+s9], $0x80, s18, s9, $0xb8;
	[tilespmem:$0x1ED90] =	vst v63  }
.Ltmp5:
0x130: {  	_ = 	snop;
	(pc) =	sbr.rel .LBB2_8-.Ltmp5, $4  }
0x131: {  	s29 =	spop (v2sf)  }
0x132: {  	s8 =	sadd.s32 s29, s8  }
0x133: {  	p0 =	sne.s32 s21, $0xF;
	s8 =	sadd.s32 $0x80000000, s8  }
0x134: {  	s19 =	simm.s32 $0x0;
	[smem:s26] =	sst @!p0 s8  }
.LBB2_14:
0x135: {  	_ =	sdelay $0x2  }
0x136: {  	v9 =	vld [tilespmem:$0x1FB30]  }
0x137: {  	v2 =	vld.idx.msk [tilespmem:v2+s0+$0x0], $0xffff  }
0x138: {  	v17 =	vld [tilespmem:$0x1FB40]  }
0x139: {  	v5 =	vld.idx.msk [tilespmem:v5+s0+$0x0], $0xffff  }
0x13a: {  	v18 =	vld [tilespmem:$0x1FB50]  }
0x13b: {  	v4 =	vld.idx.msk [tilespmem:v4+s0+$0x0], $0xffff  }
0x13c: {  	v22 =	vld [tilespmem:$0x1FB60]  }
0x13d: {  	v23 =	vld [tilespmem:$0x1FB70]  }
0x13e: {  	v0 =	vld.idx.msk [tilespmem:v0+s0+$0x0], $0xffff  }
0x13f: {  	v39 =	vld [tilespmem:$0x1FB80]  }
0x140: {  	v43 =	vld [tilespmem:$0x1FB90]  }
0x141: {  	v45 =	vld [tilespmem:$0x1FBA0]  }
0x142: {  	v47 =	vld [tilespmem:$0x1FBB0]  }
0x143: {  	v50 =	vld [tilespmem:$0x1FBC0]  }
0x144: {  	v51 =	vld [tilespmem:$0x1FBD0]  }
0x145: {  	v53 =	vld [tilespmem:$0x1FBE0]  }
0x146: {  	v54 =	vld [tilespmem:$0x1FBF0]  }
0x147: {  	v6 =	vand.u32 $0x78, v24;
	v56 =	vld [tilespmem:$0x1FC00]  }
0x148: {  	v25 =	vor.u32 v43, v6;
	v43 =	vld [tilespmem:$0x1FC20]  }
0x149: {  	v26 =	vor.u32 v45, v6;
	v45 =	vld [tilespmem:$0x1FC30]  }
0x14a: {  	v27 =	vor.u32 v47, v6;
	v47 =	vld [tilespmem:$0x1FC40]  }
0x14b: {  	v8 =	vand.u32 $0x7F, v24;
	v29 =	vor.u32 v50, v6;
	v50 =	vld [tilespmem:$0x1FC50]  }
0x14c: {  	v8 =	vor.u32 v62, v8;
	v31 =	vor.u32 v51, v6;
	v51 =	vld [tilespmem:$0x1FC60]  }
0x14d: {  	v38 =	vor.u32 v53, v6;
	v53 =	vld [tilespmem:$0x1FC70]  }
0x14e: {  	v16 =	vand.u32 $0x7, v24;
	v9 =	vor.u32 v9, v6;
	v36 =	vor.u32 v54, v6;
	v54 =	vld [tilespmem:$0x1FC80]  }
0x14f: {  	v17 =	vor.u32 v17, v6;
	v57 =	vor.u32 v56, v6;
	v56 =	vld [tilespmem:$0x1FC90];
	v9 =	vor.u32 v16, v9  }
0x150: {  	v18 =	vor.u32 v18, v6;
	[tilespmem:$0x1FB10] =	vst v0;
	v0 =	vld [tilespmem:$0x1FCB0];
	v17 =	vor.u32 v16, v17  }
0x151: {  	v22 =	vor.u32 v22, v6;
	v42 =	vor.u32 v39, v6;
	v18 =	vor.u32 v16, v18;
	v8 =	vld.idx.msk [tilespmem:v8+s30+$0x0], $0xffff  }
0x152: {  	v23 =	vor.u32 v23, v6;
	v22 =	vor.u32 v16, v22;
	v24 =	vor.u32 v16, v42;
	v42 =	vld [tilespmem:$0x1FC10]  }
0x153: {  	v23 =	vor.u32 v16, v23;
	v39 =	vor.u32 v16, v38;
	v38 =	vor.u32 v16, v57;
	v57 =	vld [tilespmem:$0x1FCA0]  }
0x154: {  	v9 =	vld.idx.msk [tilespmem:v9+s0+$0x0], $0xffff  }
0x155: {  	v25 =	vor.u32 v16, v25;
	v17 =	vld.idx.msk [tilespmem:v17+s0+$0x0], $0xffff  }
0x156: {  	v26 =	vor.u32 v16, v26;
	v18 =	vld.idx.msk [tilespmem:v18+s0+$0x0], $0xffff  }
0x157: {  	v27 =	vor.u32 v16, v27;
	v22 =	vld.idx.msk [tilespmem:v22+s0+$0x0], $0xffff  }
0x158: {  	v29 =	vor.u32 v16, v29;
	v23 =	vld.idx.msk [tilespmem:v23+s0+$0x0], $0xffff  }
0x159: {  	v31 =	vor.u32 v16, v31;
	v24 =	vld.idx.msk [tilespmem:v24+s0+$0x0], $0xffff  }
0x15a: {  	v25 =	vld.idx.msk [tilespmem:v25+s0+$0x0], $0xffff  }
0x15b: {  	v36 =	vor.u32 v16, v36;
	v26 =	vld.idx.msk [tilespmem:v26+s0+$0x0], $0xffff  }
0x15c: {  	v43 =	vor.u32 v43, v6;
	v27 =	vld.idx.msk [tilespmem:v27+s0+$0x0], $0xffff  }
0x15d: {  	v45 =	vor.u32 v45, v6;
	v29 =	vld.idx.msk [tilespmem:v29+s0+$0x0], $0xffff;
	v43 =	vor.u32 v16, v43  }
0x15e: {  	v47 =	vor.u32 v47, v6;
	v31 =	vld.idx.msk [tilespmem:v31+s0+$0x0], $0xffff;
	v45 =	vor.u32 v16, v45  }
0x15f: {  	v50 =	vor.u32 v50, v6;
	v39 =	vld.idx.msk [tilespmem:v39+s0+$0x0], $0xffff;
	v47 =	vor.u32 v16, v47  }
0x160: {  	v51 =	vor.u32 v51, v6;
	v36 =	vld.idx.msk [tilespmem:v36+s0+$0x0], $0xffff;
	v50 =	vor.u32 v16, v50  }
0x161: {  	v53 =	vor.u32 v53, v6;
	v38 =	vld.idx.msk [tilespmem:v38+s0+$0x0], $0xffff;
	v51 =	vor.u32 v16, v51  }
0x162: {  	v54 =	vor.u32 v54, v6;
	v53 =	vor.u32 v16, v53;
	v43 =	vld.idx.msk [tilespmem:v43+s0+$0x0], $0xffff  }
0x163: {  	v56 =	vor.u32 v56, v6;
	v54 =	vor.u32 v16, v54;
	v45 =	vld.idx.msk [tilespmem:v45+s0+$0x0], $0xffff  }
0x164: {  	v42 =	vor.u32 v42, v6;
	v56 =	vor.u32 v16, v56;
	v47 =	vld.idx.msk [tilespmem:v47+s0+$0x0], $0xffff  }
0x165: {  	v57 =	vor.u32 v57, v6;
	v6 =	vor.u32 v0, v6;
	v42 =	vor.u32 v16, v42;
	v50 =	vld.idx.msk [tilespmem:v50+s0+$0x0], $0xffff  }
0x166: {  	v57 =	vor.u32 v16, v57;
	v6 =	vor.u32 v16, v6;
	v16 =	vld.idx.msk [tilespmem:v51+s0+$0x0], $0xffff  }
0x167: {  	v51 =	vld.idx.msk [tilespmem:v53+s0+$0x0], $0xffff  }
0x168: {  	v53 =	vld.idx.msk [tilespmem:v54+s0+$0x0], $0xffff  }
0x169: {  	v54 =	vld.idx.msk [tilespmem:v56+s0+$0x0], $0xffff  }
0x16a: {  	v42 =	vld.idx.msk [tilespmem:v42+s0+$0x0], $0xffff  }
0x16b: {  	v0 =	vimm.f32 $0.0e+00;
	v56 =	vld.idx.msk [tilespmem:v57+s0+$0x0], $0xffff  }
0x16c: {  	v6 =	vld.idx.msk [tilespmem:v6+s0+$0x0], $0xffff;
	[tilespmem:$0x1EB90] =	vst v0  }
0x16d: {  	[tilespmem:$0x1EBA0] =	vst v0  }
0x16e: {  	[tilespmem:$0x1EBB0] =	vst v0  }
0x16f: {  	[tilespmem:$0x1EBC0] =	vst v0  }
0x170: {  	[tilespmem:$0x1EBD0] =	vst v0  }
0x171: {  	[tilespmem:$0x1EBE0] =	vst v0  }
0x172: {  	[tilespmem:$0x1EBF0] =	vst v0  }
0x173: {  	[tilespmem:$0x1EC00] =	vst v0  }
0x174: {  	[tilespmem:$0x1EC10] =	vst v0  }
0x175: {  	[tilespmem:$0x1EC20] =	vst v0  }
0x176: {  	[tilespmem:$0x1EC30] =	vst v0  }
0x177: {  	[tilespmem:$0x1EC40] =	vst v0  }
0x178: {  	[tilespmem:$0x1EC50] =	vst v0  }
0x179: {  	[tilespmem:$0x1EC60] =	vst v0  }
0x17a: {  	[tilespmem:$0x1EC70] =	vst v0  }
0x17b: {  	[tilespmem:$0x1EC80] =	vst v0;
	v57 =	vld [tilespmem:$0x1FCD0]  }
0x17c: {  	[tilespmem:$0x1EC90] =	vst v0  }
0x17d: {  	[tilespmem:$0x1ECA0] =	vst v0  }
0x17e: {  	[tilespmem:$0x1ECB0] =	vst v0  }
0x17f: {  	v1 =	vmul.f32 v1, v33;
	v21 =	vadd.f32 v21, v28;
	[tilespmem:$0x1ECC0] =	vst v0  }
0x180: {  	v3 =	vadd.f32 v3, v15;
	v15 =	vmul.f32 v19, v33;
	[tilespmem:$0x1ECD0] =	vst v0;
	v28 =	vmul.f32 v57, v33  }
0x181: {  	v19 =	vmul.f32 v20, v33;
	v20 =	vmul.f32 v17, v8;
	[tilespmem:$0x1ECE0] =	vst v0  }
0x182: {  	v24 =	vmul.f32 v24, v8;
	[tilespmem:$0x1ECF0] =	vst v0;
	v13 =	vadd.f32 v28, v13;
	v28 =	vmul.f32 v18, v8  }
0x183: {  	v1 =	vadd.f32 v1, v14;
	[tilespmem:$0x1ED00] =	vst v0;
	v14 =	vadd.f32 v20, v48;
	v48 =	vmul.f32 v22, v8  }
0x184: {  	[tilespmem:$0x1ED10] =	vst v0;
	v22 =	vadd.f32 v24, v40;
	v24 =	vld [tilespmem:$0x1FFA0];
	v17 =	vadd.f32 v28, v49;
	v49 =	vmul.f32 v23, v8  }
0x185: {  	v59 =	vmul.f32 v59, v33;
	[tilespmem:$0x1ED20] =	vst v0;
	v18 =	vadd.f32 v48, v46;
	v46 =	vld [tilespmem:$0x1FED0]  }
0x186: {  	v2 =	vmul.f32 v2, v33;
	[tilespmem:$0x1ED30] =	vst v0;
	v20 =	vadd.f32 v49, v44;
	v49 =	vld [tilespmem:$0x1FEE0]  }
0x187: {  	v12 =	vadd.f32 v59, v12;
	v59 =	vld [tilespmem:$0x1FEF0];
	[tilespmem:$0x1ED40] =	vst v0  }
0x188: {  	v2 =	vadd.f32 v2, v60;
	v60 =	vld [tilespmem:$0x1FF00];
	[tilespmem:$0x1ED50] =	vst v0  }
0x189: {  	[tilespmem:$0x1ED60] =	vst v0  }
0x18a: {  	[tilespmem:$0x1ED70] =	vst v0  }
0x18b: {  	[tilespmem:$0x1ED80] =	vst v0  }
0x18c: {  	v7 =	vmul.f32 v7, v33;
	[tilespmem:v24+s2+$0x0] =	vst.idx.msk $0xffff, v14  }
0x18d: {  	[tilespmem:v46+s2+$0x0] =	vst.idx.msk $0xffff, v17  }
0x18e: {  	v7 =	vadd.f32 v7, v63;
	v63 =	vmul.f32 v31, v8;
	v31 =	vld [tilespmem:$0x1FF40];
	[tilespmem:v49+s2+$0x0] =	vst.idx.msk $0xffff, v18  }
0x18f: {  	v57 =	vld [tilespmem:$0x1FB10];
	[tilespmem:v59+s2+$0x0] =	vst.idx.msk $0xffff, v20  }
0x190: {  	v28 =	vmul.f32 v25, v8;
	[tilespmem:v60+s2+$0x0] =	vst.idx.msk $0xffff, v22;
	v22 =	vld [tilespmem:$0x1FF10]  }
0x191: {  	v40 =	vmul.f32 v26, v8;
	v26 =	vld [tilespmem:$0x1FF20];
	v48 =	vmul.f32 v27, v8  }
0x192: {  	v11 =	vadd.f32 v15, v11;
	v5 =	vmul.f32 v5, v33;
	v23 =	vadd.f32 v28, v34;
	v28 =	vld [tilespmem:$0x1FF30]  }
0x193: {  	v4 =	vmul.f32 v4, v33;
	v15 =	vadd.f32 v48, v37;
	v25 =	vmul.f32 v39, v8;
	v37 =	vld [tilespmem:$0x1FF60]  }
0x194: {  	v33 =	vmul.f32 v57, v33;
	v57 =	vmul.f32 v29, v8;
	v34 =	vld [tilespmem:$0x1FF50]  }
0x195: {  	v29 =	vmul.f32 v36, v8;
	v36 =	vmul.f32 v43, v8;
	v43 =	vld [tilespmem:$0x1FF80]  }
0x196: {  	v44 =	vadd.f32 v40, v41;
	v40 =	vld [tilespmem:$0x1FF70]  }
0x197: {  	v27 =	vadd.f32 v25, v30;
	v30 =	vadd.f32 v33, v52;
	v33 =	vld [tilespmem:$0x1FCE0]  }
0x198: {  	v46 =	vld [tilespmem:$0x1FF90];
	[tilespmem:v22+s2+$0x0] =	vst.idx.msk $0xffff, v23  }
0x199: {  	v48 =	vld [tilespmem:$0x1FFB0];
	v17 =	vadd.f32 v57, v35;
	[tilespmem:v26+s2+$0x0] =	vst.idx.msk $0xffff, v44  }
0x19a: {  	v10 =	vadd.f32 v19, v10;
	v18 =	vadd.f32 v63, v32;
	[tilespmem:v28+s2+$0x0] =	vst.idx.msk $0xffff, v15  }
0x19b: {  	v5 =	vadd.f32 v5, v58;
	v32 =	vmul.f32 v38, v8;
	[tilespmem:v31+s2+$0x0] =	vst.idx.msk $0xffff, v17  }
0x19c: {  	v35 =	vmul.f32 v42, v8;
	v15 =	vadd.f32 v29, v33;
	[tilespmem:v34+s2+$0x0] =	vst.idx.msk $0xffff, v18  }
0x19d: {  	v4 =	vadd.f32 v4, v55;
	v38 =	vor.u32 $0xF, v24;
	v17 =	vadd.f32 v32, v21;
	[tilespmem:v37+s2+$0x0] =	vst.idx.msk $0xffff, v27  }
0x19e: {  	v39 =	vmul.f32 v45, v8;
	v41 =	vor.u32 $0x10, v24;
	v3 =	vadd.f32 v35, v3;
	[tilespmem:v40+s2+$0x0] =	vst.idx.msk $0xffff, v15  }
0x19f: {  	v1 =	vadd.f32 v36, v1;
	v42 =	vmul.f32 v47, v8;
	v44 =	vor.u32 $0x11, v24;
	[tilespmem:v43+s2+$0x0] =	vst.idx.msk $0xffff, v17  }
0x1a0: {  	v45 =	vmul.f32 v50, v8;
	v13 =	vadd.f32 v39, v13;
	v47 =	vor.u32 $0x12, v24;
	[tilespmem:v46+s2+$0x0] =	vst.idx.msk $0xffff, v3  }
0x1a1: {  	v16 =	vmul.f32 v16, v8;
	v12 =	vadd.f32 v42, v12;
	v49 =	vor.u32 $0x13, v24;
	[tilespmem:v48+s2+$0x0] =	vst.idx.msk $0xffff, v1  }
0x1a2: {  	v50 =	vmul.f32 v51, v8;
	v51 =	vor.u32 $0x14, v24;
	v11 =	vadd.f32 v45, v11;
	[tilespmem:v38+s2+$0x0] =	vst.idx.msk $0xffff, v13  }
0x1a3: {  	v10 =	vadd.f32 v16, v10;
	v52 =	vmul.f32 v53, v8;
	v53 =	vor.u32 $0x15, v24;
	[tilespmem:v41+s2+$0x0] =	vst.idx.msk $0xffff, v12  }
0x1a4: {  	v54 =	vmul.f32 v54, v8;
	v55 =	vor.u32 $0x16, v24;
	v7 =	vadd.f32 v50, v7;
	v63 =	vld [tilespmem:$0x1FCC0];
	[tilespmem:v44+s2+$0x0] =	vst.idx.msk $0xffff, v11  }
0x1a5: {  	v56 =	vmul.f32 v56, v8;
	v2 =	vadd.f32 v52, v2;
	v57 =	vor.u32 $0x17, v24;
	[tilespmem:v47+s2+$0x0] =	vst.idx.msk $0xffff, v10  }
0x1a6: {  	v58 =	vmul.f32 v6, v8;
	v5 =	vadd.f32 v54, v5;
	v59 =	vor.u32 $0x18, v24;
	[tilespmem:v49+s2+$0x0] =	vst.idx.msk $0xffff, v7  }
0x1a7: {  	v60 =	vmul.f32 v9, v8;
	v3 =	vadd.f32 v56, v4;
	[tilespmem:v51+s2+$0x0] =	vst.idx.msk $0xffff, v2  }
0x1a8: {  	v0 =	vadd.f32 v58, v30;
	[tilespmem:v53+s2+$0x0] =	vst.idx.msk $0xffff, v5  }
0x1a9: {  	v1 =	vadd.f32 v60, v63;
	[tilespmem:v55+s2+$0x0] =	vst.idx.msk $0xffff, v3  }
0x1aa: {  	s8 =	sshll.u32 s25, $0x2;
	[tilespmem:v57+s2+$0x0] =	vst.idx.msk $0xffff, v0  }
0x1ab: {  	s8 =	sadd.s32 s6, s8;
	[tilespmem:v59+s2+$0x0] =	vst.idx.msk $0xffff, v1  }
0x1ac: {  	[hbm4b:s8+s4] =	stream.linear.scatter [tilespmem:s2], [sflag:$0x4], $0x200, $0x38;
	[tilespmem:$0x1ED90] =	vst v63  }
0x1ad: {  	_ =	swait.ge [sflag:s14], $0x200  }
0x1ae: {  	[sflag:s14] =	ssyncset.done $0x0  }
0x1af: {  	[sflag:s14] =	ssyncadd.s32 $0xFFFFFE00  }
.LBB2_15:
0x1b0: {  	p0 =	sne.s32 s21, $0x10  }
.Ltmp6:
0x1b1: {  	_ = 	snop;
	(pc) =	sbr.rel @!p0 .LBB2_16-.Ltmp6, $4  }
0x1b2: {  	_ = 	snop  }
0x1b3: {  	v6 =	vld [tilespmem:$0x1FFF0]  }
0x1b4: {  	v8 =	vld [tilespmem:$0x1FFC0]  }
0x1b5: {  	s19 =	smov.u32 s21;
	v7 =	vimm.s32 $0x0;
	v9 =	vld [tilespmem:$0x1FFD0]  }
.LBB2_8:
0x1b6: {  	s8 =	sand.u32 $0x1, s19  }
0x1b7: {  	p0 =	seq.s32 s8, $0x1  }
.Ltmp7:
0x1b8: {  	_ = 	snop;
	(pc) =	sbr.rel @p0 .LBB2_12-.Ltmp7, $1  }
0x1b9: {  	_ =	sdelay $0x3  }
0x1ba: {  	s8 =	sld [smem:s19+$0x1];
	_ =	sdelay $0x2  }
0x1bb: {  	p0 =	slt.s32 s8, $0x1  }
0x1bc: {  	s9 =	smul.u32 @!p0 $0x640, s19  }
0x1bd: {  	p1 =	slt.u32 @!p0 s8, $0x61  }
0x1be: {  	s20 =	simm.s32 @!p0 $0x60;
	p2 =	por p1, p0;
	s9 =	sshra.s32 @!p0 s9, $0x2  }
0x1bf: {  	s21 =	simm.s32 @!p0 $0x10B90;
	p3 =	slt.u32 @!p2 s8, $0xC1;
	s18 =	sadd.s32 @!p0 $0x1290, s9  }
0x1c0: {  	[tilespmem:s21], [sflag:$0x3] =	stream.indirect.gather @!p0 [hbm4b:s3+s20], $0x80, s18, s20, $0xb8;
	[tilespmem:$0x1ED90] =	vst v63  }
0x1c1: {  	p4 =	por @!p0 p3, p1;
	s18 =	sadd.s32 @!p2 $0x12F0, s9  }
0x1c2: {  	s20 =	simm.s32 @!p2 $0x60;
	s21 =	simm.s32 @!p2 $0x13B90;
	p4 =	por p4, p0  }
0x1c3: {  	[tilespmem:s21], [sflag:$0x3] =	stream.indirect.gather @!p2 [hbm4b:s3+s20], $0x80, s18, s20, $0xb8;
	[tilespmem:$0x1ED90] =	vst v63  }
0x1c4: {  	s18 =	sadd.s32 @!p4 $0x1350, s9;
	s20 =	simm.s32 @!p4 $0x60;
	s21 =	simm.s32 @!p4 $0x16B90  }
0x1c5: {  	[tilespmem:s21], [sflag:$0x3] =	stream.indirect.gather @!p4 [hbm4b:s3+s20], $0x80, s18, s20, $0xb8;
	[tilespmem:$0x1ED90] =	vst v63  }
0x1c6: {  	p4 =	slt.u32 @!p4 s8, $0x121  }
0x1c7: {  	p2 =	por @!p2 p4, p3  }
0x1c8: {  	p1 =	por @!p0 p2, p1  }
0x1c9: {  	s8 =	sld [smem:s19+$0x0];
	p0 =	por p1, p0  }
0x1ca: {  	s9 =	sadd.s32 @!p0 $0x13B0, s9;
	s18 =	simm.s32 @!p0 $0x60;
	s20 =	simm.s32 @!p0 $0x19B90  }
0x1cb: {  	[tilespmem:s20], [sflag:$0x3] =	stream.indirect.gather @!p0 [hbm4b:s3+s18], $0x80, s9, s18, $0xb8;
	[tilespmem:$0x1ED90] =	vst v63  }
0x1cc: {  	p0 =	slt.s32 s8, $0x1  }
0x1cd: {  	s9 =	simm.s32 @!p0 $0x2;
	p1 =	slt.u32 @!p0 s8, $0x61  }
0x1ce: {  	_ =	swait.ge @!p0 [sflag:s9], $0x3000;
	p2 =	por p1, p0  }
0x1cf: {  	[sflag:s9] =	ssyncset.done @!p0 $0x0;
	p3 =	slt.u32 @!p2 s8, $0xC1  }
0x1d0: {  	[sflag:s9] =	ssyncadd.s32 @!p0 $0xFFFFD000;
	s9 =	simm.s32 @!p2 $0x2;
	p4 =	por @!p0 p3, p1  }
0x1d1: {  	_ =	swait.ge @!p2 [sflag:s9], $0x3000;
	p4 =	por p4, p0  }
0x1d2: {  	[sflag:s9] =	ssyncset.done @!p2 $0x0;
	p5 =	slt.u32 @!p4 s8, $0x121  }
0x1d3: {  	s8 =	simm.s32 @!p4 $0x2;
	p3 =	por @!p2 p5, p3;
	[sflag:s9] =	ssyncadd.s32 @!p2 $0xFFFFD000  }
0x1d4: {  	_ =	swait.ge @!p4 [sflag:s8], $0x3000;
	p1 =	por @!p0 p3, p1  }
0x1d5: {  	s22 =	sshll.u32 s19, $0x4;
	[sflag:s8] =	ssyncset.done @!p4 $0x0;
	p0 =	por p1, p0  }
0x1d6: {  	s21 =	sadd.s32 s7, s22;
	[sflag:s8] =	ssyncadd.s32 @!p4 $0xFFFFD000;
	s8 =	simm.s32 @!p0 $0x2  }
0x1d7: {  	s9 =	sshll.u32 s21, $0x4;
	_ =	swait.ge @!p0 [sflag:s8], $0x3000  }
0x1d8: {  	s9 =	sand.u32 $0x1FFFFE00, s9;
	[sflag:s8] =	ssyncset.done @!p0 $0x0  }
0x1d9: {  	s26 =	simm.s32 $0x0;
	s25 =	sadd.s32 s1, s9;
	[sflag:s8] =	ssyncadd.s32 @!p0 $0xFFFFD000  }
0x1da: {  	[tilespmem:s30], [sflag:$0x5] =	stream.linear.gather [hbm4b:s25+s26], $0x800, $0x38;
	[tilespmem:$0x1ED90] =	vst v63  }
0x1db: {  	s28 =	smul.u32 $0x640, s19;
	_ =	swait.ge [sflag:s31], $0x800  }
0x1dc: {  	[sflag:s31] =	ssyncset.done $0x0  }
0x1dd: {  	s8 =	sshra.s32 s28, $0x2;
	[sflag:s31] =	ssyncadd.s32 $0xFFFFF800  }
0x1de: {  	v0 =	vld [tilespmem:s8+$0x2A10]  }
0x1df: {  	v1 =	vld [tilespmem:s8+$0x2A20]  }
0x1e0: {  	v2 =	vld [tilespmem:s8+$0x2A30]  }
0x1e1: {  	v3 =	vld [tilespmem:s8+$0x2A40]  }
0x1e2: {  	v4 =	vld [tilespmem:s8+$0x2A50]  }
0x1e3: {  	v5 =	vld [tilespmem:s8+$0x2A60]  }
0x1e4: {  	v6 =	vld [tilespmem:s8+$0x2A70]  }
0x1e5: {  	v7 =	vld [tilespmem:s8+$0x2A80]  }
0x1e6: {  	v10 =	vld [tilespmem:s8+$0x2A90]  }
0x1e7: {  	v11 =	vld [tilespmem:s8+$0x2AA0]  }
0x1e8: {  	v12 =	vld [tilespmem:s8+$0x2AB0]  }
0x1e9: {  	v13 =	vld [tilespmem:s8+$0x2AC0]  }
0x1ea: {  	v14 =	vld [tilespmem:s8+$0x2AD0]  }
0x1eb: {  	v15 =	vld [tilespmem:s8+$0x2AE0]  }
0x1ec: {  	v16 =	vld [tilespmem:s8+$0x2AF0]  }
0x1ed: {  	v17 =	vld [tilespmem:s8+$0x2B00]  }
0x1ee: {  	v18 =	vld [tilespmem:s8+$0x2B10]  }
0x1ef: {  	v19 =	vld [tilespmem:s8+$0x2B20]  }
0x1f0: {  	v20 =	vld [tilespmem:s8+$0x2B30]  }
0x1f1: {  	v21 =	vld [tilespmem:s8+$0x2B40]  }
0x1f2: {  	v22 =	vld [tilespmem:s8+$0x2B50];
	v43 =	vshll.u32 v0, $0x7  }
0x1f3: {  	v0 =	vld [tilespmem:s8+$0x2B60];
	v42 =	vshll.u32 v1, $0x7;
	v41 =	vshll.u32 v2, $0x7;
	[tilespmem:$0x1FD20] =	vst v43  }
0x1f4: {  	v40 =	vshll.u32 v3, $0x7;
	v1 =	vld [tilespmem:s8+$0x2B70];
	v39 =	vshll.u32 v4, $0x7;
	v38 =	vshll.u32 v5, $0x7;
	[tilespmem:$0x1FD30] =	vst v42  }
0x1f5: {  	v37 =	vshll.u32 v6, $0x7;
	v2 =	vld [tilespmem:s8+$0x2B80];
	v36 =	vshll.u32 v7, $0x7;
	v35 =	vshll.u32 v10, $0x7;
	[tilespmem:$0x1FD40] =	vst v41  }
0x1f6: {  	v34 =	vshll.u32 v11, $0x7;
	v3 =	vld [tilespmem:s8+$0x2B90];
	v33 =	vshll.u32 v12, $0x7;
	v32 =	vshll.u32 v13, $0x7;
	[tilespmem:$0x1FD50] =	vst v40  }
0x1f7: {  	v31 =	vshll.u32 v14, $0x7;
	v30 =	vshll.u32 v15, $0x7;
	v29 =	vshll.u32 v16, $0x7;
	[tilespmem:$0x1FD60] =	vst v39  }
0x1f8: {  	v28 =	vshll.u32 v17, $0x7;
	v24 =	vshll.u32 v18, $0x7;
	v27 =	vshll.u32 v19, $0x7;
	[tilespmem:$0x1FD70] =	vst v38  }
0x1f9: {  	v26 =	vshll.u32 v20, $0x7;
	v25 =	vshll.u32 v21, $0x7;
	v23 =	vshll.u32 v22, $0x7;
	[tilespmem:$0x1FD80] =	vst v37  }
0x1fa: {  	[tilespmem:$0x1FD90] =	vst v36;
	v22 =	vshll.u32 v0, $0x7;
	v16 =	vshll.u32 v1, $0x7;
	v0 =	vadd.s32 s26, v61  }
0x1fb: {  	[tilespmem:$0x1FDA0] =	vst v35;
	v9 =	vshll.u32 v2, $0x7;
	v3 =	vshll.u32 v3, $0x7;
	v1 =	vand.u32 $0x7F, v0  }
0x1fc: {  	[tilespmem:$0x1FDB0] =	vst v34;
	v2 =	vand.u32 $0x78, v0;
	v0 =	vand.u32 $0x7, v0;
	v1 =	vor.u32 v62, v1  }
0x1fd: {  	[tilespmem:$0x1FD10] =	vst v3;
	v3 =	vor.u32 v3, v2;
	v4 =	vor.u32 v43, v2;
	v5 =	vor.u32 v42, v2  }
0x1fe: {  	[tilespmem:$0x1FDC0] =	vst v33;
	v6 =	vor.u32 v41, v2;
	v7 =	vor.u32 v40, v2;
	v3 =	vor.u32 v0, v3  }
0x1ff: {  	[tilespmem:$0x1FDD0] =	vst v32;
	v10 =	vor.u32 v39, v2;
	v11 =	vor.u32 v38, v2;
	v12 =	vor.u32 v37, v2  }
0x200: {  	[tilespmem:$0x1FDF0] =	vst v30;
	v13 =	vor.u32 v36, v2;
	v14 =	vor.u32 v35, v2;
	v4 =	vor.u32 v0, v4  }
0x201: {  	[tilespmem:$0x1FE10] =	vst v28;
	v15 =	vor.u32 v34, v2;
	v17 =	vor.u32 v33, v2;
	v5 =	vor.u32 v0, v5  }
0x202: {  	v18 =	vor.u32 v31, v2;
	v19 =	vor.u32 v30, v2;
	v6 =	vor.u32 v0, v6;
	v33 =	vld.idx.msk [tilespmem:v1+s30+$0x0], $0xffff  }
0x203: {  	v20 =	vor.u32 v29, v2;
	v21 =	vor.u32 v28, v2;
	v7 =	vor.u32 v0, v7;
	v3 =	vld.idx.msk [tilespmem:v3+s0+$0x0], $0xffff  }
0x204: {  	[tilespmem:$0x1FE20] =	vst v24;
	v24 =	vor.u32 v24, v2;
	v28 =	vor.u32 v27, v2;
	v10 =	vor.u32 v0, v10  }
0x205: {  	v47 =	vor.u32 v25, v2;
	v48 =	vor.u32 v23, v2;
	v11 =	vor.u32 v0, v11;
	v4 =	vld.idx.msk [tilespmem:v4+s0+$0x0], $0xffff  }
0x206: {  	v49 =	vor.u32 v22, v2;
	v50 =	vor.u32 v16, v2;
	v12 =	vor.u32 v0, v12;
	v30 =	vld.idx.msk [tilespmem:v5+s0+$0x0], $0xffff  }
0x207: {  	v52 =	vor.u32 v9, v2;
	v55 =	vor.u32 v0, v24;
	v1 =	vor.u32 v32, v2;
	v6 =	vld.idx.msk [tilespmem:v6+s0+$0x0], $0xffff  }
0x208: {  	v5 =	vor.u32 v26, v2;
	v7 =	vld.idx.msk [tilespmem:v7+s0+$0x0], $0xffff;
	v2 =	vmul.f32 v3, v33;
	v3 =	vor.u32 v0, v17  }
0x209: {  	v8 =	vimm.f32 $0.0e+00;
	[tilespmem:$0x1FDE0] =	vst v31;
	v14 =	vor.u32 v0, v14;
	v10 =	vld.idx.msk [tilespmem:v10+s0+$0x0], $0xffff  }
0x20a: {  	v63 =	vimm.f32 $0.0e+00;
	[tilespmem:$0x1FE00] =	vst v29;
	v13 =	vor.u32 v0, v13;
	v15 =	vor.u32 v0, v15;
	v11 =	vld.idx.msk [tilespmem:v11+s0+$0x0], $0xffff  }
0x20b: {  	[tilespmem:$0x1FE90] =	vst v9;
	v58 =	vor.u32 v0, v28;
	v9 =	vor.u32 v0, v47;
	v28 =	vimm.f32 $0.0e+00;
	v12 =	vld.idx.msk [tilespmem:v12+s0+$0x0], $0xffff  }
0x20c: {  	[tilespmem:$0x1FE30] =	vst v27;
	v1 =	vor.u32 v0, v1;
	v59 =	vld.idx.msk [tilespmem:v55+s0+$0x0], $0xffff;
	v55 =	vimm.f32 $0.0e+00;
	v60 =	vor.u32 v0, v5  }
0x20d: {  	v5 =	vor.u32 v0, v49;
	v17 =	vor.u32 v0, v18;
	v18 =	vor.u32 v0, v19;
	v3 =	vld.idx.msk [tilespmem:v3+s0+$0x0], $0xffff  }
0x20e: {  	v14 =	vld.idx.msk [tilespmem:v14+s0+$0x0], $0xffff;
	v19 =	vor.u32 v0, v20;
	v20 =	vor.u32 v0, v21;
	v21 =	vmul.f32 v4, v33  }
0x20f: {  	[tilespmem:$0x1FE40] =	vst v26;
	v4 =	vor.u32 v0, v50;
	v24 =	vmul.f32 v30, v33;
	v6 =	vmul.f32 v6, v33  }
0x210: {  	v13 =	vld.idx.msk [tilespmem:v13+s0+$0x0], $0xffff;
	v7 =	vmul.f32 v7, v33;
	v10 =	vmul.f32 v10, v33;
	v2 =	vadd.f32 v2, v8  }
0x211: {  	v15 =	vld.idx.msk [tilespmem:v15+s0+$0x0], $0xffff;
	v49 =	vadd.f32 v24, v8;
	v46 =	vadd.f32 v6, v8;
	v6 =	vmul.f32 v11, v33  }
0x212: {  	s29 =	simm.s32 $0x1;
	v1 =	vld.idx.msk [tilespmem:v1+s0+$0x0], $0xffff;
	v44 =	vadd.f32 v7, v8;
	v40 =	vadd.f32 v10, v8;
	v3 =	vmul.f32 v3, v33  }
0x213: {  	[tilespmem:$0x1FE50] =	vst v25;
	v7 =	vmul.f32 v12, v33;
	v12 =	vmul.f32 v14, v33;
	v24 =	vadd.s32 s29, v61  }
0x214: {  	v14 =	vimm.f32 $0.0e+00;
	[tilespmem:$0x1FEA0] =	vst v2;
	v2 =	vor.u32 v0, v48;
	v30 =	vadd.f32 v3, v8;
	v3 =	vld.idx.msk [tilespmem:v20+s0+$0x0], $0xffff  }
0x215: {  	v48 =	vadd.f32 v21, v8;
	v34 =	vadd.f32 v6, v8;
	v6 =	vmul.f32 v13, v33;
	v10 =	vld.idx.msk [tilespmem:v17+s0+$0x0], $0xffff  }
0x216: {  	v41 =	vadd.f32 v7, v8;
	v7 =	vmul.f32 v15, v33;
	v35 =	vadd.f32 v12, v8;
	v11 =	vld.idx.msk [tilespmem:v18+s0+$0x0], $0xffff  }
0x217: {  	[tilespmem:$0x1FE60] =	vst v23;
	v0 =	vor.u32 v0, v52;
	v37 =	vadd.f32 v6, v8;
	v6 =	vmul.f32 v1, v33  }
0x218: {  	[tilespmem:$0x1FE70] =	vst v22;
	v15 =	vimm.f32 $0.0e+00;
	v13 =	vimm.f32 $0.0e+00;
	v12 =	vimm.f32 $0.0e+00;
	v1 =	vld.idx.msk [tilespmem:v19+s0+$0x0], $0xffff  }
0x219: {  	v52 =	vimm.f32 $0.0e+00;
	v32 =	vadd.f32 v7, v8;
	v19 =	vld.idx.msk [tilespmem:v58+s0+$0x0], $0xffff;
	[tilespmem:$0x1FEB0] =	vst v3;
	v3 =	vadd.f32 v6, v8  }
0x21a: {  	[tilespmem:$0x1FE80] =	vst v16;
	v7 =	vld.idx.msk [tilespmem:v9+s0+$0x0], $0xffff;
	v58 =	vimm.f32 $0.0e+00;
	v21 =	vmul.f32 v10, v33;
	v10 =	vimm.f32 $0.0e+00  }
0x21b: {  	s25 =	simm.s32 $0x2;
	v20 =	vld.idx.msk [tilespmem:v60+s0+$0x0], $0xffff;
	v60 =	vimm.f32 $0.0e+00;
	[tilespmem:$0x1FEC0] =	vst v3;
	v3 =	vmul.f32 v11, v33;
	v11 =	vimm.f32 $0.0e+00  }
.LBB2_10:
0x21c: {  	v26 =	vld.idx.msk [tilespmem:v2+s0+$0x0], $0xffff  }
0x21d: {  	v6 =	vand.u32 $0x7F, v24;
	v8 =	vld [tilespmem:$0x1FD30]  }
0x21e: {  	v2 =	vor.u32 v62, v6;
	v6 =	vld [tilespmem:$0x1FD10];
	_ =	sdelay $0x3  }
0x21f: {  	v25 =	vand.u32 $0x78, v24  }
0x220: {  	v24 =	vand.u32 $0x7, v24;
	v29 =	vor.u32 v8, v25;
	v8 =	vld [tilespmem:$0x1FDE0];
	v6 =	vor.u32 v6, v25  }
0x221: {  	v31 =	vor.u32 v24, v6;
	v6 =	vld [tilespmem:$0x1FD50];
	_ =	sdelay $0x3  }
0x222: {  	v53 =	vor.u32 v8, v25;
	v8 =	vld [tilespmem:$0x1FDF0]  }
0x223: {  	v36 =	vor.u32 v6, v25;
	v6 =	vld [tilespmem:$0x1FD60];
	_ =	sdelay $0x3  }
0x224: {  	v54 =	vor.u32 v8, v25;
	v8 =	vld [tilespmem:$0x1FE00]  }
0x225: {  	v38 =	vor.u32 v6, v25;
	v6 =	vld [tilespmem:$0x1FD80];
	_ =	sdelay $0x3  }
0x226: {  	v56 =	vor.u32 v8, v25;
	v8 =	vld [tilespmem:$0x1FE10]  }
0x227: {  	v43 =	vor.u32 v6, v25;
	v6 =	vld [tilespmem:$0x1FD90];
	_ =	sdelay $0x1  }
0x228: {  	v27 =	vld.idx.msk [tilespmem:v5+s0+$0x0], $0xffff  }
0x229: {  	v5 =	vld [tilespmem:$0x1FD20]  }
0x22a: {  	v57 =	vor.u32 v8, v25;
	v8 =	vld [tilespmem:$0x1FE20]  }
0x22b: {  	v45 =	vor.u32 v6, v25;
	v6 =	vld [tilespmem:$0x1FDA0]  }
0x22c: {  	v4 =	vld.idx.msk [tilespmem:v4+s0+$0x0], $0xffff  }
0x22d: {  	v42 =	vld.idx.msk [tilespmem:v0+s0+$0x0], $0xffff  }
0x22e: {  	v0 =	vld [tilespmem:$0x1FD70];
	v39 =	vmovc v37;
	v37 =	vmov v7;
	v7 =	vmov v35;
	v35 =	vmov v32  }
0x22f: {  	v32 =	vmovc v30;
	v30 =	vmovc v20;
	v20 =	vmov v19;
	v19 =	vmov v59;
	v59 =	vor.u32 v8, v25;
	v8 =	vld [tilespmem:$0x1FE30]  }
0x230: {  	v47 =	vor.u32 v6, v25;
	v6 =	vld [tilespmem:$0x1FDB0]  }
0x231: {  	v9 =	vld [tilespmem:$0x1FE60]  }
0x232: {  	v16 =	vld [tilespmem:$0x1FE70]  }
0x233: {  	v17 =	vld [tilespmem:$0x1FE80]  }
0x234: {  	v61 =	vor.u32 v8, v25;
	v8 =	vld [tilespmem:$0x1FE40]  }
0x235: {  	v50 =	vor.u32 v6, v25;
	v6 =	vld [tilespmem:$0x1FDC0]  }
0x236: {  	v28 =	vadd.f32 v21, v28;
	v21 =	vld [tilespmem:$0x1FEB0]  }
0x237: {  	[tilespmem:$0x1FD00] =	vst v4;
	v4 =	vld [tilespmem:$0x1FD40]  }
0x238: {  	v22 =	vor.u32 v17, v25;
	v17 =	vld [tilespmem:$0x1FE90]  }
0x239: {  	v62 =	vor.u32 v8, v25;
	v8 =	vld [tilespmem:$0x1FE50]  }
0x23a: {  	v5 =	vor.u32 v5, v25;
	v51 =	vor.u32 v6, v25;
	v6 =	vld.idx.msk [tilespmem:v2+s30+$0x0], $0xffff  }
0x23b: {  	v5 =	vor.u32 v24, v5;
	v2 =	vld [tilespmem:$0x1FDD0]  }
0x23c: {  	v15 =	vadd.f32 v3, v15;
	v1 =	vmul.f32 v1, v33;
	v0 =	vor.u32 v0, v25;
	v31 =	vld.idx.msk [tilespmem:v31+s0+$0x0], $0xffff  }
0x23d: {  	v9 =	vor.u32 v9, v25;
	v29 =	vor.u32 v24, v29;
	v4 =	vor.u32 v4, v25  }
0x23e: {  	v16 =	vor.u32 v16, v25;
	v3 =	vmul.f32 v20, v33;
	v4 =	vor.u32 v24, v4  }
0x23f: {  	v23 =	vor.u32 v24, v0;
	v21 =	vmul.f32 v21, v33;
	v43 =	vor.u32 v24, v43  }
0x240: {  	v8 =	vor.u32 v8, v25;
	v2 =	vor.u32 v2, v25;
	v25 =	vor.u32 v17, v25;
	v17 =	vld.idx.msk [tilespmem:v5+s0+$0x0], $0xffff  }
0x241: {  	v0 =	vmul.f32 v31, v6;
	v31 =	vor.u32 v24, v51;
	v51 =	vor.u32 v24, v2;
	v2 =	vld [tilespmem:$0x1FEA0]  }
0x242: {  	v14 =	vadd.f32 v1, v14;
	v29 =	vld.idx.msk [tilespmem:v29+s0+$0x0], $0xffff;
	v36 =	vor.u32 v24, v36;
	v57 =	vor.u32 v24, v57  }
0x243: {  	v18 =	vld.idx.msk [tilespmem:v4+s0+$0x0], $0xffff;
	v4 =	vor.u32 v24, v22;
	v22 =	vmul.f32 v19, v33;
	v19 =	vmul.f32 v30, v33  }
0x244: {  	v30 =	vmovc v32;
	v32 =	vmovc v35;
	v35 =	vmov v7;
	v7 =	vmul.f32 v37, v33;
	v38 =	vor.u32 v24, v38  }
0x245: {  	v53 =	vor.u32 v24, v53;
	v23 =	vld.idx.msk [tilespmem:v23+s0+$0x0], $0xffff;
	v54 =	vor.u32 v24, v54;
	v17 =	vmul.f32 v17, v6  }
0x246: {  	v63 =	vadd.f32 v7, v63;
	v45 =	vor.u32 v24, v45;
	v20 =	vld.idx.msk [tilespmem:v43+s0+$0x0], $0xffff;
	v2 =	vadd.f32 v0, v2  }
0x247: {  	v56 =	vor.u32 v24, v56;
	v7 =	vld.idx.msk [tilespmem:v57+s0+$0x0], $0xffff;
	v50 =	vor.u32 v24, v50;
	v48 =	vadd.f32 v17, v48  }
0x248: {  	v17 =	vmul.f32 v18, v6;
	[tilespmem:$0x1FEA0] =	vst v2;
	v2 =	vor.u32 v24, v9;
	v9 =	vld.idx.msk [tilespmem:v36+s0+$0x0], $0xffff  }
0x249: {  	v59 =	vor.u32 v24, v59;
	v47 =	vor.u32 v24, v47;
	v5 =	vor.u32 v24, v16;
	v16 =	vld.idx.msk [tilespmem:v38+s0+$0x0], $0xffff  }
0x24a: {  	v61 =	vor.u32 v24, v61;
	v62 =	vor.u32 v24, v62;
	v46 =	vadd.f32 v17, v46;
	v17 =	vld.idx.msk [tilespmem:v31+s0+$0x0], $0xffff  }
0x24b: {  	v8 =	vor.u32 v24, v8;
	v1 =	vmul.f32 v29, v6;
	v0 =	vor.u32 v24, v25;
	v24 =	vld.idx.msk [tilespmem:v45+s0+$0x0], $0xffff  }
0x24c: {  	v13 =	vadd.f32 v21, v13;
	v21 =	vmul.f32 v26, v33;
	v26 =	vld [tilespmem:$0x1FD00]  }
0x24d: {  	v49 =	vadd.f32 v1, v49;
	v1 =	vmul.f32 v9, v6;
	v9 =	vld.idx.msk [tilespmem:v50+s0+$0x0], $0xffff  }
0x24e: {  	v11 =	vadd.f32 v3, v11;
	[tilespmem:$0x1FEB0] =	vst v7;
	v16 =	vmul.f32 v16, v6;
	v18 =	vld.idx.msk [tilespmem:v47+s0+$0x0], $0xffff  }
0x24f: {  	v7 =	vmul.f32 v17, v6;
	v44 =	vadd.f32 v1, v44;
	v1 =	vmul.f32 v23, v6;
	v23 =	vld.idx.msk [tilespmem:v51+s0+$0x0], $0xffff  }
0x250: {  	v40 =	vadd.f32 v16, v40;
	v16 =	vmul.f32 v20, v6;
	v20 =	vld.idx.msk [tilespmem:v53+s0+$0x0], $0xffff;
	v3 =	vmul.f32 v24, v6  }
0x251: {  	v26 =	vmul.f32 v26, v33;
	v30 =	vadd.f32 v7, v30;
	v7 =	vld [tilespmem:$0x1FEC0]  }
0x252: {  	v12 =	vadd.f32 v22, v12;
	v22 =	vld.idx.msk [tilespmem:v54+s0+$0x0], $0xffff;
	v37 =	vadd.f32 v3, v39;
	v3 =	vmul.f32 v9, v6  }
0x253: {  	p0 =	sne.s32 s25, $0x7F;
	v60 =	vadd.f32 v21, v60;
	v55 =	vadd.f32 v26, v55;
	v59 =	vld.idx.msk [tilespmem:v59+s0+$0x0], $0xffff;
	v25 =	vmul.f32 v27, v33  }
.Ltmp8:
0x254: {  	v10 =	vadd.f32 v19, v10;
	v19 =	vld.idx.msk [tilespmem:v61+s0+$0x0], $0xffff;
	v32 =	vadd.f32 v3, v32;
	v3 =	vmul.f32 v23, v6;
	(pc) =	sbr.rel @p0 .LBB2_10-.Ltmp8, $4  }
0x255: {  	v27 =	vmul.f32 v42, v33;
	v58 =	vadd.f32 v25, v58;
	v21 =	vmul.f32 v20, v6;
	v20 =	vld.idx.msk [tilespmem:v62+s0+$0x0], $0xffff  }
0x256: {  	v41 =	vadd.f32 v16, v41;
	v16 =	vmul.f32 v18, v6;
	v62 =	vld [tilespmem:$0x1FFE0];
	v7 =	vadd.f32 v3, v7  }
0x257: {  	v61 =	vlaneseq.u32;
	v33 =	vmovc v6;
	v52 =	vadd.f32 v27, v52;
	v34 =	vadd.f32 v1, v34;
	v1 =	vld.idx.msk [tilespmem:v56+s0+$0x0], $0xffff  }
0x258: {  	v24 =	vadd.s32 s25, v61;
	s25 =	sadd.s32 $0x1, s25;
	v35 =	vadd.f32 v16, v35;
	v3 =	vmul.f32 v22, v6;
	[tilespmem:$0x1FEC0] =	vst v7;
	v7 =	vld.idx.msk [tilespmem:v8+s0+$0x0], $0xffff  }
0x259: {  	_ =	sdelay $0x2  }
0x25a: {  	v9 =	vld [tilespmem:$0x1FD10]  }
0x25b: {  	v2 =	vld.idx.msk [tilespmem:v2+s0+$0x0], $0xffff  }
0x25c: {  	v17 =	vld [tilespmem:$0x1FD20]  }
0x25d: {  	v5 =	vld.idx.msk [tilespmem:v5+s0+$0x0], $0xffff  }
0x25e: {  	v18 =	vld [tilespmem:$0x1FD30]  }
0x25f: {  	v4 =	vld.idx.msk [tilespmem:v4+s0+$0x0], $0xffff  }
0x260: {  	v22 =	vld [tilespmem:$0x1FD40]  }
0x261: {  	v23 =	vld [tilespmem:$0x1FD50]  }
0x262: {  	v0 =	vld.idx.msk [tilespmem:v0+s0+$0x0], $0xffff  }
0x263: {  	v39 =	vld [tilespmem:$0x1FD60]  }
0x264: {  	v43 =	vld [tilespmem:$0x1FD70]  }
0x265: {  	v45 =	vld [tilespmem:$0x1FD80]  }
0x266: {  	v47 =	vld [tilespmem:$0x1FD90]  }
0x267: {  	v50 =	vld [tilespmem:$0x1FDA0]  }
0x268: {  	v51 =	vld [tilespmem:$0x1FDB0]  }
0x269: {  	v53 =	vld [tilespmem:$0x1FDC0]  }
0x26a: {  	v54 =	vld [tilespmem:$0x1FDD0]  }
0x26b: {  	v6 =	vand.u32 $0x78, v24;
	v56 =	vld [tilespmem:$0x1FDE0]  }
0x26c: {  	v25 =	vor.u32 v43, v6;
	v43 =	vld [tilespmem:$0x1FE00]  }
0x26d: {  	v26 =	vor.u32 v45, v6;
	v45 =	vld [tilespmem:$0x1FE10]  }
0x26e: {  	v27 =	vor.u32 v47, v6;
	v47 =	vld [tilespmem:$0x1FE20]  }
0x26f: {  	v29 =	vor.u32 v50, v6;
	v50 =	vld [tilespmem:$0x1FE30]  }
0x270: {  	v8 =	vand.u32 $0x7F, v24;
	v31 =	vor.u32 v51, v6;
	v51 =	vld [tilespmem:$0x1FE40]  }
0x271: {  	v16 =	vand.u32 $0x7, v24;
	v8 =	vor.u32 v62, v8;
	v38 =	vor.u32 v53, v6;
	v53 =	vld [tilespmem:$0x1FE50]  }
0x272: {  	v9 =	vor.u32 v9, v6;
	v17 =	vor.u32 v17, v6;
	v36 =	vor.u32 v54, v6;
	v54 =	vld [tilespmem:$0x1FE60]  }
0x273: {  	v18 =	vor.u32 v18, v6;
	v57 =	vor.u32 v56, v6;
	v56 =	vld [tilespmem:$0x1FE70];
	v9 =	vor.u32 v16, v9  }
0x274: {  	v22 =	vor.u32 v22, v6;
	[tilespmem:$0x1FCF0] =	vst v0;
	v42 =	vor.u32 v39, v6;
	v0 =	vld [tilespmem:$0x1FE90];
	v17 =	vor.u32 v16, v17  }
0x275: {  	v23 =	vor.u32 v23, v6;
	v18 =	vor.u32 v16, v18;
	v24 =	vor.u32 v16, v42;
	v42 =	vld [tilespmem:$0x1FDF0]  }
0x276: {  	v22 =	vor.u32 v16, v22;
	v39 =	vor.u32 v16, v38;
	v38 =	vor.u32 v16, v57;
	v57 =	vld [tilespmem:$0x1FE80]  }
0x277: {  	v23 =	vor.u32 v16, v23;
	v8 =	vld.idx.msk [tilespmem:v8+s30+$0x0], $0xffff  }
0x278: {  	v9 =	vld.idx.msk [tilespmem:v9+s0+$0x0], $0xffff  }
0x279: {  	v25 =	vor.u32 v16, v25;
	v17 =	vld.idx.msk [tilespmem:v17+s0+$0x0], $0xffff  }
0x27a: {  	v26 =	vor.u32 v16, v26;
	v18 =	vld.idx.msk [tilespmem:v18+s0+$0x0], $0xffff  }
0x27b: {  	v27 =	vor.u32 v16, v27;
	v22 =	vld.idx.msk [tilespmem:v22+s0+$0x0], $0xffff  }
0x27c: {  	v29 =	vor.u32 v16, v29;
	v23 =	vld.idx.msk [tilespmem:v23+s0+$0x0], $0xffff  }
0x27d: {  	v31 =	vor.u32 v16, v31;
	v24 =	vld.idx.msk [tilespmem:v24+s0+$0x0], $0xffff  }
0x27e: {  	v25 =	vld.idx.msk [tilespmem:v25+s0+$0x0], $0xffff  }
0x27f: {  	v36 =	vor.u32 v16, v36;
	v26 =	vld.idx.msk [tilespmem:v26+s0+$0x0], $0xffff  }
0x280: {  	v43 =	vor.u32 v43, v6;
	v27 =	vld.idx.msk [tilespmem:v27+s0+$0x0], $0xffff  }
0x281: {  	v45 =	vor.u32 v45, v6;
	v29 =	vld.idx.msk [tilespmem:v29+s0+$0x0], $0xffff;
	v43 =	vor.u32 v16, v43  }
0x282: {  	v47 =	vor.u32 v47, v6;
	v31 =	vld.idx.msk [tilespmem:v31+s0+$0x0], $0xffff;
	v45 =	vor.u32 v16, v45  }
0x283: {  	v50 =	vor.u32 v50, v6;
	v39 =	vld.idx.msk [tilespmem:v39+s0+$0x0], $0xffff;
	v47 =	vor.u32 v16, v47  }
0x284: {  	v51 =	vor.u32 v51, v6;
	v36 =	vld.idx.msk [tilespmem:v36+s0+$0x0], $0xffff;
	v50 =	vor.u32 v16, v50  }
0x285: {  	v53 =	vor.u32 v53, v6;
	v38 =	vld.idx.msk [tilespmem:v38+s0+$0x0], $0xffff;
	v51 =	vor.u32 v16, v51  }
0x286: {  	v54 =	vor.u32 v54, v6;
	v53 =	vor.u32 v16, v53;
	v43 =	vld.idx.msk [tilespmem:v43+s0+$0x0], $0xffff  }
0x287: {  	v56 =	vor.u32 v56, v6;
	v54 =	vor.u32 v16, v54;
	v45 =	vld.idx.msk [tilespmem:v45+s0+$0x0], $0xffff  }
0x288: {  	v42 =	vor.u32 v42, v6;
	v56 =	vor.u32 v16, v56;
	v47 =	vld.idx.msk [tilespmem:v47+s0+$0x0], $0xffff  }
0x289: {  	v57 =	vor.u32 v57, v6;
	v6 =	vor.u32 v0, v6;
	v42 =	vor.u32 v16, v42;
	v50 =	vld.idx.msk [tilespmem:v50+s0+$0x0], $0xffff  }
0x28a: {  	v57 =	vor.u32 v16, v57;
	v6 =	vor.u32 v16, v6;
	v16 =	vld.idx.msk [tilespmem:v51+s0+$0x0], $0xffff  }
0x28b: {  	v51 =	vld.idx.msk [tilespmem:v53+s0+$0x0], $0xffff  }
0x28c: {  	v53 =	vld.idx.msk [tilespmem:v54+s0+$0x0], $0xffff  }
0x28d: {  	v54 =	vld.idx.msk [tilespmem:v56+s0+$0x0], $0xffff  }
0x28e: {  	v42 =	vld.idx.msk [tilespmem:v42+s0+$0x0], $0xffff  }
0x28f: {  	v0 =	vimm.f32 $0.0e+00;
	v56 =	vld.idx.msk [tilespmem:v57+s0+$0x0], $0xffff  }
0x290: {  	v6 =	vld.idx.msk [tilespmem:v6+s0+$0x0], $0xffff;
	[tilespmem:$0x1EB90] =	vst v0  }
0x291: {  	[tilespmem:$0x1EBA0] =	vst v0  }
0x292: {  	[tilespmem:$0x1EBB0] =	vst v0  }
0x293: {  	[tilespmem:$0x1EBC0] =	vst v0  }
0x294: {  	[tilespmem:$0x1EBD0] =	vst v0  }
0x295: {  	[tilespmem:$0x1EBE0] =	vst v0  }
0x296: {  	[tilespmem:$0x1EBF0] =	vst v0  }
0x297: {  	[tilespmem:$0x1EC00] =	vst v0  }
0x298: {  	[tilespmem:$0x1EC10] =	vst v0  }
0x299: {  	[tilespmem:$0x1EC20] =	vst v0  }
0x29a: {  	[tilespmem:$0x1EC30] =	vst v0  }
0x29b: {  	[tilespmem:$0x1EC40] =	vst v0  }
0x29c: {  	[tilespmem:$0x1EC50] =	vst v0  }
0x29d: {  	[tilespmem:$0x1EC60] =	vst v0  }
0x29e: {  	[tilespmem:$0x1EC70] =	vst v0  }
0x29f: {  	[tilespmem:$0x1EC80] =	vst v0;
	v57 =	vld [tilespmem:$0x1FEB0]  }
0x2a0: {  	[tilespmem:$0x1EC90] =	vst v0  }
0x2a1: {  	[tilespmem:$0x1ECA0] =	vst v0  }
0x2a2: {  	[tilespmem:$0x1ECB0] =	vst v0  }
0x2a3: {  	v3 =	vadd.f32 v3, v15;
	v15 =	vmul.f32 v19, v33;
	[tilespmem:$0x1ECC0] =	vst v0  }
0x2a4: {  	v21 =	vadd.f32 v21, v28;
	v19 =	vmul.f32 v20, v33;
	[tilespmem:$0x1ECD0] =	vst v0;
	v28 =	vmul.f32 v57, v33  }
0x2a5: {  	v1 =	vmul.f32 v1, v33;
	v20 =	vmul.f32 v17, v8;
	[tilespmem:$0x1ECE0] =	vst v0  }
0x2a6: {  	v24 =	vmul.f32 v24, v8;
	[tilespmem:$0x1ECF0] =	vst v0;
	v13 =	vadd.f32 v28, v13;
	v28 =	vmul.f32 v18, v8  }
0x2a7: {  	v1 =	vadd.f32 v1, v14;
	[tilespmem:$0x1ED00] =	vst v0;
	v14 =	vadd.f32 v20, v48;
	v48 =	vmul.f32 v22, v8  }
0x2a8: {  	[tilespmem:$0x1ED10] =	vst v0;
	v22 =	vadd.f32 v24, v40;
	v24 =	vld [tilespmem:$0x1FFA0];
	v17 =	vadd.f32 v28, v49;
	v49 =	vmul.f32 v23, v8  }
0x2a9: {  	v59 =	vmul.f32 v59, v33;
	[tilespmem:$0x1ED20] =	vst v0;
	v18 =	vadd.f32 v48, v46;
	v46 =	vld [tilespmem:$0x1FED0]  }
0x2aa: {  	v2 =	vmul.f32 v2, v33;
	[tilespmem:$0x1ED30] =	vst v0;
	v20 =	vadd.f32 v49, v44;
	v49 =	vld [tilespmem:$0x1FEE0]  }
0x2ab: {  	v12 =	vadd.f32 v59, v12;
	v59 =	vld [tilespmem:$0x1FEF0];
	[tilespmem:$0x1ED40] =	vst v0  }
0x2ac: {  	v2 =	vadd.f32 v2, v60;
	v60 =	vld [tilespmem:$0x1FF00];
	[tilespmem:$0x1ED50] =	vst v0  }
0x2ad: {  	[tilespmem:$0x1ED60] =	vst v0  }
0x2ae: {  	[tilespmem:$0x1ED70] =	vst v0  }
0x2af: {  	[tilespmem:$0x1ED80] =	vst v0  }
0x2b0: {  	v7 =	vmul.f32 v7, v33;
	[tilespmem:v24+s2+$0x0] =	vst.idx.msk $0xffff, v14  }
0x2b1: {  	[tilespmem:v46+s2+$0x0] =	vst.idx.msk $0xffff, v17  }
0x2b2: {  	v7 =	vadd.f32 v7, v63;
	v63 =	vmul.f32 v31, v8;
	v31 =	vld [tilespmem:$0x1FF40];
	[tilespmem:v49+s2+$0x0] =	vst.idx.msk $0xffff, v18  }
0x2b3: {  	v57 =	vld [tilespmem:$0x1FCF0];
	[tilespmem:v59+s2+$0x0] =	vst.idx.msk $0xffff, v20  }
0x2b4: {  	v28 =	vmul.f32 v25, v8;
	[tilespmem:v60+s2+$0x0] =	vst.idx.msk $0xffff, v22;
	v22 =	vld [tilespmem:$0x1FF10]  }
0x2b5: {  	v40 =	vmul.f32 v26, v8;
	v26 =	vld [tilespmem:$0x1FF20];
	v48 =	vmul.f32 v27, v8  }
0x2b6: {  	v11 =	vadd.f32 v15, v11;
	v5 =	vmul.f32 v5, v33;
	v23 =	vadd.f32 v28, v34;
	v28 =	vld [tilespmem:$0x1FF30]  }
0x2b7: {  	v4 =	vmul.f32 v4, v33;
	v15 =	vadd.f32 v48, v37;
	v25 =	vmul.f32 v39, v8;
	v37 =	vld [tilespmem:$0x1FF60]  }
0x2b8: {  	v33 =	vmul.f32 v57, v33;
	v57 =	vmul.f32 v29, v8;
	v34 =	vld [tilespmem:$0x1FF50]  }
0x2b9: {  	v29 =	vmul.f32 v36, v8;
	v36 =	vmul.f32 v43, v8;
	v43 =	vld [tilespmem:$0x1FF80]  }
0x2ba: {  	v44 =	vadd.f32 v40, v41;
	v40 =	vld [tilespmem:$0x1FF70]  }
0x2bb: {  	v27 =	vadd.f32 v25, v30;
	v30 =	vadd.f32 v33, v52;
	v33 =	vld [tilespmem:$0x1FEC0]  }
0x2bc: {  	v46 =	vld [tilespmem:$0x1FF90];
	[tilespmem:v22+s2+$0x0] =	vst.idx.msk $0xffff, v23  }
0x2bd: {  	v48 =	vld [tilespmem:$0x1FFB0];
	v17 =	vadd.f32 v57, v35;
	[tilespmem:v26+s2+$0x0] =	vst.idx.msk $0xffff, v44  }
0x2be: {  	v10 =	vadd.f32 v19, v10;
	v18 =	vadd.f32 v63, v32;
	[tilespmem:v28+s2+$0x0] =	vst.idx.msk $0xffff, v15  }
0x2bf: {  	v5 =	vadd.f32 v5, v58;
	v32 =	vmul.f32 v38, v8;
	[tilespmem:v31+s2+$0x0] =	vst.idx.msk $0xffff, v17  }
0x2c0: {  	v35 =	vmul.f32 v42, v8;
	v15 =	vadd.f32 v29, v33;
	[tilespmem:v34+s2+$0x0] =	vst.idx.msk $0xffff, v18  }
0x2c1: {  	v4 =	vadd.f32 v4, v55;
	v38 =	vor.u32 $0xF, v24;
	v17 =	vadd.f32 v32, v21;
	[tilespmem:v37+s2+$0x0] =	vst.idx.msk $0xffff, v27  }
0x2c2: {  	v39 =	vmul.f32 v45, v8;
	v41 =	vor.u32 $0x10, v24;
	v3 =	vadd.f32 v35, v3;
	[tilespmem:v40+s2+$0x0] =	vst.idx.msk $0xffff, v15  }
0x2c3: {  	v1 =	vadd.f32 v36, v1;
	v42 =	vmul.f32 v47, v8;
	v44 =	vor.u32 $0x11, v24;
	[tilespmem:v43+s2+$0x0] =	vst.idx.msk $0xffff, v17  }
0x2c4: {  	v45 =	vmul.f32 v50, v8;
	v13 =	vadd.f32 v39, v13;
	v47 =	vor.u32 $0x12, v24;
	[tilespmem:v46+s2+$0x0] =	vst.idx.msk $0xffff, v3  }
0x2c5: {  	v16 =	vmul.f32 v16, v8;
	v12 =	vadd.f32 v42, v12;
	v49 =	vor.u32 $0x13, v24;
	[tilespmem:v48+s2+$0x0] =	vst.idx.msk $0xffff, v1  }
0x2c6: {  	v50 =	vmul.f32 v51, v8;
	v51 =	vor.u32 $0x14, v24;
	v11 =	vadd.f32 v45, v11;
	[tilespmem:v38+s2+$0x0] =	vst.idx.msk $0xffff, v13  }
0x2c7: {  	v10 =	vadd.f32 v16, v10;
	v52 =	vmul.f32 v53, v8;
	v53 =	vor.u32 $0x15, v24;
	[tilespmem:v41+s2+$0x0] =	vst.idx.msk $0xffff, v12  }
0x2c8: {  	v54 =	vmul.f32 v54, v8;
	v55 =	vor.u32 $0x16, v24;
	v7 =	vadd.f32 v50, v7;
	v63 =	vld [tilespmem:$0x1FEA0];
	[tilespmem:v44+s2+$0x0] =	vst.idx.msk $0xffff, v11  }
0x2c9: {  	v56 =	vmul.f32 v56, v8;
	v2 =	vadd.f32 v52, v2;
	v57 =	vor.u32 $0x17, v24;
	[tilespmem:v47+s2+$0x0] =	vst.idx.msk $0xffff, v10  }
0x2ca: {  	v58 =	vmul.f32 v6, v8;
	v5 =	vadd.f32 v54, v5;
	v59 =	vor.u32 $0x18, v24;
	[tilespmem:v49+s2+$0x0] =	vst.idx.msk $0xffff, v7  }
0x2cb: {  	v60 =	vmul.f32 v9, v8;
	v3 =	vadd.f32 v56, v4;
	[tilespmem:v51+s2+$0x0] =	vst.idx.msk $0xffff, v2  }
0x2cc: {  	v0 =	vadd.f32 v58, v30;
	[tilespmem:v53+s2+$0x0] =	vst.idx.msk $0xffff, v5  }
0x2cd: {  	s8 =	sshll.u32 s21, $0x2;
	v1 =	vadd.f32 v60, v63;
	[tilespmem:v55+s2+$0x0] =	vst.idx.msk $0xffff, v3  }
0x2ce: {  	s8 =	sand.u32 $0x1FFFFF80, s8;
	[tilespmem:v57+s2+$0x0] =	vst.idx.msk $0xffff, v0  }
.Ltmp9:
0x2cf: {  	s8 =	sadd.s32 s6, s8;
	[tilespmem:v59+s2+$0x0] =	vst.idx.msk $0xffff, v1;
	(pc) =	sbr.rel .LBB2_15-.Ltmp9, $4  }
0x2d0: {  	[hbm4b:s8+s4] =	stream.linear.scatter [tilespmem:s2], [sflag:$0x5], $0x200, $0x38;
	[tilespmem:$0x1ED90] =	vst v63  }
0x2d1: {  	_ =	swait.ge [sflag:s31], $0x200  }
0x2d2: {  	[sflag:s31] =	ssyncset.done $0x0  }
0x2d3: {  	s21 =	sor.u32 $0x1, s19;
	[sflag:s31] =	ssyncadd.s32 $0xFFFFFE00  }
.LBB2_12:
0x2d4: {  	s21 =	sadd.s32 $0x1, s19;
	p0 =	seq.s32 s19, $0xF  }
0x2d5: {  	s8 =	sld @!p0 [smem:s21+$0x0];
	_ =	sdelay $0x2  }
0x2d6: {  	p1 =	slt.s32 @!p0 s8, $0x1  }
0x2d7: {  	p2 =	por p1, p0  }
0x2d8: {  	s9 =	smul.u32 @!p2 $0x640, s21;
	p3 =	slt.u32 @!p2 s8, $0x61  }
0x2d9: {  	p4 =	por @!p0 p3, p1  }
0x2da: {  	s20 =	simm.s32 @!p2 $0x60;
	s9 =	sshra.s32 @!p2 s9, $0x2;
	p4 =	por p4, p0  }
0x2db: {  	s22 =	simm.s32 @!p2 $0x4B90;
	s18 =	sadd.s32 @!p2 $0x1100, s9;
	p5 =	slt.u32 @!p4 s8, $0xC1  }
0x2dc: {  	[tilespmem:s22], [sflag:$0x2] =	stream.indirect.gather @!p2 [hbm4b:s3+s20], $0x80, s18, s20, $0xb8;
	[tilespmem:$0x1ED90] =	vst v63  }
0x2dd: {  	s18 =	sadd.s32 @!p4 $0x1160, s9;
	p6 =	por @!p2 p5, p3  }
0x2de: {  	s20 =	simm.s32 @!p4 $0x60;
	s22 =	simm.s32 @!p4 $0x7B90;
	p6 =	por @!p0 p6, p1  }
0x2df: {  	[tilespmem:s22], [sflag:$0x2] =	stream.indirect.gather @!p4 [hbm4b:s3+s20], $0x80, s18, s20, $0xb8;
	[tilespmem:$0x1ED90] =	vst v63  }
0x2e0: {  	p6 =	por p6, p0  }
0x2e1: {  	s18 =	sadd.s32 @!p6 $0x11C0, s9;
	s20 =	simm.s32 @!p6 $0x60;
	s22 =	simm.s32 @!p6 $0xAB90  }
0x2e2: {  	[tilespmem:s22], [sflag:$0x2] =	stream.indirect.gather @!p6 [hbm4b:s3+s20], $0x80, s18, s20, $0xb8;
	[tilespmem:$0x1ED90] =	vst v63  }
0x2e3: {  	p6 =	slt.u32 @!p6 s8, $0x121  }
0x2e4: {  	p4 =	por @!p4 p6, p5  }
0x2e5: {  	p2 =	por @!p2 p4, p3  }
0x2e6: {  	p1 =	por @!p0 p2, p1  }
0x2e7: {  	s8 =	sld [smem:s19+$0x0];
	p0 =	por p1, p0  }
0x2e8: {  	s9 =	sadd.s32 @!p0 $0x1220, s9;
	s18 =	simm.s32 @!p0 $0x60;
	s20 =	simm.s32 @!p0 $0xDB90  }
0x2e9: {  	[tilespmem:s20], [sflag:$0x2] =	stream.indirect.gather @!p0 [hbm4b:s3+s18], $0x80, s9, s18, $0xb8;
	[tilespmem:$0x1ED90] =	vst v63  }
0x2ea: {  	p0 =	slt.s32 s8, $0x1  }
0x2eb: {  	s9 =	simm.s32 @!p0 $0x3;
	p1 =	slt.u32 @!p0 s8, $0x61  }
0x2ec: {  	_ =	swait.ge @!p0 [sflag:s9], $0x3000;
	p2 =	por p1, p0  }
0x2ed: {  	[sflag:s9] =	ssyncset.done @!p0 $0x0;
	p3 =	slt.u32 @!p2 s8, $0xC1  }
0x2ee: {  	[sflag:s9] =	ssyncadd.s32 @!p0 $0xFFFFD000;
	s9 =	simm.s32 @!p2 $0x3;
	p4 =	por @!p0 p3, p1  }
0x2ef: {  	_ =	swait.ge @!p2 [sflag:s9], $0x3000;
	p4 =	por p4, p0  }
0x2f0: {  	[sflag:s9] =	ssyncset.done @!p2 $0x0;
	p5 =	slt.u32 @!p4 s8, $0x121  }
0x2f1: {  	s8 =	simm.s32 @!p4 $0x3;
	[sflag:s9] =	ssyncadd.s32 @!p2 $0xFFFFD000;
	p2 =	por @!p2 p5, p3  }
0x2f2: {  	_ =	swait.ge @!p4 [sflag:s8], $0x3000;
	p1 =	por @!p0 p2, p1  }
0x2f3: {  	[sflag:s8] =	ssyncset.done @!p4 $0x0;
	p0 =	por p1, p0  }
0x2f4: {  	s20 =	sshll.u32 s19, $0x4;
	[sflag:s8] =	ssyncadd.s32 @!p4 $0xFFFFD000;
	s8 =	simm.s32 @!p0 $0x3  }
0x2f5: {  	s25 =	sadd.s32 s7, s20;
	_ =	swait.ge @!p0 [sflag:s8], $0x3000  }
0x2f6: {  	s9 =	sshll.u32 s25, $0x4;
	[sflag:s8] =	ssyncset.done @!p0 $0x0  }
0x2f7: {  	s26 =	simm.s32 $0x0;
	s22 =	sadd.s32 s1, s9;
	[sflag:s8] =	ssyncadd.s32 @!p0 $0xFFFFD000  }
0x2f8: {  	[tilespmem:s30], [sflag:$0x5] =	stream.linear.gather [hbm4b:s22+s26], $0x800, $0x38;
	[tilespmem:$0x1ED90] =	vst v63  }
0x2f9: {  	s28 =	smul.u32 $0x640, s19;
	_ =	swait.ge [sflag:s31], $0x800  }
0x2fa: {  	[sflag:s31] =	ssyncset.done $0x0  }
0x2fb: {  	s8 =	sshra.s32 s28, $0x2;
	[sflag:s31] =	ssyncadd.s32 $0xFFFFF800  }
0x2fc: {  	v0 =	vld [tilespmem:s8+$0x2A10]  }
0x2fd: {  	v1 =	vld [tilespmem:s8+$0x2A20]  }
0x2fe: {  	v2 =	vld [tilespmem:s8+$0x2A30]  }
0x2ff: {  	v3 =	vld [tilespmem:s8+$0x2A40]  }
0x300: {  	v4 =	vld [tilespmem:s8+$0x2A50]  }
0x301: {  	v5 =	vld [tilespmem:s8+$0x2A60]  }
0x302: {  	v6 =	vld [tilespmem:s8+$0x2A70]  }
0x303: {  	v7 =	vld [tilespmem:s8+$0x2A80]  }
0x304: {  	v10 =	vld [tilespmem:s8+$0x2A90]  }
0x305: {  	v11 =	vld [tilespmem:s8+$0x2AA0]  }
0x306: {  	v12 =	vld [tilespmem:s8+$0x2AB0]  }
0x307: {  	v13 =	vld [tilespmem:s8+$0x2AC0]  }
0x308: {  	v14 =	vld [tilespmem:s8+$0x2AD0]  }
0x309: {  	v15 =	vld [tilespmem:s8+$0x2AE0]  }
0x30a: {  	v16 =	vld [tilespmem:s8+$0x2AF0]  }
0x30b: {  	v17 =	vld [tilespmem:s8+$0x2B00]  }
0x30c: {  	v18 =	vld [tilespmem:s8+$0x2B10]  }
0x30d: {  	v19 =	vld [tilespmem:s8+$0x2B20]  }
0x30e: {  	v20 =	vld [tilespmem:s8+$0x2B30]  }
0x30f: {  	v21 =	vld [tilespmem:s8+$0x2B40]  }
0x310: {  	v22 =	vld [tilespmem:s8+$0x2B50];
	v43 =	vshll.u32 v0, $0x7  }
0x311: {  	v0 =	vld [tilespmem:s8+$0x2B60];
	v42 =	vshll.u32 v1, $0x7;
	v41 =	vshll.u32 v2, $0x7;
	[tilespmem:$0x1FB40] =	vst v43  }
0x312: {  	v40 =	vshll.u32 v3, $0x7;
	v1 =	vld [tilespmem:s8+$0x2B70];
	v39 =	vshll.u32 v4, $0x7;
	v38 =	vshll.u32 v5, $0x7;
	[tilespmem:$0x1FB50] =	vst v42  }
0x313: {  	v37 =	vshll.u32 v6, $0x7;
	v2 =	vld [tilespmem:s8+$0x2B80];
	v36 =	vshll.u32 v7, $0x7;
	v35 =	vshll.u32 v10, $0x7;
	[tilespmem:$0x1FB60] =	vst v41  }
0x314: {  	v34 =	vshll.u32 v11, $0x7;
	v3 =	vld [tilespmem:s8+$0x2B90];
	v33 =	vshll.u32 v12, $0x7;
	v32 =	vshll.u32 v13, $0x7;
	[tilespmem:$0x1FB70] =	vst v40  }
0x315: {  	v31 =	vshll.u32 v14, $0x7;
	v30 =	vshll.u32 v15, $0x7;
	v29 =	vshll.u32 v16, $0x7;
	[tilespmem:$0x1FB80] =	vst v39  }
0x316: {  	v28 =	vshll.u32 v17, $0x7;
	v24 =	vshll.u32 v18, $0x7;
	v27 =	vshll.u32 v19, $0x7;
	[tilespmem:$0x1FB90] =	vst v38  }
0x317: {  	v26 =	vshll.u32 v20, $0x7;
	v25 =	vshll.u32 v21, $0x7;
	v23 =	vshll.u32 v22, $0x7;
	[tilespmem:$0x1FBA0] =	vst v37  }
0x318: {  	[tilespmem:$0x1FBB0] =	vst v36;
	v22 =	vshll.u32 v0, $0x7;
	v16 =	vshll.u32 v1, $0x7;
	v0 =	vadd.s32 s26, v61  }
0x319: {  	[tilespmem:$0x1FBC0] =	vst v35;
	v9 =	vshll.u32 v2, $0x7;
	v3 =	vshll.u32 v3, $0x7;
	v1 =	vand.u32 $0x7F, v0  }
0x31a: {  	[tilespmem:$0x1FBD0] =	vst v34;
	v2 =	vand.u32 $0x78, v0;
	v0 =	vand.u32 $0x7, v0;
	v1 =	vor.u32 v62, v1  }
0x31b: {  	[tilespmem:$0x1FB30] =	vst v3;
	v3 =	vor.u32 v3, v2;
	v4 =	vor.u32 v43, v2;
	v5 =	vor.u32 v42, v2  }
0x31c: {  	[tilespmem:$0x1FBE0] =	vst v33;
	v6 =	vor.u32 v41, v2;
	v7 =	vor.u32 v40, v2;
	v3 =	vor.u32 v0, v3  }
0x31d: {  	[tilespmem:$0x1FBF0] =	vst v32;
	v10 =	vor.u32 v39, v2;
	v11 =	vor.u32 v38, v2;
	v12 =	vor.u32 v37, v2  }
0x31e: {  	[tilespmem:$0x1FC10] =	vst v30;
	v13 =	vor.u32 v36, v2;
	v14 =	vor.u32 v35, v2;
	v4 =	vor.u32 v0, v4  }
0x31f: {  	[tilespmem:$0x1FC30] =	vst v28;
	v15 =	vor.u32 v34, v2;
	v17 =	vor.u32 v33, v2;
	v5 =	vor.u32 v0, v5  }
0x320: {  	v18 =	vor.u32 v31, v2;
	v19 =	vor.u32 v30, v2;
	v6 =	vor.u32 v0, v6;
	v33 =	vld.idx.msk [tilespmem:v1+s30+$0x0], $0xffff  }
0x321: {  	v20 =	vor.u32 v29, v2;
	v21 =	vor.u32 v28, v2;
	v7 =	vor.u32 v0, v7;
	v3 =	vld.idx.msk [tilespmem:v3+s0+$0x0], $0xffff  }
0x322: {  	[tilespmem:$0x1FC40] =	vst v24;
	v24 =	vor.u32 v24, v2;
	v28 =	vor.u32 v27, v2;
	v10 =	vor.u32 v0, v10  }
0x323: {  	v47 =	vor.u32 v25, v2;
	v48 =	vor.u32 v23, v2;
	v11 =	vor.u32 v0, v11;
	v4 =	vld.idx.msk [tilespmem:v4+s0+$0x0], $0xffff  }
0x324: {  	v49 =	vor.u32 v22, v2;
	v50 =	vor.u32 v16, v2;
	v12 =	vor.u32 v0, v12;
	v30 =	vld.idx.msk [tilespmem:v5+s0+$0x0], $0xffff  }
0x325: {  	v52 =	vor.u32 v9, v2;
	v55 =	vor.u32 v0, v24;
	v1 =	vor.u32 v32, v2;
	v6 =	vld.idx.msk [tilespmem:v6+s0+$0x0], $0xffff  }
0x326: {  	v5 =	vor.u32 v26, v2;
	v7 =	vld.idx.msk [tilespmem:v7+s0+$0x0], $0xffff;
	v2 =	vmul.f32 v3, v33;
	v3 =	vor.u32 v0, v17  }
0x327: {  	v8 =	vimm.f32 $0.0e+00;
	[tilespmem:$0x1FC00] =	vst v31;
	v14 =	vor.u32 v0, v14;
	v10 =	vld.idx.msk [tilespmem:v10+s0+$0x0], $0xffff  }
0x328: {  	v63 =	vimm.f32 $0.0e+00;
	[tilespmem:$0x1FC20] =	vst v29;
	v13 =	vor.u32 v0, v13;
	v15 =	vor.u32 v0, v15;
	v11 =	vld.idx.msk [tilespmem:v11+s0+$0x0], $0xffff  }
0x329: {  	[tilespmem:$0x1FCB0] =	vst v9;
	v58 =	vor.u32 v0, v28;
	v9 =	vor.u32 v0, v47;
	v28 =	vimm.f32 $0.0e+00;
	v12 =	vld.idx.msk [tilespmem:v12+s0+$0x0], $0xffff  }
0x32a: {  	[tilespmem:$0x1FC50] =	vst v27;
	v1 =	vor.u32 v0, v1;
	v59 =	vld.idx.msk [tilespmem:v55+s0+$0x0], $0xffff;
	v55 =	vimm.f32 $0.0e+00;
	v60 =	vor.u32 v0, v5  }
0x32b: {  	v5 =	vor.u32 v0, v49;
	v17 =	vor.u32 v0, v18;
	v18 =	vor.u32 v0, v19;
	v3 =	vld.idx.msk [tilespmem:v3+s0+$0x0], $0xffff  }
0x32c: {  	v14 =	vld.idx.msk [tilespmem:v14+s0+$0x0], $0xffff;
	v19 =	vor.u32 v0, v20;
	v20 =	vor.u32 v0, v21;
	v21 =	vmul.f32 v4, v33  }
0x32d: {  	[tilespmem:$0x1FC60] =	vst v26;
	v4 =	vor.u32 v0, v50;
	v24 =	vmul.f32 v30, v33;
	v6 =	vmul.f32 v6, v33  }
0x32e: {  	v13 =	vld.idx.msk [tilespmem:v13+s0+$0x0], $0xffff;
	v7 =	vmul.f32 v7, v33;
	v10 =	vmul.f32 v10, v33;
	v2 =	vadd.f32 v2, v8  }
0x32f: {  	v15 =	vld.idx.msk [tilespmem:v15+s0+$0x0], $0xffff;
	v49 =	vadd.f32 v24, v8;
	v46 =	vadd.f32 v6, v8;
	v6 =	vmul.f32 v11, v33  }
0x330: {  	s29 =	simm.s32 $0x1;
	v1 =	vld.idx.msk [tilespmem:v1+s0+$0x0], $0xffff;
	v44 =	vadd.f32 v7, v8;
	v40 =	vadd.f32 v10, v8;
	v3 =	vmul.f32 v3, v33  }
0x331: {  	[tilespmem:$0x1FC70] =	vst v25;
	v7 =	vmul.f32 v12, v33;
	v12 =	vmul.f32 v14, v33;
	v24 =	vadd.s32 s29, v61  }
0x332: {  	v14 =	vimm.f32 $0.0e+00;
	[tilespmem:$0x1FCC0] =	vst v2;
	v2 =	vor.u32 v0, v48;
	v30 =	vadd.f32 v3, v8;
	v3 =	vld.idx.msk [tilespmem:v20+s0+$0x0], $0xffff  }
0x333: {  	v48 =	vadd.f32 v21, v8;
	v34 =	vadd.f32 v6, v8;
	v6 =	vmul.f32 v13, v33;
	v10 =	vld.idx.msk [tilespmem:v17+s0+$0x0], $0xffff  }
0x334: {  	v41 =	vadd.f32 v7, v8;
	v7 =	vmul.f32 v15, v33;
	v35 =	vadd.f32 v12, v8;
	v11 =	vld.idx.msk [tilespmem:v18+s0+$0x0], $0xffff  }
0x335: {  	[tilespmem:$0x1FC80] =	vst v23;
	v0 =	vor.u32 v0, v52;
	v37 =	vadd.f32 v6, v8;
	v6 =	vmul.f32 v1, v33  }
0x336: {  	[tilespmem:$0x1FC90] =	vst v22;
	v15 =	vimm.f32 $0.0e+00;
	v13 =	vimm.f32 $0.0e+00;
	v12 =	vimm.f32 $0.0e+00;
	v1 =	vld.idx.msk [tilespmem:v19+s0+$0x0], $0xffff  }
0x337: {  	v52 =	vimm.f32 $0.0e+00;
	v32 =	vadd.f32 v7, v8;
	v19 =	vld.idx.msk [tilespmem:v58+s0+$0x0], $0xffff;
	[tilespmem:$0x1FCD0] =	vst v3;
	v3 =	vadd.f32 v6, v8  }
0x338: {  	[tilespmem:$0x1FCA0] =	vst v16;
	v7 =	vld.idx.msk [tilespmem:v9+s0+$0x0], $0xffff;
	v58 =	vimm.f32 $0.0e+00;
	v21 =	vmul.f32 v10, v33;
	v10 =	vimm.f32 $0.0e+00  }
0x339: {  	s19 =	simm.s32 $0x2;
	v20 =	vld.idx.msk [tilespmem:v60+s0+$0x0], $0xffff;
	v60 =	vimm.f32 $0.0e+00;
	[tilespmem:$0x1FCE0] =	vst v3;
	v3 =	vmul.f32 v11, v33;
	v11 =	vimm.f32 $0.0e+00  }
.LBB2_13:
0x33a: {  	v26 =	vld.idx.msk [tilespmem:v2+s0+$0x0], $0xffff  }
0x33b: {  	v6 =	vand.u32 $0x7F, v24;
	v8 =	vld [tilespmem:$0x1FB50]  }
0x33c: {  	v2 =	vor.u32 v62, v6;
	v6 =	vld [tilespmem:$0x1FB30];
	_ =	sdelay $0x3  }
0x33d: {  	v25 =	vand.u32 $0x78, v24  }
0x33e: {  	v24 =	vand.u32 $0x7, v24;
	v29 =	vor.u32 v8, v25;
	v8 =	vld [tilespmem:$0x1FC00];
	v6 =	vor.u32 v6, v25  }
0x33f: {  	v31 =	vor.u32 v24, v6;
	v6 =	vld [tilespmem:$0x1FB70];
	_ =	sdelay $0x3  }
0x340: {  	v53 =	vor.u32 v8, v25;
	v8 =	vld [tilespmem:$0x1FC10]  }
0x341: {  	v36 =	vor.u32 v6, v25;
	v6 =	vld [tilespmem:$0x1FB80];
	_ =	sdelay $0x3  }
0x342: {  	v54 =	vor.u32 v8, v25;
	v8 =	vld [tilespmem:$0x1FC20]  }
0x343: {  	v38 =	vor.u32 v6, v25;
	v6 =	vld [tilespmem:$0x1FBA0];
	_ =	sdelay $0x3  }
0x344: {  	v56 =	vor.u32 v8, v25;
	v8 =	vld [tilespmem:$0x1FC30]  }
0x345: {  	v43 =	vor.u32 v6, v25;
	v6 =	vld [tilespmem:$0x1FBB0];
	_ =	sdelay $0x2  }
0x346: {  	v27 =	vld.idx.msk [tilespmem:v5+s0+$0x0], $0xffff  }
0x347: {  	v57 =	vor.u32 v8, v25;
	v8 =	vld [tilespmem:$0x1FC40]  }
0x348: {  	v45 =	vor.u32 v6, v25;
	v6 =	vld [tilespmem:$0x1FBC0]  }
0x349: {  	v5 =	vld [tilespmem:$0x1FB40]  }
0x34a: {  	v4 =	vld.idx.msk [tilespmem:v4+s0+$0x0], $0xffff  }
0x34b: {  	v42 =	vld.idx.msk [tilespmem:v0+s0+$0x0], $0xffff;
	v39 =	vmovc v37;
	v37 =	vmov v7;
	v7 =	vmov v35;
	v35 =	vmov v32  }
0x34c: {  	v32 =	vmovc v30;
	v30 =	vmovc v20;
	v20 =	vmov v19;
	v19 =	vmov v59;
	v59 =	vor.u32 v8, v25;
	v8 =	vld [tilespmem:$0x1FC50]  }
0x34d: {  	v47 =	vor.u32 v6, v25;
	v6 =	vld [tilespmem:$0x1FBD0]  }
0x34e: {  	v0 =	vld [tilespmem:$0x1FB90]  }
0x34f: {  	v9 =	vld [tilespmem:$0x1FC80]  }
0x350: {  	v17 =	vld [tilespmem:$0x1FCA0]  }
0x351: {  	v61 =	vor.u32 v8, v25;
	v8 =	vld [tilespmem:$0x1FC60]  }
0x352: {  	v50 =	vor.u32 v6, v25;
	v6 =	vld [tilespmem:$0x1FBE0]  }
0x353: {  	v16 =	vld [tilespmem:$0x1FC90]  }
0x354: {  	[tilespmem:$0x1FB20] =	vst v4;
	v4 =	vld [tilespmem:$0x1FB60]  }
0x355: {  	v22 =	vor.u32 v17, v25;
	v17 =	vld [tilespmem:$0x1FCB0]  }
0x356: {  	v62 =	vor.u32 v8, v25;
	v8 =	vld [tilespmem:$0x1FC70]  }
0x357: {  	v5 =	vor.u32 v5, v25;
	v51 =	vor.u32 v6, v25;
	v6 =	vld.idx.msk [tilespmem:v2+s30+$0x0], $0xffff  }
0x358: {  	v1 =	vmul.f32 v1, v33;
	v5 =	vor.u32 v24, v5;
	v2 =	vld [tilespmem:$0x1FBF0]  }
0x359: {  	v28 =	vadd.f32 v21, v28;
	v15 =	vadd.f32 v3, v15;
	v3 =	vmul.f32 v20, v33;
	v31 =	vld.idx.msk [tilespmem:v31+s0+$0x0], $0xffff  }
0x35a: {  	v21 =	vld [tilespmem:$0x1FCD0];
	v14 =	vadd.f32 v1, v14;
	v29 =	vor.u32 v24, v29;
	v4 =	vor.u32 v4, v25  }
0x35b: {  	v0 =	vor.u32 v0, v25;
	v9 =	vor.u32 v9, v25;
	v4 =	vor.u32 v24, v4  }
0x35c: {  	v16 =	vor.u32 v16, v25;
	v23 =	vor.u32 v24, v0;
	v43 =	vor.u32 v24, v43  }
0x35d: {  	v8 =	vor.u32 v8, v25;
	v2 =	vor.u32 v2, v25;
	v25 =	vor.u32 v17, v25;
	v17 =	vld.idx.msk [tilespmem:v5+s0+$0x0], $0xffff  }
0x35e: {  	v0 =	vmul.f32 v31, v6;
	v31 =	vor.u32 v24, v51;
	v51 =	vor.u32 v24, v2;
	v2 =	vld [tilespmem:$0x1FCC0]  }
0x35f: {  	v21 =	vmul.f32 v21, v33;
	v29 =	vld.idx.msk [tilespmem:v29+s0+$0x0], $0xffff;
	v36 =	vor.u32 v24, v36;
	v57 =	vor.u32 v24, v57  }
0x360: {  	v18 =	vld.idx.msk [tilespmem:v4+s0+$0x0], $0xffff;
	v4 =	vor.u32 v24, v22;
	v22 =	vmul.f32 v19, v33;
	v19 =	vmul.f32 v30, v33  }
0x361: {  	v30 =	vmovc v32;
	v32 =	vmovc v35;
	v35 =	vmov v7;
	v7 =	vmul.f32 v37, v33;
	v38 =	vor.u32 v24, v38  }
0x362: {  	v53 =	vor.u32 v24, v53;
	v23 =	vld.idx.msk [tilespmem:v23+s0+$0x0], $0xffff;
	v54 =	vor.u32 v24, v54;
	v17 =	vmul.f32 v17, v6  }
0x363: {  	v63 =	vadd.f32 v7, v63;
	v45 =	vor.u32 v24, v45;
	v20 =	vld.idx.msk [tilespmem:v43+s0+$0x0], $0xffff;
	v2 =	vadd.f32 v0, v2  }
0x364: {  	v56 =	vor.u32 v24, v56;
	v7 =	vld.idx.msk [tilespmem:v57+s0+$0x0], $0xffff;
	v50 =	vor.u32 v24, v50;
	v48 =	vadd.f32 v17, v48  }
0x365: {  	v17 =	vmul.f32 v18, v6;
	[tilespmem:$0x1FCC0] =	vst v2;
	v2 =	vor.u32 v24, v9;
	v9 =	vld.idx.msk [tilespmem:v36+s0+$0x0], $0xffff  }
0x366: {  	v59 =	vor.u32 v24, v59;
	v47 =	vor.u32 v24, v47;
	v5 =	vor.u32 v24, v16;
	v16 =	vld.idx.msk [tilespmem:v38+s0+$0x0], $0xffff  }
0x367: {  	v61 =	vor.u32 v24, v61;
	v62 =	vor.u32 v24, v62;
	v46 =	vadd.f32 v17, v46;
	v17 =	vld.idx.msk [tilespmem:v31+s0+$0x0], $0xffff  }
0x368: {  	v8 =	vor.u32 v24, v8;
	v1 =	vmul.f32 v29, v6;
	v0 =	vor.u32 v24, v25;
	v24 =	vld.idx.msk [tilespmem:v45+s0+$0x0], $0xffff  }
0x369: {  	v13 =	vadd.f32 v21, v13;
	v21 =	vmul.f32 v26, v33;
	v26 =	vld [tilespmem:$0x1FB20]  }
0x36a: {  	v49 =	vadd.f32 v1, v49;
	v1 =	vmul.f32 v9, v6;
	v9 =	vld.idx.msk [tilespmem:v50+s0+$0x0], $0xffff  }
0x36b: {  	v11 =	vadd.f32 v3, v11;
	[tilespmem:$0x1FCD0] =	vst v7;
	v16 =	vmul.f32 v16, v6;
	v18 =	vld.idx.msk [tilespmem:v47+s0+$0x0], $0xffff  }
0x36c: {  	v7 =	vmul.f32 v17, v6;
	v44 =	vadd.f32 v1, v44;
	v1 =	vmul.f32 v23, v6;
	v23 =	vld.idx.msk [tilespmem:v51+s0+$0x0], $0xffff  }
0x36d: {  	v40 =	vadd.f32 v16, v40;
	v16 =	vmul.f32 v20, v6;
	v20 =	vld.idx.msk [tilespmem:v53+s0+$0x0], $0xffff;
	v3 =	vmul.f32 v24, v6  }
0x36e: {  	v26 =	vmul.f32 v26, v33;
	v30 =	vadd.f32 v7, v30;
	v7 =	vld [tilespmem:$0x1FCE0]  }
0x36f: {  	v12 =	vadd.f32 v22, v12;
	v22 =	vld.idx.msk [tilespmem:v54+s0+$0x0], $0xffff;
	v37 =	vadd.f32 v3, v39;
	v3 =	vmul.f32 v9, v6  }
0x370: {  	p0 =	sne.s32 s19, $0x7F;
	v60 =	vadd.f32 v21, v60;
	v55 =	vadd.f32 v26, v55;
	v59 =	vld.idx.msk [tilespmem:v59+s0+$0x0], $0xffff;
	v25 =	vmul.f32 v27, v33  }
.Ltmp10:
0x371: {  	v10 =	vadd.f32 v19, v10;
	v19 =	vld.idx.msk [tilespmem:v61+s0+$0x0], $0xffff;
	v32 =	vadd.f32 v3, v32;
	v3 =	vmul.f32 v23, v6;
	(pc) =	sbr.rel @p0 .LBB2_13-.Ltmp10, $4  }
0x372: {  	v27 =	vmul.f32 v42, v33;
	v58 =	vadd.f32 v25, v58;
	v21 =	vmul.f32 v20, v6;
	v20 =	vld.idx.msk [tilespmem:v62+s0+$0x0], $0xffff  }
0x373: {  	v41 =	vadd.f32 v16, v41;
	v16 =	vmul.f32 v18, v6;
	v62 =	vld [tilespmem:$0x1FFE0];
	v7 =	vadd.f32 v3, v7  }
0x374: {  	v61 =	vlaneseq.u32;
	v33 =	vmovc v6;
	v52 =	vadd.f32 v27, v52;
	v34 =	vadd.f32 v1, v34;
	v1 =	vld.idx.msk [tilespmem:v56+s0+$0x0], $0xffff  }
0x375: {  	v24 =	vadd.s32 s19, v61;
	s19 =	sadd.s32 $0x1, s19;
	v35 =	vadd.f32 v16, v35;
	v3 =	vmul.f32 v22, v6;
	[tilespmem:$0x1FCE0] =	vst v7;
	v7 =	vld.idx.msk [tilespmem:v8+s0+$0x0], $0xffff  }
.Ltmp11:
0x376: {  	_ = 	snop;
	(pc) =	sbr.rel .LBB2_14-.Ltmp11, $1  }
0x377: {  	_ =	sdelay $0x3  }
.LBB2_17:
0x378: {  	_ =	sfence.sel $0x180000  }
0x379: {  	[bflag:$0x0] =	sbarrier.arrive $0xFFFF  }
0x37a: {  	_ =	strace $0x90000047  }
0x37b: {  	s0 =	stileid.u32;
	[bflag:$0x2] =	sbarrier.arrive $0xFFFF  }
0x37c: {  	p0 =	sne.s32 s0, $0x0;
	s0 =	rddreg [dreg:$0x4]  }
0x37d: {  	s0 =	sadd.s32 @!p0 $0x100000, s0  }
0x37e: {  	[sflag:s0] =	ssyncadd.tile.s32 @!p0 $0x1;
	_ =	shalt  }
.Lfunc_end2:
_tile_overlayer_lowered:
.L_overlay_start_2:
0x37f: {  	(tag) =	ssettag $0x2  }
0x380: {  	s0 =	rddreg [dreg:$0x0];
	s2 =	stileid.u32  }
0x381: {  	s1 =	rddreg [dreg:$0x1];
	p0 =	sne.s32 s2, $0x0  }
0x382: {  	s3 =	rddreg [dreg:$0x2];
	[bflag:$0x3] =	sbarrier.arrive $0xFFFF;
	s2 =	simm.s32 @!p0 $0x1C04  }
0x383: {  	[timem:s3], [sflag:s2] =	dma.local @!p0 [hbm:s0], s1  }
0x384: {  	s0 =	simm.s32 @!p0 $0x4  }
0x385: {  	_ =	swait.ge @!p0 [sflag:s0], s1  }
0x386: {  	s1 =	ssub.s32 @!p0 $0x0, s1;
	[sflag:s0] =	ssyncset.done @!p0 $0x0  }
0x387: {  	[sflag:s0] =	ssyncadd.s32 @!p0 s1  }
0x388: {  	[bflag:$0x3] =	sbarrier.arrive $0xFFFF  }
0x389: {  	_ =	shalt  }

</sc_bundles>
